<compile_context>
chip_gen: v7x
topology: tpu7x:2x2x1
jax: 0.10.2.dev20260603
libtpu: 0.0.44.dev20260713+nightly
codegen_flags: <defaults>
</compile_context>

<pallas_src>
import functools

import jax
import jax.numpy as jnp
from jax import lax
from jax.experimental import pallas as pl
from jax.experimental.pallas import tpu as pltpu
from jax.experimental.pallas import tpu_sc as plsc

N = 50000
D = 128
K = 7
B = 50
NH = 4

QB = 512
CT = 512
QB2 = 512
NPAD = 50176

SC_NC = 2
SC_NS = 16
SC_NW = SC_NC * SC_NS
SC_CH = 112



def _knn_body(posq_ref, qb_ref, ws_ref, nt_ref, posT_any, brow_any, nb_ref,
              cpos_ref, cbat_ref, bestd_ref, besti_ref, psem, bsem):
    i = pl.program_id(0)
    q = posq_ref[...]
    qn = jnp.sum(q * q, axis=1, keepdims=True)
    qb = qb_ref[...]
    qidx = i * QB + lax.broadcasted_iota(jnp.int32, (QB, 1), 0)
    bestd_ref[...] = jnp.full((QB, 8), jnp.inf, jnp.float32)
    besti_ref[...] = jnp.zeros((QB, 8), jnp.int32)
    ws = ws_ref[i]
    nt = nt_ref[i]
    lane = lax.broadcasted_iota(jnp.int32, (QB, 8), 1)

    def start_copy(t, slot):
        c0 = pl.multiple_of(ws + t * CT, 128)
        pltpu.make_async_copy(posT_any.at[:, pl.ds(c0, CT)],
                              cpos_ref.at[slot], psem.at[slot]).start()
        pltpu.make_async_copy(brow_any.at[:, pl.ds(c0, CT)],
                              cbat_ref.at[slot], bsem.at[slot]).start()

    start_copy(0, 0)

    def body(t, _):
        slot = lax.rem(t, 2)
        nslot = lax.rem(t + 1, 2)

        @pl.when(t + 1 < nt)
        def _():
            start_copy(t + 1, nslot)

        c0 = pl.multiple_of(ws + t * CT, 128)
        pltpu.make_async_copy(posT_any.at[:, pl.ds(c0, CT)],
                              cpos_ref.at[slot], psem.at[slot]).wait()
        pltpu.make_async_copy(brow_any.at[:, pl.ds(c0, CT)],
                              cbat_ref.at[slot], bsem.at[slot]).wait()
        c = cpos_ref[slot]
        cn = jnp.sum(c * c, axis=0, keepdims=True)
        d = qn + cn - 2.0 * jnp.dot(q, c, preferred_element_type=jnp.float32)
        cbat = cbat_ref[slot]
        lane_ct = lax.broadcasted_iota(jnp.int32, (1, CT), 1)
        cidx = c0 + lane_ct
        key = lax.bitcast_convert_type(jnp.maximum(d, 0.0), jnp.int32)
        key = (key & jnp.int32(-CT)) | lane_ct
        valid = (qb == cbat) & (qidx != cidx)
        key = jnp.where(valid, key, jnp.int32(0x7FC00000))

        bd = bestd_ref[...]
        bi = besti_ref[...]
        for _sel in range(K):
            mk = jnp.min(key, axis=1, keepdims=True)
            key = jnp.where(key == mk, jnp.int32(0x7FC00000), key)
            m = lax.bitcast_convert_type(mk & jnp.int32(-CT), jnp.float32)
            midx = c0 + (mk & jnp.int32(CT - 1))
            bd7 = jnp.where(lane < K, bd, -jnp.inf)
            w = jnp.max(bd7, axis=1, keepdims=True)
            fl = jnp.min(jnp.where(bd7 == w, lane, 8), axis=1, keepdims=True)
            sel = (lane == fl) & (m < w)
            bd = jnp.where(sel, m, bd)
            bi = jnp.where(sel, midx, bi)
        bestd_ref[...] = bd
        besti_ref[...] = bi
        return 0

    lax.fori_loop(0, nt, body, 0)
    nb_ref[...] = jnp.where(lane == K, qidx, besti_ref[...])


def _knn(pos4, batch_col, posTw, broww, ws_al, wcnt):
    nq = NPAD // QB
    return pl.pallas_call(
        _knn_body,
        grid=(nq,),
        in_specs=[
            pl.BlockSpec((QB, 4), lambda i: (i, 0)),
            pl.BlockSpec((QB, 1), lambda i: (i, 0)),
            pl.BlockSpec(memory_space=pltpu.SMEM),
            pl.BlockSpec(memory_space=pltpu.SMEM),
            pl.BlockSpec(memory_space=pl.ANY),
            pl.BlockSpec(memory_space=pl.ANY),
        ],
        out_specs=pl.BlockSpec((QB, 8), lambda i: (i, 0)),
        out_shape=jax.ShapeDtypeStruct((NPAD, 8), jnp.int32),
        scratch_shapes=[
            pltpu.VMEM((2, 4, CT), jnp.float32),
            pltpu.VMEM((2, 1, CT), jnp.int32),
            pltpu.VMEM((QB, 8), jnp.float32),
            pltpu.VMEM((QB, 8), jnp.int32),
            pltpu.SemaphoreType.DMA((2,)),
            pltpu.SemaphoreType.DMA((2,)),
        ],
        compiler_params=pltpu.CompilerParams(
            dimension_semantics=("arbitrary",)),
    )(pos4, batch_col, ws_al, wcnt, posTw, broww)



def _proj_body(x_ref, wl_ref, wr_ref, xl_ref, xr_ref):
    xv = x_ref[...]
    xl_ref[...] = jnp.dot(xv, wl_ref[...], preferred_element_type=jnp.float32)
    xr_ref[...] = jnp.dot(xv, wr_ref[...], preferred_element_type=jnp.float32)


def _proj(xin, Wl, Wr):
    nb2 = NPAD // QB2
    din, cl = Wl.shape
    cr = Wr.shape[1]
    return pl.pallas_call(
        _proj_body,
        grid=(nb2,),
        in_specs=[
            pl.BlockSpec((QB2, din), lambda i: (i, 0)),
            pl.BlockSpec((din, cl), lambda i: (0, 0)),
            pl.BlockSpec((din, cr), lambda i: (0, 0)),
        ],
        out_specs=[
            pl.BlockSpec((QB2, cl), lambda i: (i, 0)),
            pl.BlockSpec((QB2, cr), lambda i: (i, 0)),
        ],
        out_shape=[
            jax.ShapeDtypeStruct((NPAD, cl), jnp.float32),
            jax.ShapeDtypeStruct((NPAD, cr), jnp.float32),
        ],
    )(xin, Wl, Wr)



def _gather_rows(table, idx, etotp, c):
    pw = etotp // SC_NW
    nch = pw // SC_CH
    mesh = plsc.VectorSubcoreMesh(core_axis_name="c", subcore_axis_name="s")

    @functools.partial(
        pl.kernel,
        mesh=mesh,
        out_type=jax.ShapeDtypeStruct((etotp, c), jnp.float32),
        scratch_types=[
            pltpu.VMEM((pw,), jnp.int32),
            pltpu.VMEM((2, SC_CH, c), jnp.float32),
            pltpu.SemaphoreType.DMA((2,)),
        ],
    )
    def gat_gather(table_hbm, idx_hbm, out_hbm, idx_v, rows_v, sem):
        wid = lax.axis_index("s") * SC_NC + lax.axis_index("c")
        base = wid * pw
        pltpu.sync_copy(idx_hbm.at[pl.ds(base, pw)], idx_v)

        def start_g(ci, slot):
            off = ci * SC_CH
            pltpu.make_async_copy(table_hbm.at[idx_v.at[pl.ds(off, SC_CH)]],
                                  rows_v.at[slot], sem.at[slot]).start()

        start_g(0, 0)

        def body(ci, _):
            slot = lax.rem(ci, 2)
            off = ci * SC_CH

            @pl.when(ci + 1 < nch)
            def _():
                start_g(ci + 1, lax.rem(ci + 1, 2))

            pltpu.make_async_copy(table_hbm.at[idx_v.at[pl.ds(off, SC_CH)]],
                                  rows_v.at[slot], sem.at[slot]).wait()
            pltpu.sync_copy(rows_v.at[slot],
                            out_hbm.at[pl.ds(base + off, SC_CH)])
            return 0

        lax.fori_loop(0, nch, body, 0)

    return gat_gather(table, idx)



def _attn_body(g_ref, xr_ref, att_ref, bias_ref, h_ref, *, ch):
    c = NH * ch
    xr = xr_ref[...]
    gs = [g_ref[j][:, :c] for j in range(K)]
    att = att_ref[...]
    S = (lax.broadcasted_iota(jnp.int32, (c, NH), 0) // ch
         == lax.broadcasted_iota(jnp.int32, (c, NH), 1)).astype(jnp.float32)
    ST = (lax.broadcasted_iota(jnp.int32, (NH, c), 0)
          == lax.broadcasted_iota(jnp.int32, (NH, c), 1) // ch
          ).astype(jnp.float32)

    a = []
    for j in range(K):
        v = gs[j] + xr
        e = jnp.where(v >= 0, v, 0.2 * v)
        a.append(jnp.dot(e * att, S, preferred_element_type=jnp.float32))
    amax = a[0]
    for j in range(1, K):
        amax = jnp.maximum(amax, a[j])
    ex = [jnp.exp(a[j] - amax) for j in range(K)]
    denom = ex[0]
    for j in range(1, K):
        denom = denom + ex[j]
    out = jnp.zeros((QB2, c), jnp.float32)
    for j in range(K):
        w = ex[j] / (denom + 1e-16)
        wex = jnp.dot(w, ST, preferred_element_type=jnp.float32)
        out = out + gs[j] * wex
    h_ref[...] = jnp.maximum(out + bias_ref[...], 0.0)


def _attn(g, xr, att, bias, ch):
    nb2 = NPAD // QB2
    c = NH * ch
    gc = g.shape[-1]
    return pl.pallas_call(
        functools.partial(_attn_body, ch=ch),
        grid=(nb2,),
        in_specs=[
            pl.BlockSpec((K, QB2, gc), lambda i: (0, i, 0)),
            pl.BlockSpec((QB2, c), lambda i: (i, 0)),
            pl.BlockSpec((1, c), lambda i: (0, 0)),
            pl.BlockSpec((1, c), lambda i: (0, 0)),
        ],
        out_specs=pl.BlockSpec((QB2, c), lambda i: (i, 0)),
        out_shape=jax.ShapeDtypeStruct((NPAD, c), jnp.float32),
    )(g, xr, att, bias)



BPAD = 56


def _pool_body(h_ref, brow_ref, out_ref, acc_ref, cnt_ref):
    i = pl.program_id(0)
    nb2 = pl.num_programs(0)

    @pl.when(i == 0)
    def _():
        acc_ref[...] = jnp.zeros((BPAD, D), jnp.float32)
        cnt_ref[...] = jnp.zeros((BPAD, 1), jnp.float32)

    br = brow_ref[...]
    oh = (lax.broadcasted_iota(jnp.int32, (BPAD, QB2), 0) == br
          ).astype(jnp.float32)
    acc_ref[...] += jnp.dot(oh, h_ref[...], preferred_element_type=jnp.float32)
    cnt_ref[...] += jnp.sum(oh, axis=1, keepdims=True)

    @pl.when(i == nb2 - 1)
    def _():
        out_ref[...] = acc_ref[...] / jnp.maximum(cnt_ref[...], 1.0)


def _pool(h, batch_row):
    nb2 = NPAD // QB2
    return pl.pallas_call(
        _pool_body,
        grid=(nb2,),
        in_specs=[
            pl.BlockSpec((QB2, D), lambda i: (i, 0)),
            pl.BlockSpec((1, QB2), lambda i: (0, i)),
        ],
        out_specs=pl.BlockSpec((BPAD, D), lambda i: (0, 0)),
        out_shape=jax.ShapeDtypeStruct((BPAD, D), jnp.float32),
        scratch_shapes=[
            pltpu.VMEM((BPAD, D), jnp.float32),
            pltpu.VMEM((BPAD, 1), jnp.float32),
        ],
        compiler_params=pltpu.CompilerParams(
            dimension_semantics=("arbitrary",)),
    )(h, batch_row)



def kernel(x, pos, batch, Wl1, Wr1, att1, bias1, Wl2, Wr2, att2, bias2):
    pad = NPAD - N
    pos4 = jnp.pad(pos, ((0, pad), (0, 1)))
    batch_p = jnp.pad(batch, (0, pad), constant_values=-1)
    batch_col = batch_p.reshape(NPAD, 1)
    batch_row = batch_p.reshape(1, NPAD)
    x_p = jnp.pad(x, ((0, pad), (0, 0)))

    nq = NPAD // QB
    starts = jnp.arange(nq) * QB
    qfirst = batch_p[starts]
    qlast = batch_p[jnp.minimum(starts + QB - 1, N - 1)]
    wstart = jnp.searchsorted(batch, qfirst, side="left").astype(jnp.int32)
    wend = jnp.searchsorted(batch, qlast, side="right").astype(jnp.int32)
    ws_al = (wstart // 128) * 128
    wcnt = (wend - ws_al + CT - 1) // CT

    posTw = jnp.pad(pos4.T, ((0, 0), (0, CT)))
    broww = jnp.pad(batch_row, ((0, 0), (0, CT)), constant_values=-1)
    nb = _knn(pos4, batch_col, posTw, broww, ws_al, wcnt)

    etot = K * NPAD
    idx = nb[:, :K].T.reshape(-1)

    Wl1p = jnp.pad(Wl1, ((0, 0), (0, D - 64)))
    xl1, xr1 = _proj(x_p, Wl1p, Wr1)
    g1 = _gather_rows(xl1, idx, etot, 128).reshape(K, NPAD, 128)
    h1 = _attn(g1, xr1, att1.reshape(1, 64), bias1.reshape(1, 64), 16)

    xl2, xr2 = _proj(h1, Wl2, Wr2)
    g2 = _gather_rows(xl2, idx, etot, 128).reshape(K, NPAD, 128)
    h2 = _attn(g2, xr2, att2.reshape(1, 128), bias2.reshape(1, 128), 32)

    pooled = _pool(h2, batch_row)
    return pooled[:B]

# --- scband reference (transcript-rebuilt; emitter-appended) ---
"""Pipeline reference for scband-simple-gat-63539746177578 (READ-ONLY COPY).

The authoritative reference and input builder live on the scoring server;
editing this copy changes nothing except your own understanding.
"""

import jax, jax.numpy as jnp
import numpy as np

N = 50000
D = 128
K = 7
B = 50
CHUNK = 1000


def knn_graph(pos, batch, k):
    n = pos.shape[0]
    idx_all = jnp.arange(n)
    pn = jnp.sum(pos * pos, axis=-1)

    def body(c):
        q = jax.lax.dynamic_slice_in_dim(pos, c * CHUNK, CHUNK, 0)
        qb = jax.lax.dynamic_slice_in_dim(batch, c * CHUNK, CHUNK, 0)
        qn = jax.lax.dynamic_slice_in_dim(pn, c * CHUNK, CHUNK, 0)
        qi = c * CHUNK + jnp.arange(CHUNK)
        d = qn[:, None] + pn[None, :] - 2.0 * (q @ pos.T)
        d = jnp.where(qb[:, None] != batch[None, :], jnp.inf, d)
        d = jnp.where(qi[:, None] == idx_all[None, :], jnp.inf, d)
        _, nb = jax.lax.top_k(-d, k)
        return nb

    nbrs = jax.lax.map(body, jnp.arange(n // CHUNK))
    src = nbrs.reshape(-1)
    dst = jnp.repeat(jnp.arange(n), k)
    return jnp.stack([src, dst])


def gatv2_layer(x, edge_index, Wl, Wr, att, bias, heads, ch):
    n = x.shape[0]
    src, dst = edge_index[0], edge_index[1]
    xl = (x @ Wl).reshape(n, heads, ch)
    xr = (x @ Wr).reshape(n, heads, ch)
    e = jax.nn.leaky_relu(xl[src] + xr[dst], 0.2)
    alpha = jnp.sum(e * att[None, :, :], axis=-1)
    amax = jax.ops.segment_max(alpha, dst, num_segments=n)
    amax = jnp.where(jnp.isfinite(amax), amax, 0.0)
    ex = jnp.exp(alpha - amax[dst])
    denom = jax.ops.segment_sum(ex, dst, num_segments=n)
    w = ex / (denom[dst] + 1e-16)
    msg = xl[src] * w[:, :, None]
    out = jax.ops.segment_sum(msg, dst, num_segments=n)
    return out.reshape(n, heads * ch) + bias


def setup_inputs(seed: int = 0):
    key = jax.random.key(seed)
    ks = jax.random.split(key, 11)
    x = jax.random.normal(ks[0], (N, D), dtype=jnp.float32)
    pos = jax.random.normal(ks[1], (N, 3), dtype=jnp.float32)
    batch = jnp.sort(jax.random.randint(ks[2], (N,), 0, B, dtype=jnp.int32))
    Wl1 = jax.random.normal(ks[3], (D, 64), dtype=jnp.float32) / jnp.sqrt(float(D))
    Wr1 = jax.random.normal(ks[4], (D, 64), dtype=jnp.float32) / jnp.sqrt(float(D))
    att1 = jax.random.normal(ks[5], (4, 16), dtype=jnp.float32) / 4.0
    bias1 = jnp.zeros((64,), dtype=jnp.float32)
    Wl2 = jax.random.normal(ks[6], (64, 128), dtype=jnp.float32) / 8.0
    Wr2 = jax.random.normal(ks[7], (64, 128), dtype=jnp.float32) / 8.0
    att2 = jax.random.normal(ks[8], (4, 32), dtype=jnp.float32) / jnp.sqrt(32.0)
    bias2 = jnp.zeros((128,), dtype=jnp.float32)
    return {"x": x, "pos": pos, "batch": batch, "Wl1": Wl1, "Wr1": Wr1, "att1": att1, "bias1": bias1, "Wl2": Wl2, "Wr2": Wr2, "att2": att2, "bias2": bias2}


def reference(x, pos, batch, Wl1, Wr1, att1, bias1, Wl2, Wr2, att2, bias2):
    edge_index = knn_graph(pos, batch, K)
    h = jax.nn.relu(gatv2_layer(x, edge_index, Wl1, Wr1, att1, bias1, 4, 16))
    h = jax.nn.relu(gatv2_layer(h, edge_index, Wl2, Wr2, att2, bias2, 4, 32))
    ones = jnp.ones((x.shape[0],), dtype=jnp.float32)
    counts = jnp.maximum(jax.ops.segment_sum(ones, batch, num_segments=B), 1.0)
    pooled = jax.ops.segment_sum(h, batch, num_segments=B) / counts[:, None]
    return pooled

if __name__ == "__main__":
    import jax
    _d = setup_inputs()
    print(jax.jit(kernel)(*tuple(_d.values())))

</pallas_src>

<mosaic_0001>
#map = affine_map<(d0, d1) -> (0, 0)>
#map1 = affine_map<(d0, d1) -> (0)>
module attributes {stable_mosaic.version = 14 : i64} {
  func.func @gat_gather(%arg0: i32, %arg1: i32, %arg2: memref<50176x128xf32, #tpu.memory_space<hbm>>, %arg3: memref<351232xi32, #tpu.memory_space<hbm>>, %arg4: memref<351232x128xf32, #tpu.memory_space<hbm>>, %arg5: memref<10976xi32, #tpu.memory_space<vmem>>, %arg6: memref<2x112x128xf32, #tpu.memory_space<vmem>>, %arg7: memref<2x!tpu.dma_semaphore, #tpu.memory_space<semaphore_mem>>) attributes {dimension_semantics = [#tpu.dimension_semantics<core_parallel>, #tpu.dimension_semantics<subcore_parallel>], iteration_bounds = array<i64: 2, 16>, scalar_prefetch = 0 : i64, scratch_operands = 3 : i64, tpu.core_type = #tpu.core_type<sc_vector_subcore>, window_params = [{transform_indices = #map}, {transform_indices = #map1}, {transform_indices = #map}]} {
    %mul3A = arith.constant 2 : i32
    %mul3A_0 = arith.muli %arg1, %mul3A : i32
    %add3A = arith.addi %mul3A_0, %arg0 : i32
    %mul3A_1 = arith.constant 10976 : i32
    %mul3A_2 = arith.muli %add3A, %mul3A_1 : i32
    "tpu.region"() ({
      %run_scoped3A = tpu.sem_alloc : memref<!tpu.dma_semaphore, #tpu.memory_space<semaphore_mem>>
      %dma_start3A_21 = tpu.memref_slice %arg3[%mul3A_2] : memref<351232xi32, #tpu.memory_space<hbm>> -> memref<10976xi32, #tpu.memory_space<hbm>>
      %dma_start3A_22 = tpu.memref_slice %arg3[%mul3A_2] : memref<351232xi32, #tpu.memory_space<hbm>> -> memref<10976xi32, #tpu.memory_space<hbm>>
      tpu.enqueue_dma source(%dma_start3A_22 : memref<10976xi32, #tpu.memory_space<hbm>>) target(%arg5 : memref<10976xi32, #tpu.memory_space<vmem>>) target_semaphore(%run_scoped3A : memref<!tpu.dma_semaphore, #tpu.memory_space<semaphore_mem>>)
      %dma_wait3A = tpu.memref_slice %arg3[%mul3A_2] : memref<351232xi32, #tpu.memory_space<hbm>> -> memref<10976xi32, #tpu.memory_space<hbm>>
      %dma_wait3A_23 = tpu.memref_slice %arg3[%mul3A_2] : memref<351232xi32, #tpu.memory_space<hbm>> -> memref<10976xi32, #tpu.memory_space<hbm>>
      tpu.wait_dma2 semaphore(%run_scoped3A : memref<!tpu.dma_semaphore, #tpu.memory_space<semaphore_mem>>) src(%dma_wait3A_23 : memref<10976xi32, #tpu.memory_space<hbm>>) dst(%arg5 : memref<10976xi32, #tpu.memory_space<vmem>>)
      tpu.yield
    }) : () -> ()
    %dma_start3A = arith.constant 0 : i32
    %dma_start3A_3 = arith.constant 0 : i32
    %dma_start3A_4 = arith.constant 0 : i32
    %dma_start3A_5 = arith.constant 0 : i32
    %dma_start3A_6 = tpu.memref_slice %arg6[%dma_start3A, %dma_start3A_4, %dma_start3A_5] : memref<2x112x128xf32, #tpu.memory_space<vmem>> -> memref<1x112x128xf32, #tpu.memory_space<vmem>>
    %dma_start3A_7 = tpu.memref_squeeze %dma_start3A_6 : memref<1x112x128xf32, #tpu.memory_space<vmem>> -> memref<112x128xf32, #tpu.memory_space<vmem>>
    %dma_start3A_8 = arith.constant 0 : i32
    %dma_start3A_9 = tpu.memref_slice %arg5[%dma_start3A_8] : memref<10976xi32, #tpu.memory_space<vmem>> -> memref<112xi32, #tpu.memory_space<vmem>>
    %dma_start3A_10 = arith.constant 0 : i32
    %dma_start3A_11 = arith.constant 0 : i32
    %dma_start3A_12 = tpu.memref_slice %arg2[%dma_start3A_10, %dma_start3A_11] : memref<50176x128xf32, #tpu.memory_space<hbm>> -> memref<50176x128xf32, #tpu.memory_space<hbm>>
    %dma_start3A_13 = tpu.memref_slice %arg7[%dma_start3A_3] : memref<2x!tpu.dma_semaphore, #tpu.memory_space<semaphore_mem>> -> memref<1x!tpu.dma_semaphore, #tpu.memory_space<semaphore_mem>>
    %dma_start3A_14 = tpu.memref_squeeze %dma_start3A_13 : memref<1x!tpu.dma_semaphore, #tpu.memory_space<semaphore_mem>> -> memref<!tpu.dma_semaphore, #tpu.memory_space<semaphore_mem>>
    tpu.enqueue_indirect_dma source(%dma_start3A_12 : memref<50176x128xf32, #tpu.memory_space<hbm>>) target(%dma_start3A_7 : memref<112x128xf32, #tpu.memory_space<vmem>>) offsets(%dma_start3A_9 : memref<112xi32, #tpu.memory_space<vmem>>) semaphore(%dma_start3A_14 : memref<!tpu.dma_semaphore, #tpu.memory_space<semaphore_mem>>)
    %scan3A = arith.constant 0 : i32
    %scan3A_15 = arith.constant 0 : i32
    %scan3A_16 = arith.constant 98 : i32
    %scan3A_17 = arith.addi %scan3A_15, %scan3A_16 : i32
    %scan3A_18 = arith.constant 1 : i32
    %scan3A_19 = scf.for %scan3A_21 = %scan3A_15 to %scan3A_17 step %scan3A_18 iter_args(%scan3A_22 = %scan3A) -> (i32)  : i32 {
      %rem3A = arith.constant 2 : i32
      %rem3A_23 = arith.remsi %scan3A_21, %rem3A : i32
      %mul3A_24 = arith.constant 112 : i32
      %mul3A_25 = arith.muli %scan3A_21, %mul3A_24 : i32
      %add3A_26 = arith.constant 1 : i32
      %add3A_27 = arith.addi %scan3A_21, %add3A_26 : i32
      %lt3A = arith.constant 98 : i32
      %lt3A_28 = arith.cmpi slt, %add3A_27, %lt3A : i32
      %convert_element_type3A = arith.extui %lt3A_28 : i1 to i32
      %cond3A = arith.constant 0 : i32
      %cond3A_29 = arith.cmpi ne, %convert_element_type3A, %cond3A : i32
      scf.if %cond3A_29 {
        %add3A_41 = arith.constant 1 : i32
        %add3A_42 = arith.addi %scan3A_21, %add3A_41 : i32
        %add3A_43 = arith.constant 1 : i32
        %add3A_44 = arith.addi %scan3A_21, %add3A_43 : i32
        %rem3A_45 = arith.constant 2 : i32
        %rem3A_46 = arith.remsi %add3A_44, %rem3A_45 : i32
        %mul3A_47 = arith.constant 112 : i32
        %mul3A_48 = arith.muli %add3A_42, %mul3A_47 : i32
        %dma_start3A_49 = arith.constant 0 : i32
        %dma_start3A_50 = arith.constant 0 : i32
        %dma_start3A_51 = tpu.memref_slice %arg6[%rem3A_46, %dma_start3A_49, %dma_start3A_50] : memref<2x112x128xf32, #tpu.memory_space<vmem>> -> memref<1x112x128xf32, #tpu.memory_space<vmem>>
        %dma_start3A_52 = tpu.memref_squeeze %dma_start3A_51 : memref<1x112x128xf32, #tpu.memory_space<vmem>> -> memref<112x128xf32, #tpu.memory_space<vmem>>
        %dma_start3A_53 = tpu.memref_slice %arg5[%mul3A_48] : memref<10976xi32, #tpu.memory_space<vmem>> -> memref<112xi32, #tpu.memory_space<vmem>>
        %dma_start3A_54 = arith.constant 0 : i32
        %dma_start3A_55 = arith.constant 0 : i32
        %dma_start3A_56 = tpu.memref_slice %arg2[%dma_start3A_54, %dma_start3A_55] : memref<50176x128xf32, #tpu.memory_space<hbm>> -> memref<50176x128xf32, #tpu.memory_space<hbm>>
        %dma_start3A_57 = tpu.memref_slice %arg7[%rem3A_46] : memref<2x!tpu.dma_semaphore, #tpu.memory_space<semaphore_mem>> -> memref<1x!tpu.dma_semaphore, #tpu.memory_space<semaphore_mem>>
        %dma_start3A_58 = tpu.memref_squeeze %dma_start3A_57 : memref<1x!tpu.dma_semaphore, #tpu.memory_space<semaphore_mem>> -> memref<!tpu.dma_semaphore, #tpu.memory_space<semaphore_mem>>
        tpu.enqueue_indirect_dma source(%dma_start3A_56 : memref<50176x128xf32, #tpu.memory_space<hbm>>) target(%dma_start3A_52 : memref<112x128xf32, #tpu.memory_space<vmem>>) offsets(%dma_start3A_53 : memref<112xi32, #tpu.memory_space<vmem>>) semaphore(%dma_start3A_58 : memref<!tpu.dma_semaphore, #tpu.memory_space<semaphore_mem>>)
      } else {
      }
      %dma_wait3A = arith.constant 0 : i32
      %dma_wait3A_30 = arith.constant 0 : i32
      %dma_wait3A_31 = tpu.memref_slice %arg6[%rem3A_23, %dma_wait3A, %dma_wait3A_30] : memref<2x112x128xf32, #tpu.memory_space<vmem>> -> memref<1x112x128xf32, #tpu.memory_space<vmem>>
      %dma_wait3A_32 = tpu.memref_squeeze %dma_wait3A_31 : memref<1x112x128xf32, #tpu.memory_space<vmem>> -> memref<112x128xf32, #tpu.memory_space<vmem>>
      %dma_wait3A_33 = tpu.memref_slice %arg5[%mul3A_25] : memref<10976xi32, #tpu.memory_space<vmem>> -> memref<112xi32, #tpu.memory_space<vmem>>
      %dma_wait3A_34 = arith.constant 0 : i32
      %dma_wait3A_35 = arith.constant 0 : i32
      %dma_wait3A_36 = tpu.memref_slice %arg2[%dma_wait3A_34, %dma_wait3A_35] : memref<50176x128xf32, #tpu.memory_space<hbm>> -> memref<50176x128xf32, #tpu.memory_space<hbm>>
      %dma_wait3A_37 = tpu.memref_slice %arg7[%rem3A_23] : memref<2x!tpu.dma_semaphore, #tpu.memory_space<semaphore_mem>> -> memref<1x!tpu.dma_semaphore, #tpu.memory_space<semaphore_mem>>
      %dma_wait3A_38 = tpu.memref_squeeze %dma_wait3A_37 : memref<1x!tpu.dma_semaphore, #tpu.memory_space<semaphore_mem>> -> memref<!tpu.dma_semaphore, #tpu.memory_space<semaphore_mem>>
      tpu.wait_indirect_dma semaphore(%dma_wait3A_38 : memref<!tpu.dma_semaphore, #tpu.memory_space<semaphore_mem>>) src(%dma_wait3A_36 : memref<50176x128xf32, #tpu.memory_space<hbm>>) dst(%dma_wait3A_32 : memref<112x128xf32, #tpu.memory_space<vmem>>)
      %add3A_39 = arith.addi %mul3A_2, %mul3A_25 : i32
      "tpu.region"() ({
        %run_scoped3A = tpu.sem_alloc : memref<!tpu.dma_semaphore, #tpu.memory_space<semaphore_mem>>
        %dma_start3A_41 = arith.constant 0 : i32
        %dma_start3A_42 = arith.constant 0 : i32
        %dma_start3A_43 = tpu.memref_slice %arg6[%rem3A_23, %dma_start3A_41, %dma_start3A_42] : memref<2x112x128xf32, #tpu.memory_space<vmem>> -> memref<1x112x128xf32, #tpu.memory_space<vmem>>
        %dma_start3A_44 = tpu.memref_squeeze %dma_start3A_43 : memref<1x112x128xf32, #tpu.memory_space<vmem>> -> memref<112x128xf32, #tpu.memory_space<vmem>>
        %dma_start3A_45 = arith.constant 0 : i32
        %dma_start3A_46 = tpu.memref_slice %arg4[%add3A_39, %dma_start3A_45] : memref<351232x128xf32, #tpu.memory_space<hbm>> -> memref<112x128xf32, #tpu.memory_space<hbm>>
        %dma_start3A_47 = arith.constant 0 : i32
        %dma_start3A_48 = tpu.memref_slice %arg4[%add3A_39, %dma_start3A_47] : memref<351232x128xf32, #tpu.memory_space<hbm>> -> memref<112x128xf32, #tpu.memory_space<hbm>>
        %dma_start3A_49 = arith.constant 0 : i32
        %dma_start3A_50 = arith.constant 0 : i32
        %dma_start3A_51 = tpu.memref_slice %arg6[%rem3A_23, %dma_start3A_49, %dma_start3A_50] : memref<2x112x128xf32, #tpu.memory_space<vmem>> -> memref<1x112x128xf32, #tpu.memory_space<vmem>>
        %dma_start3A_52 = tpu.memref_squeeze %dma_start3A_51 : memref<1x112x128xf32, #tpu.memory_space<vmem>> -> memref<112x128xf32, #tpu.memory_space<vmem>>
        tpu.enqueue_dma source(%dma_start3A_52 : memref<112x128xf32, #tpu.memory_space<vmem>>) target(%dma_start3A_48 : memref<112x128xf32, #tpu.memory_space<hbm>>) target_semaphore(%run_scoped3A : memref<!tpu.dma_semaphore, #tpu.memory_space<semaphore_mem>>)
        %dma_wait3A_53 = arith.constant 0 : i32
        %dma_wait3A_54 = arith.constant 0 : i32
        %dma_wait3A_55 = tpu.memref_slice %arg6[%rem3A_23, %dma_wait3A_53, %dma_wait3A_54] : memref<2x112x128xf32, #tpu.memory_space<vmem>> -> memref<1x112x128xf32, #tpu.memory_space<vmem>>
        %dma_wait3A_56 = tpu.memref_squeeze %dma_wait3A_55 : memref<1x112x128xf32, #tpu.memory_space<vmem>> -> memref<112x128xf32, #tpu.memory_space<vmem>>
        %dma_wait3A_57 = arith.constant 0 : i32
        %dma_wait3A_58 = tpu.memref_slice %arg4[%add3A_39, %dma_wait3A_57] : memref<351232x128xf32, #tpu.memory_space<hbm>> -> memref<112x128xf32, #tpu.memory_space<hbm>>
        %dma_wait3A_59 = arith.constant 0 : i32
        %dma_wait3A_60 = tpu.memref_slice %arg4[%add3A_39, %dma_wait3A_59] : memref<351232x128xf32, #tpu.memory_space<hbm>> -> memref<112x128xf32, #tpu.memory_space<hbm>>
        %dma_wait3A_61 = arith.constant 0 : i32
        %dma_wait3A_62 = arith.constant 0 : i32
        %dma_wait3A_63 = tpu.memref_slice %arg6[%rem3A_23, %dma_wait3A_61, %dma_wait3A_62] : memref<2x112x128xf32, #tpu.memory_space<vmem>> -> memref<1x112x128xf32, #tpu.memory_space<vmem>>
        %dma_wait3A_64 = tpu.memref_squeeze %dma_wait3A_63 : memref<1x112x128xf32, #tpu.memory_space<vmem>> -> memref<112x128xf32, #tpu.memory_space<vmem>>
        tpu.wait_dma2 semaphore(%run_scoped3A : memref<!tpu.dma_semaphore, #tpu.memory_space<semaphore_mem>>) src(%dma_wait3A_64 : memref<112x128xf32, #tpu.memory_space<vmem>>) dst(%dma_wait3A_60 : memref<112x128xf32, #tpu.memory_space<hbm>>)
        tpu.yield
      }) : () -> ()
      %scan3A_40 = arith.constant 0 : i32
      scf.yield %scan3A_40 : i32
    }
    %scan3A_20 = arith.constant 98 : i32
    return
  }
}

#map = affine_map<(d0, d1) -> (0, 0)>
#map1 = affine_map<(d0, d1) -> (0)>
module attributes {stable_mosaic.version = 14 : i64} {
  func.func @gat_gather(%arg0: i32, %arg1: i32, %arg2: memref<50176x128xf32, #tpu.memory_space<hbm>>, %arg3: memref<351232xi32, #tpu.memory_space<hbm>>, %arg4: memref<351232x128xf32, #tpu.memory_space<hbm>>, %arg5: memref<10976xi32, #tpu.memory_space<vmem>>, %arg6: memref<2x112x128xf32, #tpu.memory_space<vmem>>, %arg7: memref<2x!tpu.dma_semaphore, #tpu.memory_space<semaphore_mem>>) attributes {dimension_semantics = [#tpu.dimension_semantics<core_parallel>, #tpu.dimension_semantics<subcore_parallel>], iteration_bounds = array<i64: 2, 16>, scalar_prefetch = 0 : i64, scratch_operands = 3 : i64, tpu.core_type = #tpu.core_type<sc_vector_subcore>, window_params = [{transform_indices = #map}, {transform_indices = #map1}, {transform_indices = #map}]} {
    %mul3A = arith.constant 2 : i32
    %mul3A_0 = arith.muli %arg1, %mul3A : i32
    %add3A = arith.addi %mul3A_0, %arg0 : i32
    %mul3A_1 = arith.constant 10976 : i32
    %mul3A_2 = arith.muli %add3A, %mul3A_1 : i32
    "tpu.region"() ({
      %run_scoped3A = tpu.sem_alloc : memref<!tpu.dma_semaphore, #tpu.memory_space<semaphore_mem>>
      %dma_start3A_21 = tpu.memref_slice %arg3[%mul3A_2] : memref<351232xi32, #tpu.memory_space<hbm>> -> memref<10976xi32, #tpu.memory_space<hbm>>
      %dma_start3A_22 = tpu.memref_slice %arg3[%mul3A_2] : memref<351232xi32, #tpu.memory_space<hbm>> -> memref<10976xi32, #tpu.memory_space<hbm>>
      tpu.enqueue_dma source(%dma_start3A_22 : memref<10976xi32, #tpu.memory_space<hbm>>) target(%arg5 : memref<10976xi32, #tpu.memory_space<vmem>>) target_semaphore(%run_scoped3A : memref<!tpu.dma_semaphore, #tpu.memory_space<semaphore_mem>>)
      %dma_wait3A = tpu.memref_slice %arg3[%mul3A_2] : memref<351232xi32, #tpu.memory_space<hbm>> -> memref<10976xi32, #tpu.memory_space<hbm>>
      %dma_wait3A_23 = tpu.memref_slice %arg3[%mul3A_2] : memref<351232xi32, #tpu.memory_space<hbm>> -> memref<10976xi32, #tpu.memory_space<hbm>>
      tpu.wait_dma2 semaphore(%run_scoped3A : memref<!tpu.dma_semaphore, #tpu.memory_space<semaphore_mem>>) src(%dma_wait3A_23 : memref<10976xi32, #tpu.memory_space<hbm>>) dst(%arg5 : memref<10976xi32, #tpu.memory_space<vmem>>)
      tpu.yield
    }) : () -> ()
    %dma_start3A = arith.constant 0 : i32
    %dma_start3A_3 = arith.constant 0 : i32
    %dma_start3A_4 = arith.constant 0 : i32
    %dma_start3A_5 = arith.constant 0 : i32
    %dma_start3A_6 = tpu.memref_slice %arg6[%dma_start3A, %dma_start3A_4, %dma_start3A_5] : memref<2x112x128xf32, #tpu.memory_space<vmem>> -> memref<1x112x128xf32, #tpu.memory_space<vmem>>
    %dma_start3A_7 = tpu.memref_squeeze %dma_start3A_6 : memref<1x112x128xf32, #tpu.memory_space<vmem>> -> memref<112x128xf32, #tpu.memory_space<vmem>>
    %dma_start3A_8 = arith.constant 0 : i32
    %dma_start3A_9 = tpu.memref_slice %arg5[%dma_start3A_8] : memref<10976xi32, #tpu.memory_space<vmem>> -> memref<112xi32, #tpu.memory_space<vmem>>
    %dma_start3A_10 = arith.constant 0 : i32
    %dma_start3A_11 = arith.constant 0 : i32
    %dma_start3A_12 = tpu.memref_slice %arg2[%dma_start3A_10, %dma_start3A_11] : memref<50176x128xf32, #tpu.memory_space<hbm>> -> memref<50176x128xf32, #tpu.memory_space<hbm>>
    %dma_start3A_13 = tpu.memref_slice %arg7[%dma_start3A_3] : memref<2x!tpu.dma_semaphore, #tpu.memory_space<semaphore_mem>> -> memref<1x!tpu.dma_semaphore, #tpu.memory_space<semaphore_mem>>
    %dma_start3A_14 = tpu.memref_squeeze %dma_start3A_13 : memref<1x!tpu.dma_semaphore, #tpu.memory_space<semaphore_mem>> -> memref<!tpu.dma_semaphore, #tpu.memory_space<semaphore_mem>>
    tpu.enqueue_indirect_dma source(%dma_start3A_12 : memref<50176x128xf32, #tpu.memory_space<hbm>>) target(%dma_start3A_7 : memref<112x128xf32, #tpu.memory_space<vmem>>) offsets(%dma_start3A_9 : memref<112xi32, #tpu.memory_space<vmem>>) semaphore(%dma_start3A_14 : memref<!tpu.dma_semaphore, #tpu.memory_space<semaphore_mem>>)
    %scan3A = arith.constant 0 : i32
    %scan3A_15 = arith.constant 0 : i32
    %scan3A_16 = arith.constant 98 : i32
    %scan3A_17 = arith.addi %scan3A_15, %scan3A_16 : i32
    %scan3A_18 = arith.constant 1 : i32
    %scan3A_19 = scf.for %scan3A_21 = %scan3A_15 to %scan3A_17 step %scan3A_18 iter_args(%scan3A_22 = %scan3A) -> (i32)  : i32 {
      %rem3A = arith.constant 2 : i32
      %rem3A_23 = arith.remsi %scan3A_21, %rem3A : i32
      %mul3A_24 = arith.constant 112 : i32
      %mul3A_25 = arith.muli %scan3A_21, %mul3A_24 : i32
      %add3A_26 = arith.constant 1 : i32
      %add3A_27 = arith.addi %scan3A_21, %add3A_26 : i32
      %lt3A = arith.constant 98 : i32
      %lt3A_28 = arith.cmpi slt, %add3A_27, %lt3A : i32
      %convert_element_type3A = arith.extui %lt3A_28 : i1 to i32
      %cond3A = arith.constant 0 : i32
      %cond3A_29 = arith.cmpi ne, %convert_element_type3A, %cond3A : i32
      scf.if %cond3A_29 {
        %add3A_41 = arith.constant 1 : i32
        %add3A_42 = arith.addi %scan3A_21, %add3A_41 : i32
        %add3A_43 = arith.constant 1 : i32
        %add3A_44 = arith.addi %scan3A_21, %add3A_43 : i32
        %rem3A_45 = arith.constant 2 : i32
        %rem3A_46 = arith.remsi %add3A_44, %rem3A_45 : i32
        %mul3A_47 = arith.constant 112 : i32
        %mul3A_48 = arith.muli %add3A_42, %mul3A_47 : i32
        %dma_start3A_49 = arith.constant 0 : i32
        %dma_start3A_50 = arith.constant 0 : i32
        %dma_start3A_51 = tpu.memref_slice %arg6[%rem3A_46, %dma_start3A_49, %dma_start3A_50] : memref<2x112x128xf32, #tpu.memory_space<vmem>> -> memref<1x112x128xf32, #tpu.memory_space<vmem>>
        %dma_start3A_52 = tpu.memref_squeeze %dma_start3A_51 : memref<1x112x128xf32, #tpu.memory_space<vmem>> -> memref<112x128xf32, #tpu.memory_space<vmem>>
        %dma_start3A_53 = tpu.memref_slice %arg5[%mul3A_48] : memref<10976xi32, #tpu.memory_space<vmem>> -> memref<112xi32, #tpu.memory_space<vmem>>
        %dma_start3A_54 = arith.constant 0 : i32
        %dma_start3A_55 = arith.constant 0 : i32
        %dma_start3A_56 = tpu.memref_slice %arg2[%dma_start3A_54, %dma_start3A_55] : memref<50176x128xf32, #tpu.memory_space<hbm>> -> memref<50176x128xf32, #tpu.memory_space<hbm>>
        %dma_start3A_57 = tpu.memref_slice %arg7[%rem3A_46] : memref<2x!tpu.dma_semaphore, #tpu.memory_space<semaphore_mem>> -> memref<1x!tpu.dma_semaphore, #tpu.memory_space<semaphore_mem>>
        %dma_start3A_58 = tpu.memref_squeeze %dma_start3A_57 : memref<1x!tpu.dma_semaphore, #tpu.memory_space<semaphore_mem>> -> memref<!tpu.dma_semaphore, #tpu.memory_space<semaphore_mem>>
        tpu.enqueue_indirect_dma source(%dma_start3A_56 : memref<50176x128xf32, #tpu.memory_space<hbm>>) target(%dma_start3A_52 : memref<112x128xf32, #tpu.memory_space<vmem>>) offsets(%dma_start3A_53 : memref<112xi32, #tpu.memory_space<vmem>>) semaphore(%dma_start3A_58 : memref<!tpu.dma_semaphore, #tpu.memory_space<semaphore_mem>>)
      } else {
      }
      %dma_wait3A = arith.constant 0 : i32
      %dma_wait3A_30 = arith.constant 0 : i32
      %dma_wait3A_31 = tpu.memref_slice %arg6[%rem3A_23, %dma_wait3A, %dma_wait3A_30] : memref<2x112x128xf32, #tpu.memory_space<vmem>> -> memref<1x112x128xf32, #tpu.memory_space<vmem>>
      %dma_wait3A_32 = tpu.memref_squeeze %dma_wait3A_31 : memref<1x112x128xf32, #tpu.memory_space<vmem>> -> memref<112x128xf32, #tpu.memory_space<vmem>>
      %dma_wait3A_33 = tpu.memref_slice %arg5[%mul3A_25] : memref<10976xi32, #tpu.memory_space<vmem>> -> memref<112xi32, #tpu.memory_space<vmem>>
      %dma_wait3A_34 = arith.constant 0 : i32
      %dma_wait3A_35 = arith.constant 0 : i32
      %dma_wait3A_36 = tpu.memref_slice %arg2[%dma_wait3A_34, %dma_wait3A_35] : memref<50176x128xf32, #tpu.memory_space<hbm>> -> memref<50176x128xf32, #tpu.memory_space<hbm>>
      %dma_wait3A_37 = tpu.memref_slice %arg7[%rem3A_23] : memref<2x!tpu.dma_semaphore, #tpu.memory_space<semaphore_mem>> -> memref<1x!tpu.dma_semaphore, #tpu.memory_space<semaphore_mem>>
      %dma_wait3A_38 = tpu.memref_squeeze %dma_wait3A_37 : memref<1x!tpu.dma_semaphore, #tpu.memory_space<semaphore_mem>> -> memref<!tpu.dma_semaphore, #tpu.memory_space<semaphore_mem>>
      tpu.wait_indirect_dma semaphore(%dma_wait3A_38 : memref<!tpu.dma_semaphore, #tpu.memory_space<semaphore_mem>>) src(%dma_wait3A_36 : memref<50176x128xf32, #tpu.memory_space<hbm>>) dst(%dma_wait3A_32 : memref<112x128xf32, #tpu.memory_space<vmem>>)
      %add3A_39 = arith.addi %mul3A_2, %mul3A_25 : i32
      "tpu.region"() ({
        %run_scoped3A = tpu.sem_alloc : memref<!tpu.dma_semaphore, #tpu.memory_space<semaphore_mem>>
        %dma_start3A_41 = arith.constant 0 : i32
        %dma_start3A_42 = arith.constant 0 : i32
        %dma_start3A_43 = tpu.memref_slice %arg6[%rem3A_23, %dma_start3A_41, %dma_start3A_42] : memref<2x112x128xf32, #tpu.memory_space<vmem>> -> memref<1x112x128xf32, #tpu.memory_space<vmem>>
        %dma_start3A_44 = tpu.memref_squeeze %dma_start3A_43 : memref<1x112x128xf32, #tpu.memory_space<vmem>> -> memref<112x128xf32, #tpu.memory_space<vmem>>
        %dma_start3A_45 = arith.constant 0 : i32
        %dma_start3A_46 = tpu.memref_slice %arg4[%add3A_39, %dma_start3A_45] : memref<351232x128xf32, #tpu.memory_space<hbm>> -> memref<112x128xf32, #tpu.memory_space<hbm>>
        %dma_start3A_47 = arith.constant 0 : i32
        %dma_start3A_48 = tpu.memref_slice %arg4[%add3A_39, %dma_start3A_47] : memref<351232x128xf32, #tpu.memory_space<hbm>> -> memref<112x128xf32, #tpu.memory_space<hbm>>
        %dma_start3A_49 = arith.constant 0 : i32
        %dma_start3A_50 = arith.constant 0 : i32
        %dma_start3A_51 = tpu.memref_slice %arg6[%rem3A_23, %dma_start3A_49, %dma_start3A_50] : memref<2x112x128xf32, #tpu.memory_space<vmem>> -> memref<1x112x128xf32, #tpu.memory_space<vmem>>
        %dma_start3A_52 = tpu.memref_squeeze %dma_start3A_51 : memref<1x112x128xf32, #tpu.memory_space<vmem>> -> memref<112x128xf32, #tpu.memory_space<vmem>>
        tpu.enqueue_dma source(%dma_start3A_52 : memref<112x128xf32, #tpu.memory_space<vmem>>) target(%dma_start3A_48 : memref<112x128xf32, #tpu.memory_space<hbm>>) target_semaphore(%run_scoped3A : memref<!tpu.dma_semaphore, #tpu.memory_space<semaphore_mem>>)
        %dma_wait3A_53 = arith.constant 0 : i32
        %dma_wait3A_54 = arith.constant 0 : i32
        %dma_wait3A_55 = tpu.memref_slice %arg6[%rem3A_23, %dma_wait3A_53, %dma_wait3A_54] : memref<2x112x128xf32, #tpu.memory_space<vmem>> -> memref<1x112x128xf32, #tpu.memory_space<vmem>>
        %dma_wait3A_56 = tpu.memref_squeeze %dma_wait3A_55 : memref<1x112x128xf32, #tpu.memory_space<vmem>> -> memref<112x128xf32, #tpu.memory_space<vmem>>
        %dma_wait3A_57 = arith.constant 0 : i32
        %dma_wait3A_58 = tpu.memref_slice %arg4[%add3A_39, %dma_wait3A_57] : memref<351232x128xf32, #tpu.memory_space<hbm>> -> memref<112x128xf32, #tpu.memory_space<hbm>>
        %dma_wait3A_59 = arith.constant 0 : i32
        %dma_wait3A_60 = tpu.memref_slice %arg4[%add3A_39, %dma_wait3A_59] : memref<351232x128xf32, #tpu.memory_space<hbm>> -> memref<112x128xf32, #tpu.memory_space<hbm>>
        %dma_wait3A_61 = arith.constant 0 : i32
        %dma_wait3A_62 = arith.constant 0 : i32
        %dma_wait3A_63 = tpu.memref_slice %arg6[%rem3A_23, %dma_wait3A_61, %dma_wait3A_62] : memref<2x112x128xf32, #tpu.memory_space<vmem>> -> memref<1x112x128xf32, #tpu.memory_space<vmem>>
        %dma_wait3A_64 = tpu.memref_squeeze %dma_wait3A_63 : memref<1x112x128xf32, #tpu.memory_space<vmem>> -> memref<112x128xf32, #tpu.memory_space<vmem>>
        tpu.wait_dma2 semaphore(%run_scoped3A : memref<!tpu.dma_semaphore, #tpu.memory_space<semaphore_mem>>) src(%dma_wait3A_64 : memref<112x128xf32, #tpu.memory_space<vmem>>) dst(%dma_wait3A_60 : memref<112x128xf32, #tpu.memory_space<hbm>>)
        tpu.yield
      }) : () -> ()
      %scan3A_40 = arith.constant 0 : i32
      scf.yield %scan3A_40 : i32
    }
    %scan3A_20 = arith.constant 98 : i32
    return
  }
}

module attributes {stable_mosaic.version = 14 : i64} {
  func.func @_knn_body(%arg0: i32, %arg1: memref<512x4xf32, #tpu.memory_space<vmem>>, %arg2: memref<512x1xi32, #tpu.memory_space<vmem>>, %arg3: memref<98xi32, #tpu.memory_space<smem>>, %arg4: memref<98xi32, #tpu.memory_space<smem>>, %arg5: memref<4x50688xf32, #tpu.memory_space<any>>, %arg6: memref<1x50688xi32, #tpu.memory_space<any>>, %arg7: memref<512x8xi32, #tpu.memory_space<vmem>>, %arg8: memref<2x4x512xf32, #tpu.memory_space<vmem>>, %arg9: memref<2x1x512xi32, #tpu.memory_space<vmem>>, %arg10: memref<512x8xf32, #tpu.memory_space<vmem>>, %arg11: memref<512x8xi32, #tpu.memory_space<vmem>>, %arg12: memref<2x!tpu.dma_semaphore, #tpu.memory_space<semaphore_mem>>, %arg13: memref<2x!tpu.dma_semaphore, #tpu.memory_space<semaphore_mem>>) attributes {dimension_semantics = [#tpu.dimension_semantics<arbitrary>], iteration_bounds = array<i64: 98>, scalar_prefetch = 0 : i64, scratch_operands = 6 : i64, tpu.core_type = #tpu.core_type<tc>, window_params = [{transform_indices = @transform_0, window_bounds = array<i64: 512, 4>}, {transform_indices = @transform_1, window_bounds = array<i64: 512, 1>}, {transform_indices = @transform_2, window_bounds = array<i64: 98>}, {transform_indices = @transform_3, window_bounds = array<i64: 98>}, {}, {}, {transform_indices = @transform_6, window_bounds = array<i64: 512, 8>}]} {
    %get3A = arith.constant 0 : index
    %get3A_0 = arith.constant 0 : index
    %get3A_1 = vector.load %arg1[%get3A, %get3A_0] : memref<512x4xf32, #tpu.memory_space<vmem>>, vector<512x4xf32>
    %mul3A = arith.mulf %get3A_1, %get3A_1 : vector<512x4xf32>
    %reduce_sum3A = arith.constant dense<0.000000e+00> : vector<512xf32>
    %reduce_sum3A_2 = vector.multi_reduction <add>, %mul3A, %reduce_sum3A [1] : vector<512x4xf32> to vector<512xf32>
    %broadcast_in_dim3A = vector.shape_cast %reduce_sum3A_2 : vector<512xf32> to vector<512x1xf32>
    %get3A_3 = arith.constant 0 : index
    %get3A_4 = arith.constant 0 : index
    %get3A_5 = vector.load %arg2[%get3A_3, %get3A_4] : memref<512x1xi32, #tpu.memory_space<vmem>>, vector<512x1xi32>
    %mul3A_6 = arith.constant 512 : i32
    %mul3A_7 = arith.muli %arg0, %mul3A_6 : i32
    %iota3A = tpu.iota {dimensions = array<i32: 0>} : vector<512x1xi32>
    %add3A = vector.broadcast %mul3A_7 : i32 to vector<512x1xi32>
    %add3A_8 = arith.addi %add3A, %iota3A : vector<512x1xi32>
    %broadcast_in_dim3A_9 = arith.constant 0x7F800000 : f32
    %broadcast_in_dim3A_10 = vector.broadcast %broadcast_in_dim3A_9 : f32 to vector<512x8xf32>
    %swap3A = arith.constant 0 : index
    %swap3A_11 = arith.constant 0 : index
    %swap3A_12 = vector.load %arg10[%swap3A, %swap3A_11] : memref<512x8xf32, #tpu.memory_space<vmem>>, vector<512x8xf32>
    tpu.vector_store %arg10[%swap3A, %swap3A_11], %broadcast_in_dim3A_10 {strides = array<i32>} : memref<512x8xf32, #tpu.memory_space<vmem>>, vector<512x8xf32>,
    %broadcast_in_dim3A_13 = arith.constant 0 : i32
    %broadcast_in_dim3A_14 = vector.broadcast %broadcast_in_dim3A_13 : i32 to vector<512x8xi32>
    %swap3A_15 = arith.constant 0 : index
    %swap3A_16 = arith.constant 0 : index
    %swap3A_17 = vector.load %arg11[%swap3A_15, %swap3A_16] : memref<512x8xi32, #tpu.memory_space<vmem>>, vector<512x8xi32>
    tpu.vector_store %arg11[%swap3A_15, %swap3A_16], %broadcast_in_dim3A_14 {strides = array<i32>} : memref<512x8xi32, #tpu.memory_space<vmem>>, vector<512x8xi32>,
    %get3A_18 = arith.index_cast %arg0 : i32 to index
    %get3A_19 = memref.load %arg3[%get3A_18] : memref<98xi32, #tpu.memory_space<smem>>
    %get3A_20 = arith.index_cast %arg0 : i32 to index
    %get3A_21 = memref.load %arg4[%get3A_20] : memref<98xi32, #tpu.memory_space<smem>>
    %iota3A_22 = tpu.iota {dimensions = array<i32: 1>} : vector<512x8xi32>
    %add3A_23 = arith.constant 0 : i32
    %add3A_24 = arith.addi %get3A_19, %add3A_23 : i32
    %multiple_of3A = tpu.assume_multiple %add3A_24, 128 : i32
    %dma_start3A = arith.constant 0 : i32
    %dma_start3A_25 = arith.constant 0 : i32
    %dma_start3A_26 = tpu.memref_slice %arg12[%dma_start3A_25] : memref<2x!tpu.dma_semaphore, #tpu.memory_space<semaphore_mem>> -> memref<1x!tpu.dma_semaphore, #tpu.memory_space<semaphore_mem>>
    %dma_start3A_27 = tpu.memref_squeeze %dma_start3A_26 : memref<1x!tpu.dma_semaphore, #tpu.memory_space<semaphore_mem>> -> memref<!tpu.dma_semaphore, #tpu.memory_space<semaphore_mem>>
    %dma_start3A_28 = arith.constant 0 : i32
    %dma_start3A_29 = arith.constant 0 : i32
    %dma_start3A_30 = tpu.memref_slice %arg8[%dma_start3A, %dma_start3A_28, %dma_start3A_29] : memref<2x4x512xf32, #tpu.memory_space<vmem>> -> memref<1x4x512xf32, #tpu.memory_space<vmem>>
    %dma_start3A_31 = tpu.memref_squeeze %dma_start3A_30 : memref<1x4x512xf32, #tpu.memory_space<vmem>> -> memref<4x512xf32, #tpu.memory_space<vmem>>
    %dma_start3A_32 = arith.constant 0 : i32
    %dma_start3A_33 = tpu.memref_slice %arg5[%dma_start3A_32, %multiple_of3A] : memref<4x50688xf32, #tpu.memory_space<any>> -> memref<4x512xf32, #tpu.memory_space<any>>
    tpu.enqueue_dma source(%dma_start3A_33 : memref<4x512xf32, #tpu.memory_space<any>>) target(%dma_start3A_31 : memref<4x512xf32, #tpu.memory_space<vmem>>) target_semaphore(%dma_start3A_27 : memref<!tpu.dma_semaphore, #tpu.memory_space<semaphore_mem>>)
    %dma_start3A_34 = arith.constant 0 : i32
    %dma_start3A_35 = arith.constant 0 : i32
    %dma_start3A_36 = tpu.memref_slice %arg13[%dma_start3A_35] : memref<2x!tpu.dma_semaphore, #tpu.memory_space<semaphore_mem>> -> memref<1x!tpu.dma_semaphore, #tpu.memory_space<semaphore_mem>>
    %dma_start3A_37 = tpu.memref_squeeze %dma_start3A_36 : memref<1x!tpu.dma_semaphore, #tpu.memory_space<semaphore_mem>> -> memref<!tpu.dma_semaphore, #tpu.memory_space<semaphore_mem>>
    %dma_start3A_38 = arith.constant 0 : i32
    %dma_start3A_39 = arith.constant 0 : i32
    %dma_start3A_40 = tpu.memref_slice %arg9[%dma_start3A_34, %dma_start3A_38, %dma_start3A_39] : memref<2x1x512xi32, #tpu.memory_space<vmem>> -> memref<1x1x512xi32, #tpu.memory_space<vmem>>
    %dma_start3A_41 = tpu.memref_squeeze %dma_start3A_40 : memref<1x1x512xi32, #tpu.memory_space<vmem>> -> memref<1x512xi32, #tpu.memory_space<vmem>>
    %dma_start3A_42 = arith.constant 0 : i32
    %dma_start3A_43 = tpu.memref_slice %arg6[%dma_start3A_42, %multiple_of3A] : memref<1x50688xi32, #tpu.memory_space<any>> -> memref<1x512xi32, #tpu.memory_space<any>>
    tpu.enqueue_dma source(%dma_start3A_43 : memref<1x512xi32, #tpu.memory_space<any>>) target(%dma_start3A_41 : memref<1x512xi32, #tpu.memory_space<vmem>>) target_semaphore(%dma_start3A_37 : memref<!tpu.dma_semaphore, #tpu.memory_space<semaphore_mem>>)
    %while3A = arith.constant 0 : i32
    %while3A_44 = arith.constant 0 : i32
    %while3A_45 = arith.subi %get3A_21, %while3A : i32
    %while3A_46 = arith.addi %while3A, %while3A_45 : i32
    %while3A_47 = arith.constant 1 : i32
    %while3A_48 = arith.divsi %while3A_45, %while3A_47 : i32
    %while3A_49 = arith.muli %while3A_48, %while3A_47 : i32
    %while3A_50 = arith.addi %while3A, %while3A_49 : i32
    %while3A_51 = arith.constant 1 : i32
    %while3A_52 = scf.for %while3A_65 = %while3A to %while3A_50 step %while3A_51 iter_args(%while3A_66 = %while3A_44) -> (i32)  : i32 {
      %rem3A = arith.constant 2 : i32
      %rem3A_67 = arith.remsi %while3A_65, %rem3A : i32
      %add3A_68 = arith.constant 1 : i32
      %add3A_69 = arith.addi %while3A_65, %add3A_68 : i32
      %rem3A_70 = arith.constant 2 : i32
      %rem3A_71 = arith.remsi %add3A_69, %rem3A_70 : i32
      %add3A_72 = arith.constant 1 : i32
      %add3A_73 = arith.addi %while3A_65, %add3A_72 : i32
      %lt3A = arith.cmpi slt, %add3A_73, %get3A_21 : i32
      %convert_element_type3A = arith.extui %lt3A : i1 to i32
      %cond3A = arith.constant 0 : i32
      %cond3A_74 = arith.cmpi ne, %convert_element_type3A, %cond3A : i32
      scf.if %cond3A_74 {
        %add3A_457 = arith.constant 1 : i32
        %add3A_458 = arith.addi %while3A_65, %add3A_457 : i32
        %mul3A_459 = arith.constant 512 : i32
        %mul3A_460 = arith.muli %add3A_458, %mul3A_459 : i32
        %add3A_461 = arith.addi %get3A_19, %mul3A_460 : i32
        %multiple_of3A_462 = tpu.assume_multiple %add3A_461, 128 : i32
        %dma_start3A_463 = tpu.memref_slice %arg12[%rem3A_71] : memref<2x!tpu.dma_semaphore, #tpu.memory_space<semaphore_mem>> -> memref<1x!tpu.dma_semaphore, #tpu.memory_space<semaphore_mem>>
        %dma_start3A_464 = tpu.memref_squeeze %dma_start3A_463 : memref<1x!tpu.dma_semaphore, #tpu.memory_space<semaphore_mem>> -> memref<!tpu.dma_semaphore, #tpu.memory_space<semaphore_mem>>
        %dma_start3A_465 = arith.constant 0 : i32
        %dma_start3A_466 = arith.constant 0 : i32
        %dma_start3A_467 = tpu.memref_slice %arg8[%rem3A_71, %dma_start3A_465, %dma_start3A_466] : memref<2x4x512xf32, #tpu.memory_space<vmem>> -> memref<1x4x512xf32, #tpu.memory_space<vmem>>
        %dma_start3A_468 = tpu.memref_squeeze %dma_start3A_467 : memref<1x4x512xf32, #tpu.memory_space<vmem>> -> memref<4x512xf32, #tpu.memory_space<vmem>>
        %dma_start3A_469 = arith.constant 0 : i32
        %dma_start3A_470 = tpu.memref_slice %arg5[%dma_start3A_469, %multiple_of3A_462] : memref<4x50688xf32, #tpu.memory_space<any>> -> memref<4x512xf32, #tpu.memory_space<any>>
        tpu.enqueue_dma source(%dma_start3A_470 : memref<4x512xf32, #tpu.memory_space<any>>) target(%dma_start3A_468 : memref<4x512xf32, #tpu.memory_space<vmem>>) target_semaphore(%dma_start3A_464 : memref<!tpu.dma_semaphore, #tpu.memory_space<semaphore_mem>>)
        %dma_start3A_471 = tpu.memref_slice %arg13[%rem3A_71] : memref<2x!tpu.dma_semaphore, #tpu.memory_space<semaphore_mem>> -> memref<1x!tpu.dma_semaphore, #tpu.memory_space<semaphore_mem>>
        %dma_start3A_472 = tpu.memref_squeeze %dma_start3A_471 : memref<1x!tpu.dma_semaphore, #tpu.memory_space<semaphore_mem>> -> memref<!tpu.dma_semaphore, #tpu.memory_space<semaphore_mem>>
        %dma_start3A_473 = arith.constant 0 : i32
        %dma_start3A_474 = arith.constant 0 : i32
        %dma_start3A_475 = tpu.memref_slice %arg9[%rem3A_71, %dma_start3A_473, %dma_start3A_474] : memref<2x1x512xi32, #tpu.memory_space<vmem>> -> memref<1x1x512xi32, #tpu.memory_space<vmem>>
        %dma_start3A_476 = tpu.memref_squeeze %dma_start3A_475 : memref<1x1x512xi32, #tpu.memory_space<vmem>> -> memref<1x512xi32, #tpu.memory_space<vmem>>
        %dma_start3A_477 = arith.constant 0 : i32
        %dma_start3A_478 = tpu.memref_slice %arg6[%dma_start3A_477, %multiple_of3A_462] : memref<1x50688xi32, #tpu.memory_space<any>> -> memref<1x512xi32, #tpu.memory_space<any>>
        tpu.enqueue_dma source(%dma_start3A_478 : memref<1x512xi32, #tpu.memory_space<any>>) target(%dma_start3A_476 : memref<1x512xi32, #tpu.memory_space<vmem>>) target_semaphore(%dma_start3A_472 : memref<!tpu.dma_semaphore, #tpu.memory_space<semaphore_mem>>)
      } else {
      }
      %mul3A_75 = arith.constant 512 : i32
      %mul3A_76 = arith.muli %while3A_65, %mul3A_75 : i32
      %add3A_77 = arith.addi %get3A_19, %mul3A_76 : i32
      %multiple_of3A_78 = tpu.assume_multiple %add3A_77, 128 : i32
      %dma_wait3A = tpu.memref_slice %arg12[%rem3A_67] : memref<2x!tpu.dma_semaphore, #tpu.memory_space<semaphore_mem>> -> memref<1x!tpu.dma_semaphore, #tpu.memory_space<semaphore_mem>>
      %dma_wait3A_79 = tpu.memref_squeeze %dma_wait3A : memref<1x!tpu.dma_semaphore, #tpu.memory_space<semaphore_mem>> -> memref<!tpu.dma_semaphore, #tpu.memory_space<semaphore_mem>>
      %dma_wait3A_80 = arith.constant 0 : i32
      %dma_wait3A_81 = arith.constant 0 : i32
      %dma_wait3A_82 = tpu.memref_slice %arg8[%rem3A_67, %dma_wait3A_80, %dma_wait3A_81] : memref<2x4x512xf32, #tpu.memory_space<vmem>> -> memref<1x4x512xf32, #tpu.memory_space<vmem>>
      %dma_wait3A_83 = tpu.memref_squeeze %dma_wait3A_82 : memref<1x4x512xf32, #tpu.memory_space<vmem>> -> memref<4x512xf32, #tpu.memory_space<vmem>>
      %dma_wait3A_84 = arith.constant 0 : i32
      %dma_wait3A_85 = tpu.memref_slice %arg5[%dma_wait3A_84, %multiple_of3A_78] : memref<4x50688xf32, #tpu.memory_space<any>> -> memref<4x512xf32, #tpu.memory_space<any>>
      tpu.wait_dma2 semaphore(%dma_wait3A_79 : memref<!tpu.dma_semaphore, #tpu.memory_space<semaphore_mem>>) src(%dma_wait3A_85 : memref<4x512xf32, #tpu.memory_space<any>>) dst(%dma_wait3A_83 : memref<4x512xf32, #tpu.memory_space<vmem>>)
      %dma_wait3A_86 = tpu.memref_slice %arg13[%rem3A_67] : memref<2x!tpu.dma_semaphore, #tpu.memory_space<semaphore_mem>> -> memref<1x!tpu.dma_semaphore, #tpu.memory_space<semaphore_mem>>
      %dma_wait3A_87 = tpu.memref_squeeze %dma_wait3A_86 : memref<1x!tpu.dma_semaphore, #tpu.memory_space<semaphore_mem>> -> memref<!tpu.dma_semaphore, #tpu.memory_space<semaphore_mem>>
      %dma_wait3A_88 = arith.constant 0 : i32
      %dma_wait3A_89 = arith.constant 0 : i32
      %dma_wait3A_90 = tpu.memref_slice %arg9[%rem3A_67, %dma_wait3A_88, %dma_wait3A_89] : memref<2x1x512xi32, #tpu.memory_space<vmem>> -> memref<1x1x512xi32, #tpu.memory_space<vmem>>
      %dma_wait3A_91 = tpu.memref_squeeze %dma_wait3A_90 : memref<1x1x512xi32, #tpu.memory_space<vmem>> -> memref<1x512xi32, #tpu.memory_space<vmem>>
      %dma_wait3A_92 = arith.constant 0 : i32
      %dma_wait3A_93 = tpu.memref_slice %arg6[%dma_wait3A_92, %multiple_of3A_78] : memref<1x50688xi32, #tpu.memory_space<any>> -> memref<1x512xi32, #tpu.memory_space<any>>
      tpu.wait_dma2 semaphore(%dma_wait3A_87 : memref<!tpu.dma_semaphore, #tpu.memory_space<semaphore_mem>>) src(%dma_wait3A_93 : memref<1x512xi32, #tpu.memory_space<any>>) dst(%dma_wait3A_91 : memref<1x512xi32, #tpu.memory_space<vmem>>)
      %get3A_94 = arith.index_cast %rem3A_67 : i32 to index
      %get3A_95 = arith.constant 0 : index
      %get3A_96 = arith.constant 0 : index
      %get3A_97 = vector.load %arg8[%get3A_94, %get3A_95, %get3A_96] : memref<2x4x512xf32, #tpu.memory_space<vmem>>, vector<1x4x512xf32>
      %get3A_98 = vector.shape_cast %get3A_97 : vector<1x4x512xf32> to vector<4x512xf32>
      %mul3A_99 = arith.mulf %get3A_98, %get3A_98 : vector<4x512xf32>
      %reduce_sum3A_100 = arith.constant dense<0.000000e+00> : vector<512xf32>
      %reduce_sum3A_101 = vector.multi_reduction <add>, %mul3A_99, %reduce_sum3A_100 [0] : vector<4x512xf32> to vector<512xf32>
      %broadcast_in_dim3A_102 = vector.shape_cast %reduce_sum3A_101 : vector<512xf32> to vector<1x512xf32>
      %add3A_103 = vector.broadcast %broadcast_in_dim3A : vector<512x1xf32> to vector<512x512xf32>
      %add3A_104 = vector.broadcast %broadcast_in_dim3A_102 : vector<1x512xf32> to vector<512x512xf32>
      %add3A_105 = arith.addf %add3A_103, %add3A_104 : vector<512x512xf32>
      %dot_general3A = arith.constant dense<0.000000e+00> : vector<512x512xf32>
      %dot_general3A_106 = tpu.matmul %get3A_1, %get3A_98, %dot_general3A {dimension_numbers = #tpu.dot_dimension_numbers<[1], [0], [0], [1], [0, 0, 1, 1], [], []>, transpose_lhs_hint = false} : vector<512x4xf32>, vector<4x512xf32>, vector<512x512xf32> -> vector<512x512xf32>
      %mul3A_107 = arith.constant 2.000000e+00 : f32
      %mul3A_108 = vector.broadcast %mul3A_107 : f32 to vector<512x512xf32>
      %mul3A_109 = arith.mulf %mul3A_108, %dot_general3A_106 : vector<512x512xf32>
      %sub3A = arith.subf %add3A_105, %mul3A_109 : vector<512x512xf32>
      %get3A_110 = arith.index_cast %rem3A_67 : i32 to index
      %get3A_111 = arith.constant 0 : index
      %get3A_112 = arith.constant 0 : index
      %get3A_113 = vector.load %arg9[%get3A_110, %get3A_111, %get3A_112] : memref<2x1x512xi32, #tpu.memory_space<vmem>>, vector<1x1x512xi32>
      %get3A_114 = vector.shape_cast %get3A_113 : vector<1x1x512xi32> to vector<1x512xi32>
      %iota3A_115 = tpu.iota {dimensions = array<i32: 1>} : vector<1x512xi32>
      %add3A_116 = vector.broadcast %multiple_of3A_78 : i32 to vector<1x512xi32>
      %add3A_117 = arith.addi %add3A_116, %iota3A_115 : vector<1x512xi32>
      %max3A = arith.constant 0.000000e+00 : f32
      %max3A_118 = vector.broadcast %max3A : f32 to vector<512x512xf32>
      %max3A_119 = arith.maximumf %sub3A, %max3A_118 : vector<512x512xf32>
      %bitcast_convert_type3A = tpu.bitcast %max3A_119 : vector<512x512xf32> -> vector<512x512xi32>
      %and3A = arith.constant -512 : i32
      %and3A_120 = vector.broadcast %and3A : i32 to vector<512x512xi32>
      %and3A_121 = arith.andi %bitcast_convert_type3A, %and3A_120 : vector<512x512xi32>
      %or3A = vector.broadcast %iota3A_115 : vector<1x512xi32> to vector<512x512xi32>
      %or3A_122 = arith.ori %and3A_121, %or3A : vector<512x512xi32>
      %eq3A_123 = vector.broadcast %get3A_5 : vector<512x1xi32> to vector<512x512xi32>
      %eq3A_124 = vector.broadcast %get3A_114 : vector<1x512xi32> to vector<512x512xi32>
      %eq3A_125 = arith.cmpi eq, %eq3A_123, %eq3A_124 : vector<512x512xi32>
      %ne3A = vector.broadcast %add3A_8 : vector<512x1xi32> to vector<512x512xi32>
      %ne3A_126 = vector.broadcast %add3A_117 : vector<1x512xi32> to vector<512x512xi32>
      %ne3A_127 = arith.cmpi ne, %ne3A, %ne3A_126 : vector<512x512xi32>
      %and3A_128 = arith.andi %eq3A_125, %ne3A_127 : vector<512x512xi1>
      %jit3A = arith.constant 2143289344 : i32
      %broadcast_in_dim3A_129 = vector.broadcast %jit3A : i32 to vector<512x512xi32>
      %select_n3A_130 = arith.select %and3A_128, %or3A_122, %broadcast_in_dim3A_129 : vector<512x512xi1>, vector<512x512xi32>
      %get3A_131 = arith.constant 0 : index
      %get3A_132 = arith.constant 0 : index
      %get3A_133 = vector.load %arg10[%get3A_131, %get3A_132] : memref<512x8xf32, #tpu.memory_space<vmem>>, vector<512x8xf32>
      %get3A_134 = arith.constant 0 : index
      %get3A_135 = arith.constant 0 : index
      %get3A_136 = vector.load %arg11[%get3A_134, %get3A_135] : memref<512x8xi32, #tpu.memory_space<vmem>>, vector<512x8xi32>
      %reduce_min3A = arith.constant dense<2147483647> : vector<512xi32>
      %reduce_min3A_137 = vector.multi_reduction <minsi>, %select_n3A_130, %reduce_min3A [1] : vector<512x512xi32> to vector<512xi32>
      %broadcast_in_dim3A_138 = vector.shape_cast %reduce_min3A_137 : vector<512xi32> to vector<512x1xi32>
      %eq3A_139 = vector.broadcast %broadcast_in_dim3A_138 : vector<512x1xi32> to vector<512x512xi32>
      %eq3A_140 = arith.cmpi eq, %select_n3A_130, %eq3A_139 : vector<512x512xi32>
      %jit3A_141 = arith.constant 2143289344 : i32
      %broadcast_in_dim3A_142 = vector.broadcast %jit3A_141 : i32 to vector<512x512xi32>
      %select_n3A_143 = arith.select %eq3A_140, %broadcast_in_dim3A_142, %select_n3A_130 : vector<512x512xi1>, vector<512x512xi32>
      %and3A_144 = arith.constant -512 : i32
      %and3A_145 = vector.broadcast %and3A_144 : i32 to vector<512x1xi32>
      %and3A_146 = arith.andi %broadcast_in_dim3A_138, %and3A_145 : vector<512x1xi32>
      %bitcast_convert_type3A_147 = tpu.bitcast %and3A_146 : vector<512x1xi32> -> vector<512x1xf32>
      %and3A_148 = arith.constant 511 : i32
      %and3A_149 = vector.broadcast %and3A_148 : i32 to vector<512x1xi32>
      %and3A_150 = arith.andi %broadcast_in_dim3A_138, %and3A_149 : vector<512x1xi32>
      %add3A_151 = vector.broadcast %multiple_of3A_78 : i32 to vector<512x1xi32>
      %add3A_152 = arith.addi %add3A_151, %and3A_150 : vector<512x1xi32>
      %lt3A_153 = arith.constant 7 : i32
      %lt3A_154 = vector.broadcast %lt3A_153 : i32 to vector<512x8xi32>
      %lt3A_155 = arith.cmpi slt, %iota3A_22, %lt3A_154 : vector<512x8xi32>
      %jit3A_156 = arith.constant 0xFF800000 : f32
      %broadcast_in_dim3A_157 = vector.broadcast %jit3A_156 : f32 to vector<512x8xf32>
      %select_n3A_158 = arith.select %lt3A_155, %get3A_133, %broadcast_in_dim3A_157 : vector<512x8xi1>, vector<512x8xf32>
      %reduce_max3A = arith.constant dense<0xFF800000> : vector<512xf32>
      %reduce_max3A_159 = vector.multi_reduction <maximumf>, %select_n3A_158, %reduce_max3A [1] : vector<512x8xf32> to vector<512xf32>
      %broadcast_in_dim3A_160 = vector.shape_cast %reduce_max3A_159 : vector<512xf32> to vector<512x1xf32>
      %eq3A_161 = vector.broadcast %broadcast_in_dim3A_160 : vector<512x1xf32> to vector<512x8xf32>
      %eq3A_162 = arith.cmpf oeq, %select_n3A_158, %eq3A_161 : vector<512x8xf32>
      %jit3A_163 = arith.constant 8 : i32
      %broadcast_in_dim3A_164 = vector.broadcast %jit3A_163 : i32 to vector<512x8xi32>
      %select_n3A_165 = arith.select %eq3A_162, %iota3A_22, %broadcast_in_dim3A_164 : vector<512x8xi1>, vector<512x8xi32>
      %reduce_min3A_166 = arith.constant dense<2147483647> : vector<512xi32>
      %reduce_min3A_167 = vector.multi_reduction <minsi>, %select_n3A_165, %reduce_min3A_166 [1] : vector<512x8xi32> to vector<512xi32>
      %broadcast_in_dim3A_168 = vector.shape_cast %reduce_min3A_167 : vector<512xi32> to vector<512x1xi32>
      %eq3A_169 = vector.broadcast %broadcast_in_dim3A_168 : vector<512x1xi32> to vector<512x8xi32>
      %eq3A_170 = arith.cmpi eq, %iota3A_22, %eq3A_169 : vector<512x8xi32>
      %lt3A_171 = arith.cmpf olt, %bitcast_convert_type3A_147, %broadcast_in_dim3A_160 : vector<512x1xf32>
      %and3A_172 = vector.broadcast %lt3A_171 : vector<512x1xi1> to vector<512x8xi1>
      %and3A_173 = arith.andi %eq3A_170, %and3A_172 : vector<512x8xi1>
      %broadcast_in_dim3A_174 = vector.shape_cast %bitcast_convert_type3A_147 : vector<512x1xf32> to vector<512x1xf32>
      %broadcast_in_dim3A_175 = vector.broadcast %broadcast_in_dim3A_174 : vector<512x1xf32> to vector<512x8xf32>
      %select_n3A_176 = arith.select %and3A_173, %broadcast_in_dim3A_175, %get3A_133 : vector<512x8xi1>, vector<512x8xf32>
      %broadcast_in_dim3A_177 = vector.shape_cast %add3A_152 : vector<512x1xi32> to vector<512x1xi32>
      %broadcast_in_dim3A_178 = vector.broadcast %broadcast_in_dim3A_177 : vector<512x1xi32> to vector<512x8xi32>
      %select_n3A_179 = arith.select %and3A_173, %broadcast_in_dim3A_178, %get3A_136 : vector<512x8xi1>, vector<512x8xi32>
      %reduce_min3A_180 = arith.constant dense<2147483647> : vector<512xi32>
      %reduce_min3A_181 = vector.multi_reduction <minsi>, %select_n3A_143, %reduce_min3A_180 [1] : vector<512x512xi32> to vector<512xi32>
      %broadcast_in_dim3A_182 = vector.shape_cast %reduce_min3A_181 : vector<512xi32> to vector<512x1xi32>
      %eq3A_183 = vector.broadcast %broadcast_in_dim3A_182 : vector<512x1xi32> to vector<512x512xi32>
      %eq3A_184 = arith.cmpi eq, %select_n3A_143, %eq3A_183 : vector<512x512xi32>
      %jit3A_185 = arith.constant 2143289344 : i32
      %broadcast_in_dim3A_186 = vector.broadcast %jit3A_185 : i32 to vector<512x512xi32>
      %select_n3A_187 = arith.select %eq3A_184, %broadcast_in_dim3A_186, %select_n3A_143 : vector<512x512xi1>, vector<512x512xi32>
      %and3A_188 = arith.constant -512 : i32
      %and3A_189 = vector.broadcast %and3A_188 : i32 to vector<512x1xi32>
      %and3A_190 = arith.andi %broadcast_in_dim3A_182, %and3A_189 : vector<512x1xi32>
      %bitcast_convert_type3A_191 = tpu.bitcast %and3A_190 : vector<512x1xi32> -> vector<512x1xf32>
      %and3A_192 = arith.constant 511 : i32
      %and3A_193 = vector.broadcast %and3A_192 : i32 to vector<512x1xi32>
      %and3A_194 = arith.andi %broadcast_in_dim3A_182, %and3A_193 : vector<512x1xi32>
      %add3A_195 = vector.broadcast %multiple_of3A_78 : i32 to vector<512x1xi32>
      %add3A_196 = arith.addi %add3A_195, %and3A_194 : vector<512x1xi32>
      %lt3A_197 = arith.constant 7 : i32
      %lt3A_198 = vector.broadcast %lt3A_197 : i32 to vector<512x8xi32>
      %lt3A_199 = arith.cmpi slt, %iota3A_22, %lt3A_198 : vector<512x8xi32>
      %jit3A_200 = arith.constant 0xFF800000 : f32
      %broadcast_in_dim3A_201 = vector.broadcast %jit3A_200 : f32 to vector<512x8xf32>
      %select_n3A_202 = arith.select %lt3A_199, %select_n3A_176, %broadcast_in_dim3A_201 : vector<512x8xi1>, vector<512x8xf32>
      %reduce_max3A_203 = arith.constant dense<0xFF800000> : vector<512xf32>
      %reduce_max3A_204 = vector.multi_reduction <maximumf>, %select_n3A_202, %reduce_max3A_203 [1] : vector<512x8xf32> to vector<512xf32>
      %broadcast_in_dim3A_205 = vector.shape_cast %reduce_max3A_204 : vector<512xf32> to vector<512x1xf32>
      %eq3A_206 = vector.broadcast %broadcast_in_dim3A_205 : vector<512x1xf32> to vector<512x8xf32>
      %eq3A_207 = arith.cmpf oeq, %select_n3A_202, %eq3A_206 : vector<512x8xf32>
      %jit3A_208 = arith.constant 8 : i32
      %broadcast_in_dim3A_209 = vector.broadcast %jit3A_208 : i32 to vector<512x8xi32>
      %select_n3A_210 = arith.select %eq3A_207, %iota3A_22, %broadcast_in_dim3A_209 : vector<512x8xi1>, vector<512x8xi32>
      %reduce_min3A_211 = arith.constant dense<2147483647> : vector<512xi32>
      %reduce_min3A_212 = vector.multi_reduction <minsi>, %select_n3A_210, %reduce_min3A_211 [1] : vector<512x8xi32> to vector<512xi32>
      %broadcast_in_dim3A_213 = vector.shape_cast %reduce_min3A_212 : vector<512xi32> to vector<512x1xi32>
      %eq3A_214 = vector.broadcast %broadcast_in_dim3A_213 : vector<512x1xi32> to vector<512x8xi32>
      %eq3A_215 = arith.cmpi eq, %iota3A_22, %eq3A_214 : vector<512x8xi32>
      %lt3A_216 = arith.cmpf olt, %bitcast_convert_type3A_191, %broadcast_in_dim3A_205 : vector<512x1xf32>
      %and3A_217 = vector.broadcast %lt3A_216 : vector<512x1xi1> to vector<512x8xi1>
      %and3A_218 = arith.andi %eq3A_215, %and3A_217 : vector<512x8xi1>
      %broadcast_in_dim3A_219 = vector.shape_cast %bitcast_convert_type3A_191 : vector<512x1xf32> to vector<512x1xf32>
      %broadcast_in_dim3A_220 = vector.broadcast %broadcast_in_dim3A_219 : vector<512x1xf32> to vector<512x8xf32>
      %select_n3A_221 = arith.select %and3A_218, %broadcast_in_dim3A_220, %select_n3A_176 : vector<512x8xi1>, vector<512x8xf32>
      %broadcast_in_dim3A_222 = vector.shape_cast %add3A_196 : vector<512x1xi32> to vector<512x1xi32>
      %broadcast_in_dim3A_223 = vector.broadcast %broadcast_in_dim3A_222 : vector<512x1xi32> to vector<512x8xi32>
      %select_n3A_224 = arith.select %and3A_218, %broadcast_in_dim3A_223, %select_n3A_179 : vector<512x8xi1>, vector<512x8xi32>
      %reduce_min3A_225 = arith.constant dense<2147483647> : vector<512xi32>
      %reduce_min3A_226 = vector.multi_reduction <minsi>, %select_n3A_187, %reduce_min3A_225 [1] : vector<512x512xi32> to vector<512xi32>
      %broadcast_in_dim3A_227 = vector.shape_cast %reduce_min3A_226 : vector<512xi32> to vector<512x1xi32>
      %eq3A_228 = vector.broadcast %broadcast_in_dim3A_227 : vector<512x1xi32> to vector<512x512xi32>
      %eq3A_229 = arith.cmpi eq, %select_n3A_187, %eq3A_228 : vector<512x512xi32>
      %jit3A_230 = arith.constant 2143289344 : i32
      %broadcast_in_dim3A_231 = vector.broadcast %jit3A_230 : i32 to vector<512x512xi32>
      %select_n3A_232 = arith.select %eq3A_229, %broadcast_in_dim3A_231, %select_n3A_187 : vector<512x512xi1>, vector<512x512xi32>
      %and3A_233 = arith.constant -512 : i32
      %and3A_234 = vector.broadcast %and3A_233 : i32 to vector<512x1xi32>
      %and3A_235 = arith.andi %broadcast_in_dim3A_227, %and3A_234 : vector<512x1xi32>
      %bitcast_convert_type3A_236 = tpu.bitcast %and3A_235 : vector<512x1xi32> -> vector<512x1xf32>
      %and3A_237 = arith.constant 511 : i32
      %and3A_238 = vector.broadcast %and3A_237 : i32 to vector<512x1xi32>
      %and3A_239 = arith.andi %broadcast_in_dim3A_227, %and3A_238 : vector<512x1xi32>
      %add3A_240 = vector.broadcast %multiple_of3A_78 : i32 to vector<512x1xi32>
      %add3A_241 = arith.addi %add3A_240, %and3A_239 : vector<512x1xi32>
      %lt3A_242 = arith.constant 7 : i32
      %lt3A_243 = vector.broadcast %lt3A_242 : i32 to vector<512x8xi32>
      %lt3A_244 = arith.cmpi slt, %iota3A_22, %lt3A_243 : vector<512x8xi32>
      %jit3A_245 = arith.constant 0xFF800000 : f32
      %broadcast_in_dim3A_246 = vector.broadcast %jit3A_245 : f32 to vector<512x8xf32>
      %select_n3A_247 = arith.select %lt3A_244, %select_n3A_221, %broadcast_in_dim3A_246 : vector<512x8xi1>, vector<512x8xf32>
      %reduce_max3A_248 = arith.constant dense<0xFF800000> : vector<512xf32>
      %reduce_max3A_249 = vector.multi_reduction <maximumf>, %select_n3A_247, %reduce_max3A_248 [1] : vector<512x8xf32> to vector<512xf32>
      %broadcast_in_dim3A_250 = vector.shape_cast %reduce_max3A_249 : vector<512xf32> to vector<512x1xf32>
      %eq3A_251 = vector.broadcast %broadcast_in_dim3A_250 : vector<512x1xf32> to vector<512x8xf32>
      %eq3A_252 = arith.cmpf oeq, %select_n3A_247, %eq3A_251 : vector<512x8xf32>
      %jit3A_253 = arith.constant 8 : i32
      %broadcast_in_dim3A_254 = vector.broadcast %jit3A_253 : i32 to vector<512x8xi32>
      %select_n3A_255 = arith.select %eq3A_252, %iota3A_22, %broadcast_in_dim3A_254 : vector<512x8xi1>, vector<512x8xi32>
      %reduce_min3A_256 = arith.constant dense<2147483647> : vector<512xi32>
      %reduce_min3A_257 = vector.multi_reduction <minsi>, %select_n3A_255, %reduce_min3A_256 [1] : vector<512x8xi32> to vector<512xi32>
      %broadcast_in_dim3A_258 = vector.shape_cast %reduce_min3A_257 : vector<512xi32> to vector<512x1xi32>
      %eq3A_259 = vector.broadcast %broadcast_in_dim3A_258 : vector<512x1xi32> to vector<512x8xi32>
      %eq3A_260 = arith.cmpi eq, %iota3A_22, %eq3A_259 : vector<512x8xi32>
      %lt3A_261 = arith.cmpf olt, %bitcast_convert_type3A_236, %broadcast_in_dim3A_250 : vector<512x1xf32>
      %and3A_262 = vector.broadcast %lt3A_261 : vector<512x1xi1> to vector<512x8xi1>
      %and3A_263 = arith.andi %eq3A_260, %and3A_262 : vector<512x8xi1>
      %broadcast_in_dim3A_264 = vector.shape_cast %bitcast_convert_type3A_236 : vector<512x1xf32> to vector<512x1xf32>
      %broadcast_in_dim3A_265 = vector.broadcast %broadcast_in_dim3A_264 : vector<512x1xf32> to vector<512x8xf32>
      %select_n3A_266 = arith.select %and3A_263, %broadcast_in_dim3A_265, %select_n3A_221 : vector<512x8xi1>, vector<512x8xf32>
      %broadcast_in_dim3A_267 = vector.shape_cast %add3A_241 : vector<512x1xi32> to vector<512x1xi32>
      %broadcast_in_dim3A_268 = vector.broadcast %broadcast_in_dim3A_267 : vector<512x1xi32> to vector<512x8xi32>
      %select_n3A_269 = arith.select %and3A_263, %broadcast_in_dim3A_268, %select_n3A_224 : vector<512x8xi1>, vector<512x8xi32>
      %reduce_min3A_270 = arith.constant dense<2147483647> : vector<512xi32>
      %reduce_min3A_271 = vector.multi_reduction <minsi>, %select_n3A_232, %reduce_min3A_270 [1] : vector<512x512xi32> to vector<512xi32>
      %broadcast_in_dim3A_272 = vector.shape_cast %reduce_min3A_271 : vector<512xi32> to vector<512x1xi32>
      %eq3A_273 = vector.broadcast %broadcast_in_dim3A_272 : vector<512x1xi32> to vector<512x512xi32>
      %eq3A_274 = arith.cmpi eq, %select_n3A_232, %eq3A_273 : vector<512x512xi32>
      %jit3A_275 = arith.constant 2143289344 : i32
      %broadcast_in_dim3A_276 = vector.broadcast %jit3A_275 : i32 to vector<512x512xi32>
      %select_n3A_277 = arith.select %eq3A_274, %broadcast_in_dim3A_276, %select_n3A_232 : vector<512x512xi1>, vector<512x512xi32>
      %and3A_278 = arith.constant -512 : i32
      %and3A_279 = vector.broadcast %and3A_278 : i32 to vector<512x1xi32>
      %and3A_280 = arith.andi %broadcast_in_dim3A_272, %and3A_279 : vector<512x1xi32>
      %bitcast_convert_type3A_281 = tpu.bitcast %and3A_280 : vector<512x1xi32> -> vector<512x1xf32>
      %and3A_282 = arith.constant 511 : i32
      %and3A_283 = vector.broadcast %and3A_282 : i32 to vector<512x1xi32>
      %and3A_284 = arith.andi %broadcast_in_dim3A_272, %and3A_283 : vector<512x1xi32>
      %add3A_285 = vector.broadcast %multiple_of3A_78 : i32 to vector<512x1xi32>
      %add3A_286 = arith.addi %add3A_285, %and3A_284 : vector<512x1xi32>
      %lt3A_287 = arith.constant 7 : i32
      %lt3A_288 = vector.broadcast %lt3A_287 : i32 to vector<512x8xi32>
      %lt3A_289 = arith.cmpi slt, %iota3A_22, %lt3A_288 : vector<512x8xi32>
      %jit3A_290 = arith.constant 0xFF800000 : f32
      %broadcast_in_dim3A_291 = vector.broadcast %jit3A_290 : f32 to vector<512x8xf32>
      %select_n3A_292 = arith.select %lt3A_289, %select_n3A_266, %broadcast_in_dim3A_291 : vector<512x8xi1>, vector<512x8xf32>
      %reduce_max3A_293 = arith.constant dense<0xFF800000> : vector<512xf32>
      %reduce_max3A_294 = vector.multi_reduction <maximumf>, %select_n3A_292, %reduce_max3A_293 [1] : vector<512x8xf32> to vector<512xf32>
      %broadcast_in_dim3A_295 = vector.shape_cast %reduce_max3A_294 : vector<512xf32> to vector<512x1xf32>
      %eq3A_296 = vector.broadcast %broadcast_in_dim3A_295 : vector<512x1xf32> to vector<512x8xf32>
      %eq3A_297 = arith.cmpf oeq, %select_n3A_292, %eq3A_296 : vector<512x8xf32>
      %jit3A_298 = arith.constant 8 : i32
      %broadcast_in_dim3A_299 = vector.broadcast %jit3A_298 : i32 to vector<512x8xi32>
      %select_n3A_300 = arith.select %eq3A_297, %iota3A_22, %broadcast_in_dim3A_299 : vector<512x8xi1>, vector<512x8xi32>
      %reduce_min3A_301 = arith.constant dense<2147483647> : vector<512xi32>
      %reduce_min3A_302 = vector.multi_reduction <minsi>, %select_n3A_300, %reduce_min3A_301 [1] : vector<512x8xi32> to vector<512xi32>
      %broadcast_in_dim3A_303 = vector.shape_cast %reduce_min3A_302 : vector<512xi32> to vector<512x1xi32>
      %eq3A_304 = vector.broadcast %broadcast_in_dim3A_303 : vector<512x1xi32> to vector<512x8xi32>
      %eq3A_305 = arith.cmpi eq, %iota3A_22, %eq3A_304 : vector<512x8xi32>
      %lt3A_306 = arith.cmpf olt, %bitcast_convert_type3A_281, %broadcast_in_dim3A_295 : vector<512x1xf32>
      %and3A_307 = vector.broadcast %lt3A_306 : vector<512x1xi1> to vector<512x8xi1>
      %and3A_308 = arith.andi %eq3A_305, %and3A_307 : vector<512x8xi1>
      %broadcast_in_dim3A_309 = vector.shape_cast %bitcast_convert_type3A_281 : vector<512x1xf32> to vector<512x1xf32>
      %broadcast_in_dim3A_310 = vector.broadcast %broadcast_in_dim3A_309 : vector<512x1xf32> to vector<512x8xf32>
      %select_n3A_311 = arith.select %and3A_308, %broadcast_in_dim3A_310, %select_n3A_266 : vector<512x8xi1>, vector<512x8xf32>
      %broadcast_in_dim3A_312 = vector.shape_cast %add3A_286 : vector<512x1xi32> to vector<512x1xi32>
      %broadcast_in_dim3A_313 = vector.broadcast %broadcast_in_dim3A_312 : vector<512x1xi32> to vector<512x8xi32>
      %select_n3A_314 = arith.select %and3A_308, %broadcast_in_dim3A_313, %select_n3A_269 : vector<512x8xi1>, vector<512x8xi32>
      %reduce_min3A_315 = arith.constant dense<2147483647> : vector<512xi32>
      %reduce_min3A_316 = vector.multi_reduction <minsi>, %select_n3A_277, %reduce_min3A_315 [1] : vector<512x512xi32> to vector<512xi32>
      %broadcast_in_dim3A_317 = vector.shape_cast %reduce_min3A_316 : vector<512xi32> to vector<512x1xi32>
      %eq3A_318 = vector.broadcast %broadcast_in_dim3A_317 : vector<512x1xi32> to vector<512x512xi32>
      %eq3A_319 = arith.cmpi eq, %select_n3A_277, %eq3A_318 : vector<512x512xi32>
      %jit3A_320 = arith.constant 2143289344 : i32
      %broadcast_in_dim3A_321 = vector.broadcast %jit3A_320 : i32 to vector<512x512xi32>
      %select_n3A_322 = arith.select %eq3A_319, %broadcast_in_dim3A_321, %select_n3A_277 : vector<512x512xi1>, vector<512x512xi32>
      %and3A_323 = arith.constant -512 : i32
      %and3A_324 = vector.broadcast %and3A_323 : i32 to vector<512x1xi32>
      %and3A_325 = arith.andi %broadcast_in_dim3A_317, %and3A_324 : vector<512x1xi32>
      %bitcast_convert_type3A_326 = tpu.bitcast %and3A_325 : vector<512x1xi32> -> vector<512x1xf32>
      %and3A_327 = arith.constant 511 : i32
      %and3A_328 = vector.broadcast %and3A_327 : i32 to vector<512x1xi32>
      %and3A_329 = arith.andi %broadcast_in_dim3A_317, %and3A_328 : vector<512x1xi32>
      %add3A_330 = vector.broadcast %multiple_of3A_78 : i32 to vector<512x1xi32>
      %add3A_331 = arith.addi %add3A_330, %and3A_329 : vector<512x1xi32>
      %lt3A_332 = arith.constant 7 : i32
      %lt3A_333 = vector.broadcast %lt3A_332 : i32 to vector<512x8xi32>
      %lt3A_334 = arith.cmpi slt, %iota3A_22, %lt3A_333 : vector<512x8xi32>
      %jit3A_335 = arith.constant 0xFF800000 : f32
      %broadcast_in_dim3A_336 = vector.broadcast %jit3A_335 : f32 to vector<512x8xf32>
      %select_n3A_337 = arith.select %lt3A_334, %select_n3A_311, %broadcast_in_dim3A_336 : vector<512x8xi1>, vector<512x8xf32>
      %reduce_max3A_338 = arith.constant dense<0xFF800000> : vector<512xf32>
      %reduce_max3A_339 = vector.multi_reduction <maximumf>, %select_n3A_337, %reduce_max3A_338 [1] : vector<512x8xf32> to vector<512xf32>
      %broadcast_in_dim3A_340 = vector.shape_cast %reduce_max3A_339 : vector<512xf32> to vector<512x1xf32>
      %eq3A_341 = vector.broadcast %broadcast_in_dim3A_340 : vector<512x1xf32> to vector<512x8xf32>
      %eq3A_342 = arith.cmpf oeq, %select_n3A_337, %eq3A_341 : vector<512x8xf32>
      %jit3A_343 = arith.constant 8 : i32
      %broadcast_in_dim3A_344 = vector.broadcast %jit3A_343 : i32 to vector<512x8xi32>
      %select_n3A_345 = arith.select %eq3A_342, %iota3A_22, %broadcast_in_dim3A_344 : vector<512x8xi1>, vector<512x8xi32>
      %reduce_min3A_346 = arith.constant dense<2147483647> : vector<512xi32>
      %reduce_min3A_347 = vector.multi_reduction <minsi>, %select_n3A_345, %reduce_min3A_346 [1] : vector<512x8xi32> to vector<512xi32>
      %broadcast_in_dim3A_348 = vector.shape_cast %reduce_min3A_347 : vector<512xi32> to vector<512x1xi32>
      %eq3A_349 = vector.broadcast %broadcast_in_dim3A_348 : vector<512x1xi32> to vector<512x8xi32>
      %eq3A_350 = arith.cmpi eq, %iota3A_22, %eq3A_349 : vector<512x8xi32>
      %lt3A_351 = arith.cmpf olt, %bitcast_convert_type3A_326, %broadcast_in_dim3A_340 : vector<512x1xf32>
      %and3A_352 = vector.broadcast %lt3A_351 : vector<512x1xi1> to vector<512x8xi1>
      %and3A_353 = arith.andi %eq3A_350, %and3A_352 : vector<512x8xi1>
      %broadcast_in_dim3A_354 = vector.shape_cast %bitcast_convert_type3A_326 : vector<512x1xf32> to vector<512x1xf32>
      %broadcast_in_dim3A_355 = vector.broadcast %broadcast_in_dim3A_354 : vector<512x1xf32> to vector<512x8xf32>
      %select_n3A_356 = arith.select %and3A_353, %broadcast_in_dim3A_355, %select_n3A_311 : vector<512x8xi1>, vector<512x8xf32>
      %broadcast_in_dim3A_357 = vector.shape_cast %add3A_331 : vector<512x1xi32> to vector<512x1xi32>
      %broadcast_in_dim3A_358 = vector.broadcast %broadcast_in_dim3A_357 : vector<512x1xi32> to vector<512x8xi32>
      %select_n3A_359 = arith.select %and3A_353, %broadcast_in_dim3A_358, %select_n3A_314 : vector<512x8xi1>, vector<512x8xi32>
      %reduce_min3A_360 = arith.constant dense<2147483647> : vector<512xi32>
      %reduce_min3A_361 = vector.multi_reduction <minsi>, %select_n3A_322, %reduce_min3A_360 [1] : vector<512x512xi32> to vector<512xi32>
      %broadcast_in_dim3A_362 = vector.shape_cast %reduce_min3A_361 : vector<512xi32> to vector<512x1xi32>
      %eq3A_363 = vector.broadcast %broadcast_in_dim3A_362 : vector<512x1xi32> to vector<512x512xi32>
      %eq3A_364 = arith.cmpi eq, %select_n3A_322, %eq3A_363 : vector<512x512xi32>
      %jit3A_365 = arith.constant 2143289344 : i32
      %broadcast_in_dim3A_366 = vector.broadcast %jit3A_365 : i32 to vector<512x512xi32>
      %select_n3A_367 = arith.select %eq3A_364, %broadcast_in_dim3A_366, %select_n3A_322 : vector<512x512xi1>, vector<512x512xi32>
      %and3A_368 = arith.constant -512 : i32
      %and3A_369 = vector.broadcast %and3A_368 : i32 to vector<512x1xi32>
      %and3A_370 = arith.andi %broadcast_in_dim3A_362, %and3A_369 : vector<512x1xi32>
      %bitcast_convert_type3A_371 = tpu.bitcast %and3A_370 : vector<512x1xi32> -> vector<512x1xf32>
      %and3A_372 = arith.constant 511 : i32
      %and3A_373 = vector.broadcast %and3A_372 : i32 to vector<512x1xi32>
      %and3A_374 = arith.andi %broadcast_in_dim3A_362, %and3A_373 : vector<512x1xi32>
      %add3A_375 = vector.broadcast %multiple_of3A_78 : i32 to vector<512x1xi32>
      %add3A_376 = arith.addi %add3A_375, %and3A_374 : vector<512x1xi32>
      %lt3A_377 = arith.constant 7 : i32
      %lt3A_378 = vector.broadcast %lt3A_377 : i32 to vector<512x8xi32>
      %lt3A_379 = arith.cmpi slt, %iota3A_22, %lt3A_378 : vector<512x8xi32>
      %jit3A_380 = arith.constant 0xFF800000 : f32
      %broadcast_in_dim3A_381 = vector.broadcast %jit3A_380 : f32 to vector<512x8xf32>
      %select_n3A_382 = arith.select %lt3A_379, %select_n3A_356, %broadcast_in_dim3A_381 : vector<512x8xi1>, vector<512x8xf32>
      %reduce_max3A_383 = arith.constant dense<0xFF800000> : vector<512xf32>
      %reduce_max3A_384 = vector.multi_reduction <maximumf>, %select_n3A_382, %reduce_max3A_383 [1] : vector<512x8xf32> to vector<512xf32>
      %broadcast_in_dim3A_385 = vector.shape_cast %reduce_max3A_384 : vector<512xf32> to vector<512x1xf32>
      %eq3A_386 = vector.broadcast %broadcast_in_dim3A_385 : vector<512x1xf32> to vector<512x8xf32>
      %eq3A_387 = arith.cmpf oeq, %select_n3A_382, %eq3A_386 : vector<512x8xf32>
      %jit3A_388 = arith.constant 8 : i32
      %broadcast_in_dim3A_389 = vector.broadcast %jit3A_388 : i32 to vector<512x8xi32>
      %select_n3A_390 = arith.select %eq3A_387, %iota3A_22, %broadcast_in_dim3A_389 : vector<512x8xi1>, vector<512x8xi32>
      %reduce_min3A_391 = arith.constant dense<2147483647> : vector<512xi32>
      %reduce_min3A_392 = vector.multi_reduction <minsi>, %select_n3A_390, %reduce_min3A_391 [1] : vector<512x8xi32> to vector<512xi32>
      %broadcast_in_dim3A_393 = vector.shape_cast %reduce_min3A_392 : vector<512xi32> to vector<512x1xi32>
      %eq3A_394 = vector.broadcast %broadcast_in_dim3A_393 : vector<512x1xi32> to vector<512x8xi32>
      %eq3A_395 = arith.cmpi eq, %iota3A_22, %eq3A_394 : vector<512x8xi32>
      %lt3A_396 = arith.cmpf olt, %bitcast_convert_type3A_371, %broadcast_in_dim3A_385 : vector<512x1xf32>
      %and3A_397 = vector.broadcast %lt3A_396 : vector<512x1xi1> to vector<512x8xi1>
      %and3A_398 = arith.andi %eq3A_395, %and3A_397 : vector<512x8xi1>
      %broadcast_in_dim3A_399 = vector.shape_cast %bitcast_convert_type3A_371 : vector<512x1xf32> to vector<512x1xf32>
      %broadcast_in_dim3A_400 = vector.broadcast %broadcast_in_dim3A_399 : vector<512x1xf32> to vector<512x8xf32>
      %select_n3A_401 = arith.select %and3A_398, %broadcast_in_dim3A_400, %select_n3A_356 : vector<512x8xi1>, vector<512x8xf32>
      %broadcast_in_dim3A_402 = vector.shape_cast %add3A_376 : vector<512x1xi32> to vector<512x1xi32>
      %broadcast_in_dim3A_403 = vector.broadcast %broadcast_in_dim3A_402 : vector<512x1xi32> to vector<512x8xi32>
      %select_n3A_404 = arith.select %and3A_398, %broadcast_in_dim3A_403, %select_n3A_359 : vector<512x8xi1>, vector<512x8xi32>
      %reduce_min3A_405 = arith.constant dense<2147483647> : vector<512xi32>
      %reduce_min3A_406 = vector.multi_reduction <minsi>, %select_n3A_367, %reduce_min3A_405 [1] : vector<512x512xi32> to vector<512xi32>
      %broadcast_in_dim3A_407 = vector.shape_cast %reduce_min3A_406 : vector<512xi32> to vector<512x1xi32>
      %eq3A_408 = vector.broadcast %broadcast_in_dim3A_407 : vector<512x1xi32> to vector<512x512xi32>
      %eq3A_409 = arith.cmpi eq, %select_n3A_367, %eq3A_408 : vector<512x512xi32>
      %jit3A_410 = arith.constant 2143289344 : i32
      %broadcast_in_dim3A_411 = vector.broadcast %jit3A_410 : i32 to vector<512x512xi32>
      %select_n3A_412 = arith.select %eq3A_409, %broadcast_in_dim3A_411, %select_n3A_367 : vector<512x512xi1>, vector<512x512xi32>
      %and3A_413 = arith.constant -512 : i32
      %and3A_414 = vector.broadcast %and3A_413 : i32 to vector<512x1xi32>
      %and3A_415 = arith.andi %broadcast_in_dim3A_407, %and3A_414 : vector<512x1xi32>
      %bitcast_convert_type3A_416 = tpu.bitcast %and3A_415 : vector<512x1xi32> -> vector<512x1xf32>
      %and3A_417 = arith.constant 511 : i32
      %and3A_418 = vector.broadcast %and3A_417 : i32 to vector<512x1xi32>
      %and3A_419 = arith.andi %broadcast_in_dim3A_407, %and3A_418 : vector<512x1xi32>
      %add3A_420 = vector.broadcast %multiple_of3A_78 : i32 to vector<512x1xi32>
      %add3A_421 = arith.addi %add3A_420, %and3A_419 : vector<512x1xi32>
      %lt3A_422 = arith.constant 7 : i32
      %lt3A_423 = vector.broadcast %lt3A_422 : i32 to vector<512x8xi32>
      %lt3A_424 = arith.cmpi slt, %iota3A_22, %lt3A_423 : vector<512x8xi32>
      %jit3A_425 = arith.constant 0xFF800000 : f32
      %broadcast_in_dim3A_426 = vector.broadcast %jit3A_425 : f32 to vector<512x8xf32>
      %select_n3A_427 = arith.select %lt3A_424, %select_n3A_401, %broadcast_in_dim3A_426 : vector<512x8xi1>, vector<512x8xf32>
      %reduce_max3A_428 = arith.constant dense<0xFF800000> : vector<512xf32>
      %reduce_max3A_429 = vector.multi_reduction <maximumf>, %select_n3A_427, %reduce_max3A_428 [1] : vector<512x8xf32> to vector<512xf32>
      %broadcast_in_dim3A_430 = vector.shape_cast %reduce_max3A_429 : vector<512xf32> to vector<512x1xf32>
      %eq3A_431 = vector.broadcast %broadcast_in_dim3A_430 : vector<512x1xf32> to vector<512x8xf32>
      %eq3A_432 = arith.cmpf oeq, %select_n3A_427, %eq3A_431 : vector<512x8xf32>
      %jit3A_433 = arith.constant 8 : i32
      %broadcast_in_dim3A_434 = vector.broadcast %jit3A_433 : i32 to vector<512x8xi32>
      %select_n3A_435 = arith.select %eq3A_432, %iota3A_22, %broadcast_in_dim3A_434 : vector<512x8xi1>, vector<512x8xi32>
      %reduce_min3A_436 = arith.constant dense<2147483647> : vector<512xi32>
      %reduce_min3A_437 = vector.multi_reduction <minsi>, %select_n3A_435, %reduce_min3A_436 [1] : vector<512x8xi32> to vector<512xi32>
      %broadcast_in_dim3A_438 = vector.shape_cast %reduce_min3A_437 : vector<512xi32> to vector<512x1xi32>
      %eq3A_439 = vector.broadcast %broadcast_in_dim3A_438 : vector<512x1xi32> to vector<512x8xi32>
      %eq3A_440 = arith.cmpi eq, %iota3A_22, %eq3A_439 : vector<512x8xi32>
      %lt3A_441 = arith.cmpf olt, %bitcast_convert_type3A_416, %broadcast_in_dim3A_430 : vector<512x1xf32>
      %and3A_442 = vector.broadcast %lt3A_441 : vector<512x1xi1> to vector<512x8xi1>
      %and3A_443 = arith.andi %eq3A_440, %and3A_442 : vector<512x8xi1>
      %broadcast_in_dim3A_444 = vector.shape_cast %bitcast_convert_type3A_416 : vector<512x1xf32> to vector<512x1xf32>
      %broadcast_in_dim3A_445 = vector.broadcast %broadcast_in_dim3A_444 : vector<512x1xf32> to vector<512x8xf32>
      %select_n3A_446 = arith.select %and3A_443, %broadcast_in_dim3A_445, %select_n3A_401 : vector<512x8xi1>, vector<512x8xf32>
      %broadcast_in_dim3A_447 = vector.shape_cast %add3A_421 : vector<512x1xi32> to vector<512x1xi32>
      %broadcast_in_dim3A_448 = vector.broadcast %broadcast_in_dim3A_447 : vector<512x1xi32> to vector<512x8xi32>
      %select_n3A_449 = arith.select %and3A_443, %broadcast_in_dim3A_448, %select_n3A_404 : vector<512x8xi1>, vector<512x8xi32>
      %swap3A_450 = arith.constant 0 : index
      %swap3A_451 = arith.constant 0 : index
      %swap3A_452 = vector.load %arg10[%swap3A_450, %swap3A_451] : memref<512x8xf32, #tpu.memory_space<vmem>>, vector<512x8xf32>
      tpu.vector_store %arg10[%swap3A_450, %swap3A_451], %select_n3A_446 {strides = array<i32>} : memref<512x8xf32, #tpu.memory_space<vmem>>, vector<512x8xf32>,
      %swap3A_453 = arith.constant 0 : index
      %swap3A_454 = arith.constant 0 : index
      %swap3A_455 = vector.load %arg11[%swap3A_453, %swap3A_454] : memref<512x8xi32, #tpu.memory_space<vmem>>, vector<512x8xi32>
      tpu.vector_store %arg11[%swap3A_453, %swap3A_454], %select_n3A_449 {strides = array<i32>} : memref<512x8xi32, #tpu.memory_space<vmem>>, vector<512x8xi32>,
      %while3A_456 = arith.constant 0 : i32
      scf.yield %while3A_456 : i32
    }
    %while3A_53 = arith.constant 1 : i32
    %while3A_54 = scf.for %while3A_65 = %while3A_50 to %while3A_46 step %while3A_53 iter_args(%while3A_66 = %while3A_52) -> (i32)  : i32 {
      %rem3A = arith.constant 2 : i32
      %rem3A_67 = arith.remsi %while3A_65, %rem3A : i32
      %add3A_68 = arith.constant 1 : i32
      %add3A_69 = arith.addi %while3A_65, %add3A_68 : i32
      %rem3A_70 = arith.constant 2 : i32
      %rem3A_71 = arith.remsi %add3A_69, %rem3A_70 : i32
      %add3A_72 = arith.constant 1 : i32
      %add3A_73 = arith.addi %while3A_65, %add3A_72 : i32
      %lt3A = arith.cmpi slt, %add3A_73, %get3A_21 : i32
      %convert_element_type3A = arith.extui %lt3A : i1 to i32
      %cond3A = arith.constant 0 : i32
      %cond3A_74 = arith.cmpi ne, %convert_element_type3A, %cond3A : i32
      scf.if %cond3A_74 {
        %add3A_457 = arith.constant 1 : i32
        %add3A_458 = arith.addi %while3A_65, %add3A_457 : i32
        %mul3A_459 = arith.constant 512 : i32
        %mul3A_460 = arith.muli %add3A_458, %mul3A_459 : i32
        %add3A_461 = arith.addi %get3A_19, %mul3A_460 : i32
        %multiple_of3A_462 = tpu.assume_multiple %add3A_461, 128 : i32
        %dma_start3A_463 = tpu.memref_slice %arg12[%rem3A_71] : memref<2x!tpu.dma_semaphore, #tpu.memory_space<semaphore_mem>> -> memref<1x!tpu.dma_semaphore, #tpu.memory_space<semaphore_mem>>
        %dma_start3A_464 = tpu.memref_squeeze %dma_start3A_463 : memref<1x!tpu.dma_semaphore, #tpu.memory_space<semaphore_mem>> -> memref<!tpu.dma_semaphore, #tpu.memory_space<semaphore_mem>>
        %dma_start3A_465 = arith.constant 0 : i32
        %dma_start3A_466 = arith.constant 0 : i32
        %dma_start3A_467 = tpu.memref_slice %arg8[%rem3A_71, %dma_start3A_465, %dma_start3A_466] : memref<2x4x512xf32, #tpu.memory_space<vmem>> -> memref<1x4x512xf32, #tpu.memory_space<vmem>>
        %dma_start3A_468 = tpu.memref_squeeze %dma_start3A_467 : memref<1x4x512xf32, #tpu.memory_space<vmem>> -> memref<4x512xf32, #tpu.memory_space<vmem>>
        %dma_start3A_469 = arith.constant 0 : i32
        %dma_start3A_470 = tpu.memref_slice %arg5[%dma_start3A_469, %multiple_of3A_462] : memref<4x50688xf32, #tpu.memory_space<any>> -> memref<4x512xf32, #tpu.memory_space<any>>
        tpu.enqueue_dma source(%dma_start3A_470 : memref<4x512xf32, #tpu.memory_space<any>>) target(%dma_start3A_468 : memref<4x512xf32, #tpu.memory_space<vmem>>) target_semaphore(%dma_start3A_464 : memref<!tpu.dma_semaphore, #tpu.memory_space<semaphore_mem>>)
        %dma_start3A_471 = tpu.memref_slice %arg13[%rem3A_71] : memref<2x!tpu.dma_semaphore, #tpu.memory_space<semaphore_mem>> -> memref<1x!tpu.dma_semaphore, #tpu.memory_space<semaphore_mem>>
        %dma_start3A_472 = tpu.memref_squeeze %dma_start3A_471 : memref<1x!tpu.dma_semaphore, #tpu.memory_space<semaphore_mem>> -> memref<!tpu.dma_semaphore, #tpu.memory_space<semaphore_mem>>
        %dma_start3A_473 = arith.constant 0 : i32
        %dma_start3A_474 = arith.constant 0 : i32
        %dma_start3A_475 = tpu.memref_slice %arg9[%rem3A_71, %dma_start3A_473, %dma_start3A_474] : memref<2x1x512xi32, #tpu.memory_space<vmem>> -> memref<1x1x512xi32, #tpu.memory_space<vmem>>
        %dma_start3A_476 = tpu.memref_squeeze %dma_start3A_475 : memref<1x1x512xi32, #tpu.memory_space<vmem>> -> memref<1x512xi32, #tpu.memory_space<vmem>>
        %dma_start3A_477 = arith.constant 0 : i32
        %dma_start3A_478 = tpu.memref_slice %arg6[%dma_start3A_477, %multiple_of3A_462] : memref<1x50688xi32, #tpu.memory_space<any>> -> memref<1x512xi32, #tpu.memory_space<any>>
        tpu.enqueue_dma source(%dma_start3A_478 : memref<1x512xi32, #tpu.memory_space<any>>) target(%dma_start3A_476 : memref<1x512xi32, #tpu.memory_space<vmem>>) target_semaphore(%dma_start3A_472 : memref<!tpu.dma_semaphore, #tpu.memory_space<semaphore_mem>>)
      } else {
      }
      %mul3A_75 = arith.constant 512 : i32
      %mul3A_76 = arith.muli %while3A_65, %mul3A_75 : i32
      %add3A_77 = arith.addi %get3A_19, %mul3A_76 : i32
      %multiple_of3A_78 = tpu.assume_multiple %add3A_77, 128 : i32
      %dma_wait3A = tpu.memref_slice %arg12[%rem3A_67] : memref<2x!tpu.dma_semaphore, #tpu.memory_space<semaphore_mem>> -> memref<1x!tpu.dma_semaphore, #tpu.memory_space<semaphore_mem>>
      %dma_wait3A_79 = tpu.memref_squeeze %dma_wait3A : memref<1x!tpu.dma_semaphore, #tpu.memory_space<semaphore_mem>> -> memref<!tpu.dma_semaphore, #tpu.memory_space<semaphore_mem>>
      %dma_wait3A_80 = arith.constant 0 : i32
      %dma_wait3A_81 = arith.constant 0 : i32
      %dma_wait3A_82 = tpu.memref_slice %arg8[%rem3A_67, %dma_wait3A_80, %dma_wait3A_81] : memref<2x4x512xf32, #tpu.memory_space<vmem>> -> memref<1x4x512xf32, #tpu.memory_space<vmem>>
      %dma_wait3A_83 = tpu.memref_squeeze %dma_wait3A_82 : memref<1x4x512xf32, #tpu.memory_space<vmem>> -> memref<4x512xf32, #tpu.memory_space<vmem>>
      %dma_wait3A_84 = arith.constant 0 : i32
      %dma_wait3A_85 = tpu.memref_slice %arg5[%dma_wait3A_84, %multiple_of3A_78] : memref<4x50688xf32, #tpu.memory_space<any>> -> memref<4x512xf32, #tpu.memory_space<any>>
      tpu.wait_dma2 semaphore(%dma_wait3A_79 : memref<!tpu.dma_semaphore, #tpu.memory_space<semaphore_mem>>) src(%dma_wait3A_85 : memref<4x512xf32, #tpu.memory_space<any>>) dst(%dma_wait3A_83 : memref<4x512xf32, #tpu.memory_space<vmem>>)
      %dma_wait3A_86 = tpu.memref_slice %arg13[%rem3A_67] : memref<2x!tpu.dma_semaphore, #tpu.memory_space<semaphore_mem>> -> memref<1x!tpu.dma_semaphore, #tpu.memory_space<semaphore_mem>>
      %dma_wait3A_87 = tpu.memref_squeeze %dma_wait3A_86 : memref<1x!tpu.dma_semaphore, #tpu.memory_space<semaphore_mem>> -> memref<!tpu.dma_semaphore, #tpu.memory_space<semaphore_mem>>
      %dma_wait3A_88 = arith.constant 0 : i32
      %dma_wait3A_89 = arith.constant 0 : i32
      %dma_wait3A_90 = tpu.memref_slice %arg9[%rem3A_67, %dma_wait3A_88, %dma_wait3A_89] : memref<2x1x512xi32, #tpu.memory_space<vmem>> -> memref<1x1x512xi32, #tpu.memory_space<vmem>>
      %dma_wait3A_91 = tpu.memref_squeeze %dma_wait3A_90 : memref<1x1x512xi32, #tpu.memory_space<vmem>> -> memref<1x512xi32, #tpu.memory_space<vmem>>
      %dma_wait3A_92 = arith.constant 0 : i32
      %dma_wait3A_93 = tpu.memref_slice %arg6[%dma_wait3A_92, %multiple_of3A_78] : memref<1x50688xi32, #tpu.memory_space<any>> -> memref<1x512xi32, #tpu.memory_space<any>>
      tpu.wait_dma2 semaphore(%dma_wait3A_87 : memref<!tpu.dma_semaphore, #tpu.memory_space<semaphore_mem>>) src(%dma_wait3A_93 : memref<1x512xi32, #tpu.memory_space<any>>) dst(%dma_wait3A_91 : memref<1x512xi32, #tpu.memory_space<vmem>>)
      %get3A_94 = arith.index_cast %rem3A_67 : i32 to index
      %get3A_95 = arith.constant 0 : index
      %get3A_96 = arith.constant 0 : index
      %get3A_97 = vector.load %arg8[%get3A_94, %get3A_95, %get3A_96] : memref<2x4x512xf32, #tpu.memory_space<vmem>>, vector<1x4x512xf32>
      %get3A_98 = vector.shape_cast %get3A_97 : vector<1x4x512xf32> to vector<4x512xf32>
      %mul3A_99 = arith.mulf %get3A_98, %get3A_98 : vector<4x512xf32>
      %reduce_sum3A_100 = arith.constant dense<0.000000e+00> : vector<512xf32>
      %reduce_sum3A_101 = vector.multi_reduction <add>, %mul3A_99, %reduce_sum3A_100 [0] : vector<4x512xf32> to vector<512xf32>
      %broadcast_in_dim3A_102 = vector.shape_cast %reduce_sum3A_101 : vector<512xf32> to vector<1x512xf32>
      %add3A_103 = vector.broadcast %broadcast_in_dim3A : vector<512x1xf32> to vector<512x512xf32>
      %add3A_104 = vector.broadcast %broadcast_in_dim3A_102 : vector<1x512xf32> to vector<512x512xf32>
      %add3A_105 = arith.addf %add3A_103, %add3A_104 : vector<512x512xf32>
      %dot_general3A = arith.constant dense<0.000000e+00> : vector<512x512xf32>
      %dot_general3A_106 = tpu.matmul %get3A_1, %get3A_98, %dot_general3A {dimension_numbers = #tpu.dot_dimension_numbers<[1], [0], [0], [1], [0, 0, 1, 1], [], []>, transpose_lhs_hint = false} : vector<512x4xf32>, vector<4x512xf32>, vector<512x512xf32> -> vector<512x512xf32>
      %mul3A_107 = arith.constant 2.000000e+00 : f32
      %mul3A_108 = vector.broadcast %mul3A_107 : f32 to vector<512x512xf32>
      %mul3A_109 = arith.mulf %mul3A_108, %dot_general3A_106 : vector<512x512xf32>
      %sub3A = arith.subf %add3A_105, %mul3A_109 : vector<512x512xf32>
      %get3A_110 = arith.index_cast %rem3A_67 : i32 to index
      %get3A_111 = arith.constant 0 : index
      %get3A_112 = arith.constant 0 : index
      %get3A_113 = vector.load %arg9[%get3A_110, %get3A_111, %get3A_112] : memref<2x1x512xi32, #tpu.memory_space<vmem>>, vector<1x1x512xi32>
      %get3A_114 = vector.shape_cast %get3A_113 : vector<1x1x512xi32> to vector<1x512xi32>
      %iota3A_115 = tpu.iota {dimensions = array<i32: 1>} : vector<1x512xi32>
      %add3A_116 = vector.broadcast %multiple_of3A_78 : i32 to vector<1x512xi32>
      %add3A_117 = arith.addi %add3A_116, %iota3A_115 : vector<1x512xi32>
      %max3A = arith.constant 0.000000e+00 : f32
      %max3A_118 = vector.broadcast %max3A : f32 to vector<512x512xf32>
      %max3A_119 = arith.maximumf %sub3A, %max3A_118 : vector<512x512xf32>
      %bitcast_convert_type3A = tpu.bitcast %max3A_119 : vector<512x512xf32> -> vector<512x512xi32>
      %and3A = arith.constant -512 : i32
      %and3A_120 = vector.broadcast %and3A : i32 to vector<512x512xi32>
      %and3A_121 = arith.andi %bitcast_convert_type3A, %and3A_120 : vector<512x512xi32>
      %or3A = vector.broadcast %iota3A_115 : vector<1x512xi32> to vector<512x512xi32>
      %or3A_122 = arith.ori %and3A_121, %or3A : vector<512x512xi32>
      %eq3A_123 = vector.broadcast %get3A_5 : vector<512x1xi32> to vector<512x512xi32>
      %eq3A_124 = vector.broadcast %get3A_114 : vector<1x512xi32> to vector<512x512xi32>
      %eq3A_125 = arith.cmpi eq, %eq3A_123, %eq3A_124 : vector<512x512xi32>
      %ne3A = vector.broadcast %add3A_8 : vector<512x1xi32> to vector<512x512xi32>
      %ne3A_126 = vector.broadcast %add3A_117 : vector<1x512xi32> to vector<512x512xi32>
      %ne3A_127 = arith.cmpi ne, %ne3A, %ne3A_126 : vector<512x512xi32>
      %and3A_128 = arith.andi %eq3A_125, %ne3A_127 : vector<512x512xi1>
      %jit3A = arith.constant 2143289344 : i32
      %broadcast_in_dim3A_129 = vector.broadcast %jit3A : i32 to vector<512x512xi32>
      %select_n3A_130 = arith.select %and3A_128, %or3A_122, %broadcast_in_dim3A_129 : vector<512x512xi1>, vector<512x512xi32>
      %get3A_131 = arith.constant 0 : index
      %get3A_132 = arith.constant 0 : index
      %get3A_133 = vector.load %arg10[%get3A_131, %get3A_132] : memref<512x8xf32, #tpu.memory_space<vmem>>, vector<512x8xf32>
      %get3A_134 = arith.constant 0 : index
      %get3A_135 = arith.constant 0 : index
      %get3A_136 = vector.load %arg11[%get3A_134, %get3A_135] : memref<512x8xi32, #tpu.memory_space<vmem>>, vector<512x8xi32>
      %reduce_min3A = arith.constant dense<2147483647> : vector<512xi32>
      %reduce_min3A_137 = vector.multi_reduction <minsi>, %select_n3A_130, %reduce_min3A [1] : vector<512x512xi32> to vector<512xi32>
      %broadcast_in_dim3A_138 = vector.shape_cast %reduce_min3A_137 : vector<512xi32> to vector<512x1xi32>
      %eq3A_139 = vector.broadcast %broadcast_in_dim3A_138 : vector<512x1xi32> to vector<512x512xi32>
      %eq3A_140 = arith.cmpi eq, %select_n3A_130, %eq3A_139 : vector<512x512xi32>
      %jit3A_141 = arith.constant 2143289344 : i32
      %broadcast_in_dim3A_142 = vector.broadcast %jit3A_141 : i32 to vector<512x512xi32>
      %select_n3A_143 = arith.select %eq3A_140, %broadcast_in_dim3A_142, %select_n3A_130 : vector<512x512xi1>, vector<512x512xi32>
      %and3A_144 = arith.constant -512 : i32
      %and3A_145 = vector.broadcast %and3A_144 : i32 to vector<512x1xi32>
      %and3A_146 = arith.andi %broadcast_in_dim3A_138, %and3A_145 : vector<512x1xi32>
      %bitcast_convert_type3A_147 = tpu.bitcast %and3A_146 : vector<512x1xi32> -> vector<512x1xf32>
      %and3A_148 = arith.constant 511 : i32
      %and3A_149 = vector.broadcast %and3A_148 : i32 to vector<512x1xi32>
      %and3A_150 = arith.andi %broadcast_in_dim3A_138, %and3A_149 : vector<512x1xi32>
      %add3A_151 = vector.broadcast %multiple_of3A_78 : i32 to vector<512x1xi32>
      %add3A_152 = arith.addi %add3A_151, %and3A_150 : vector<512x1xi32>
      %lt3A_153 = arith.constant 7 : i32
      %lt3A_154 = vector.broadcast %lt3A_153 : i32 to vector<512x8xi32>
      %lt3A_155 = arith.cmpi slt, %iota3A_22, %lt3A_154 : vector<512x8xi32>
      %jit3A_156 = arith.constant 0xFF800000 : f32
      %broadcast_in_dim3A_157 = vector.broadcast %jit3A_156 : f32 to vector<512x8xf32>
      %select_n3A_158 = arith.select %lt3A_155, %get3A_133, %broadcast_in_dim3A_157 : vector<512x8xi1>, vector<512x8xf32>
      %reduce_max3A = arith.constant dense<0xFF800000> : vector<512xf32>
      %reduce_max3A_159 = vector.multi_reduction <maximumf>, %select_n3A_158, %reduce_max3A [1] : vector<512x8xf32> to vector<512xf32>
      %broadcast_in_dim3A_160 = vector.shape_cast %reduce_max3A_159 : vector<512xf32> to vector<512x1xf32>
      %eq3A_161 = vector.broadcast %broadcast_in_dim3A_160 : vector<512x1xf32> to vector<512x8xf32>
      %eq3A_162 = arith.cmpf oeq, %select_n3A_158, %eq3A_161 : vector<512x8xf32>
      %jit3A_163 = arith.constant 8 : i32
      %broadcast_in_dim3A_164 = vector.broadcast %jit3A_163 : i32 to vector<512x8xi32>
      %select_n3A_165 = arith.select %eq3A_162, %iota3A_22, %broadcast_in_dim3A_164 : vector<512x8xi1>, vector<512x8xi32>
      %reduce_min3A_166 = arith.constant dense<2147483647> : vector<512xi32>
      %reduce_min3A_167 = vector.multi_reduction <minsi>, %select_n3A_165, %reduce_min3A_166 [1] : vector<512x8xi32> to vector<512xi32>
      %broadcast_in_dim3A_168 = vector.shape_cast %reduce_min3A_167 : vector<512xi32> to vector<512x1xi32>
      %eq3A_169 = vector.broadcast %broadcast_in_dim3A_168 : vector<512x1xi32> to vector<512x8xi32>
      %eq3A_170 = arith.cmpi eq, %iota3A_22, %eq3A_169 : vector<512x8xi32>
      %lt3A_171 = arith.cmpf olt, %bitcast_convert_type3A_147, %broadcast_in_dim3A_160 : vector<512x1xf32>
      %and3A_172 = vector.broadcast %lt3A_171 : vector<512x1xi1> to vector<512x8xi1>
      %and3A_173 = arith.andi %eq3A_170, %and3A_172 : vector<512x8xi1>
      %broadcast_in_dim3A_174 = vector.shape_cast %bitcast_convert_type3A_147 : vector<512x1xf32> to vector<512x1xf32>
      %broadcast_in_dim3A_175 = vector.broadcast %broadcast_in_dim3A_174 : vector<512x1xf32> to vector<512x8xf32>
      %select_n3A_176 = arith.select %and3A_173, %broadcast_in_dim3A_175, %get3A_133 : vector<512x8xi1>, vector<512x8xf32>
      %broadcast_in_dim3A_177 = vector.shape_cast %add3A_152 : vector<512x1xi32> to vector<512x1xi32>
      %broadcast_in_dim3A_178 = vector.broadcast %broadcast_in_dim3A_177 : vector<512x1xi32> to vector<512x8xi32>
      %select_n3A_179 = arith.select %and3A_173, %broadcast_in_dim3A_178, %get3A_136 : vector<512x8xi1>, vector<512x8xi32>
      %reduce_min3A_180 = arith.constant dense<2147483647> : vector<512xi32>
      %reduce_min3A_181 = vector.multi_reduction <minsi>, %select_n3A_143, %reduce_min3A_180 [1] : vector<512x512xi32> to vector<512xi32>
      %broadcast_in_dim3A_182 = vector.shape_cast %reduce_min3A_181 : vector<512xi32> to vector<512x1xi32>
      %eq3A_183 = vector.broadcast %broadcast_in_dim3A_182 : vector<512x1xi32> to vector<512x512xi32>
      %eq3A_184 = arith.cmpi eq, %select_n3A_143, %eq3A_183 : vector<512x512xi32>
      %jit3A_185 = arith.constant 2143289344 : i32
      %broadcast_in_dim3A_186 = vector.broadcast %jit3A_185 : i32 to vector<512x512xi32>
      %select_n3A_187 = arith.select %eq3A_184, %broadcast_in_dim3A_186, %select_n3A_143 : vector<512x512xi1>, vector<512x512xi32>
      %and3A_188 = arith.constant -512 : i32
      %and3A_189 = vector.broadcast %and3A_188 : i32 to vector<512x1xi32>
      %and3A_190 = arith.andi %broadcast_in_dim3A_182, %and3A_189 : vector<512x1xi32>
      %bitcast_convert_type3A_191 = tpu.bitcast %and3A_190 : vector<512x1xi32> -> vector<512x1xf32>
      %and3A_192 = arith.constant 511 : i32
      %and3A_193 = vector.broadcast %and3A_192 : i32 to vector<512x1xi32>
      %and3A_194 = arith.andi %broadcast_in_dim3A_182, %and3A_193 : vector<512x1xi32>
      %add3A_195 = vector.broadcast %multiple_of3A_78 : i32 to vector<512x1xi32>
      %add3A_196 = arith.addi %add3A_195, %and3A_194 : vector<512x1xi32>
      %lt3A_197 = arith.constant 7 : i32
      %lt3A_198 = vector.broadcast %lt3A_197 : i32 to vector<512x8xi32>
      %lt3A_199 = arith.cmpi slt, %iota3A_22, %lt3A_198 : vector<512x8xi32>
      %jit3A_200 = arith.constant 0xFF800000 : f32
      %broadcast_in_dim3A_201 = vector.broadcast %jit3A_200 : f32 to vector<512x8xf32>
      %select_n3A_202 = arith.select %lt3A_199, %select_n3A_176, %broadcast_in_dim3A_201 : vector<512x8xi1>, vector<512x8xf32>
      %reduce_max3A_203 = arith.constant dense<0xFF800000> : vector<512xf32>
      %reduce_max3A_204 = vector.multi_reduction <maximumf>, %select_n3A_202, %reduce_max3A_203 [1] : vector<512x8xf32> to vector<512xf32>
      %broadcast_in_dim3A_205 = vector.shape_cast %reduce_max3A_204 : vector<512xf32> to vector<512x1xf32>
      %eq3A_206 = vector.broadcast %broadcast_in_dim3A_205 : vector<512x1xf32> to vector<512x8xf32>
      %eq3A_207 = arith.cmpf oeq, %select_n3A_202, %eq3A_206 : vector<512x8xf32>
      %jit3A_208 = arith.constant 8 : i32
      %broadcast_in_dim3A_209 = vector.broadcast %jit3A_208 : i32 to vector<512x8xi32>
      %select_n3A_210 = arith.select %eq3A_207, %iota3A_22, %broadcast_in_dim3A_209 : vector<512x8xi1>, vector<512x8xi32>
      %reduce_min3A_211 = arith.constant dense<2147483647> : vector<512xi32>
      %reduce_min3A_212 = vector.multi_reduction <minsi>, %select_n3A_210, %reduce_min3A_211 [1] : vector<512x8xi32> to vector<512xi32>
      %broadcast_in_dim3A_213 = vector.shape_cast %reduce_min3A_212 : vector<512xi32> to vector<512x1xi32>
      %eq3A_214 = vector.broadcast %broadcast_in_dim3A_213 : vector<512x1xi32> to vector<512x8xi32>
      %eq3A_215 = arith.cmpi eq, %iota3A_22, %eq3A_214 : vector<512x8xi32>
      %lt3A_216 = arith.cmpf olt, %bitcast_convert_type3A_191, %broadcast_in_dim3A_205 : vector<512x1xf32>
      %and3A_217 = vector.broadcast %lt3A_216 : vector<512x1xi1> to vector<512x8xi1>
      %and3A_218 = arith.andi %eq3A_215, %and3A_217 : vector<512x8xi1>
      %broadcast_in_dim3A_219 = vector.shape_cast %bitcast_convert_type3A_191 : vector<512x1xf32> to vector<512x1xf32>
      %broadcast_in_dim3A_220 = vector.broadcast %broadcast_in_dim3A_219 : vector<512x1xf32> to vector<512x8xf32>
      %select_n3A_221 = arith.select %and3A_218, %broadcast_in_dim3A_220, %select_n3A_176 : vector<512x8xi1>, vector<512x8xf32>
      %broadcast_in_dim3A_222 = vector.shape_cast %add3A_196 : vector<512x1xi32> to vector<512x1xi32>
      %broadcast_in_dim3A_223 = vector.broadcast %broadcast_in_dim3A_222 : vector<512x1xi32> to vector<512x8xi32>
      %select_n3A_224 = arith.select %and3A_218, %broadcast_in_dim3A_223, %select_n3A_179 : vector<512x8xi1>, vector<512x8xi32>
      %reduce_min3A_225 = arith.constant dense<2147483647> : vector<512xi32>
      %reduce_min3A_226 = vector.multi_reduction <minsi>, %select_n3A_187, %reduce_min3A_225 [1] : vector<512x512xi32> to vector<512xi32>
      %broadcast_in_dim3A_227 = vector.shape_cast %reduce_min3A_226 : vector<512xi32> to vector<512x1xi32>
      %eq3A_228 = vector.broadcast %broadcast_in_dim3A_227 : vector<512x1xi32> to vector<512x512xi32>
      %eq3A_229 = arith.cmpi eq, %select_n3A_187, %eq3A_228 : vector<512x512xi32>
      %jit3A_230 = arith.constant 2143289344 : i32
      %broadcast_in_dim3A_231 = vector.broadcast %jit3A_230 : i32 to vector<512x512xi32>
      %select_n3A_232 = arith.select %eq3A_229, %broadcast_in_dim3A_231, %select_n3A_187 : vector<512x512xi1>, vector<512x512xi32>
      %and3A_233 = arith.constant -512 : i32
      %and3A_234 = vector.broadcast %and3A_233 : i32 to vector<512x1xi32>
      %and3A_235 = arith.andi %broadcast_in_dim3A_227, %and3A_234 : vector<512x1xi32>
      %bitcast_convert_type3A_236 = tpu.bitcast %and3A_235 : vector<512x1xi32> -> vector<512x1xf32>
      %and3A_237 = arith.constant 511 : i32
      %and3A_238 = vector.broadcast %and3A_237 : i32 to vector<512x1xi32>
      %and3A_239 = arith.andi %broadcast_in_dim3A_227, %and3A_238 : vector<512x1xi32>
      %add3A_240 = vector.broadcast %multiple_of3A_78 : i32 to vector<512x1xi32>
      %add3A_241 = arith.addi %add3A_240, %and3A_239 : vector<512x1xi32>
      %lt3A_242 = arith.constant 7 : i32
      %lt3A_243 = vector.broadcast %lt3A_242 : i32 to vector<512x8xi32>
      %lt3A_244 = arith.cmpi slt, %iota3A_22, %lt3A_243 : vector<512x8xi32>
      %jit3A_245 = arith.constant 0xFF800000 : f32
      %broadcast_in_dim3A_246 = vector.broadcast %jit3A_245 : f32 to vector<512x8xf32>
      %select_n3A_247 = arith.select %lt3A_244, %select_n3A_221, %broadcast_in_dim3A_246 : vector<512x8xi1>, vector<512x8xf32>
      %reduce_max3A_248 = arith.constant dense<0xFF800000> : vector<512xf32>
      %reduce_max3A_249 = vector.multi_reduction <maximumf>, %select_n3A_247, %reduce_max3A_248 [1] : vector<512x8xf32> to vector<512xf32>
      %broadcast_in_dim3A_250 = vector.shape_cast %reduce_max3A_249 : vector<512xf32> to vector<512x1xf32>
      %eq3A_251 = vector.broadcast %broadcast_in_dim3A_250 : vector<512x1xf32> to vector<512x8xf32>
      %eq3A_252 = arith.cmpf oeq, %select_n3A_247, %eq3A_251 : vector<512x8xf32>
      %jit3A_253 = arith.constant 8 : i32
      %broadcast_in_dim3A_254 = vector.broadcast %jit3A_253 : i32 to vector<512x8xi32>
      %select_n3A_255 = arith.select %eq3A_252, %iota3A_22, %broadcast_in_dim3A_254 : vector<512x8xi1>, vector<512x8xi32>
      %reduce_min3A_256 = arith.constant dense<2147483647> : vector<512xi32>
      %reduce_min3A_257 = vector.multi_reduction <minsi>, %select_n3A_255, %reduce_min3A_256 [1] : vector<512x8xi32> to vector<512xi32>
      %broadcast_in_dim3A_258 = vector.shape_cast %reduce_min3A_257 : vector<512xi32> to vector<512x1xi32>
      %eq3A_259 = vector.broadcast %broadcast_in_dim3A_258 : vector<512x1xi32> to vector<512x8xi32>
      %eq3A_260 = arith.cmpi eq, %iota3A_22, %eq3A_259 : vector<512x8xi32>
      %lt3A_261 = arith.cmpf olt, %bitcast_convert_type3A_236, %broadcast_in_dim3A_250 : vector<512x1xf32>
      %and3A_262 = vector.broadcast %lt3A_261 : vector<512x1xi1> to vector<512x8xi1>
      %and3A_263 = arith.andi %eq3A_260, %and3A_262 : vector<512x8xi1>
      %broadcast_in_dim3A_264 = vector.shape_cast %bitcast_convert_type3A_236 : vector<512x1xf32> to vector<512x1xf32>
      %broadcast_in_dim3A_265 = vector.broadcast %broadcast_in_dim3A_264 : vector<512x1xf32> to vector<512x8xf32>
      %select_n3A_266 = arith.select %and3A_263, %broadcast_in_dim3A_265, %select_n3A_221 : vector<512x8xi1>, vector<512x8xf32>
      %broadcast_in_dim3A_267 = vector.shape_cast %add3A_241 : vector<512x1xi32> to vector<512x1xi32>
      %broadcast_in_dim3A_268 = vector.broadcast %broadcast_in_dim3A_267 : vector<512x1xi32> to vector<512x8xi32>
      %select_n3A_269 = arith.select %and3A_263, %broadcast_in_dim3A_268, %select_n3A_224 : vector<512x8xi1>, vector<512x8xi32>
      %reduce_min3A_270 = arith.constant dense<2147483647> : vector<512xi32>
      %reduce_min3A_271 = vector.multi_reduction <minsi>, %select_n3A_232, %reduce_min3A_270 [1] : vector<512x512xi32> to vector<512xi32>
      %broadcast_in_dim3A_272 = vector.shape_cast %reduce_min3A_271 : vector<512xi32> to vector<512x1xi32>
      %eq3A_273 = vector.broadcast %broadcast_in_dim3A_272 : vector<512x1xi32> to vector<512x512xi32>
      %eq3A_274 = arith.cmpi eq, %select_n3A_232, %eq3A_273 : vector<512x512xi32>
      %jit3A_275 = arith.constant 2143289344 : i32
      %broadcast_in_dim3A_276 = vector.broadcast %jit3A_275 : i32 to vector<512x512xi32>
      %select_n3A_277 = arith.select %eq3A_274, %broadcast_in_dim3A_276, %select_n3A_232 : vector<512x512xi1>, vector<512x512xi32>
      %and3A_278 = arith.constant -512 : i32
      %and3A_279 = vector.broadcast %and3A_278 : i32 to vector<512x1xi32>
      %and3A_280 = arith.andi %broadcast_in_dim3A_272, %and3A_279 : vector<512x1xi32>
      %bitcast_convert_type3A_281 = tpu.bitcast %and3A_280 : vector<512x1xi32> -> vector<512x1xf32>
      %and3A_282 = arith.constant 511 : i32
      %and3A_283 = vector.broadcast %and3A_282 : i32 to vector<512x1xi32>
      %and3A_284 = arith.andi %broadcast_in_dim3A_272, %and3A_283 : vector<512x1xi32>
      %add3A_285 = vector.broadcast %multiple_of3A_78 : i32 to vector<512x1xi32>
      %add3A_286 = arith.addi %add3A_285, %and3A_284 : vector<512x1xi32>
      %lt3A_287 = arith.constant 7 : i32
      %lt3A_288 = vector.broadcast %lt3A_287 : i32 to vector<512x8xi32>
      %lt3A_289 = arith.cmpi slt, %iota3A_22, %lt3A_288 : vector<512x8xi32>
      %jit3A_290 = arith.constant 0xFF800000 : f32
      %broadcast_in_dim3A_291 = vector.broadcast %jit3A_290 : f32 to vector<512x8xf32>
      %select_n3A_292 = arith.select %lt3A_289, %select_n3A_266, %broadcast_in_dim3A_291 : vector<512x8xi1>, vector<512x8xf32>
      %reduce_max3A_293 = arith.constant dense<0xFF800000> : vector<512xf32>
      %reduce_max3A_294 = vector.multi_reduction <maximumf>, %select_n3A_292, %reduce_max3A_293 [1] : vector<512x8xf32> to vector<512xf32>
      %broadcast_in_dim3A_295 = vector.shape_cast %reduce_max3A_294 : vector<512xf32> to vector<512x1xf32>
      %eq3A_296 = vector.broadcast %broadcast_in_dim3A_295 : vector<512x1xf32> to vector<512x8xf32>
      %eq3A_297 = arith.cmpf oeq, %select_n3A_292, %eq3A_296 : vector<512x8xf32>
      %jit3A_298 = arith.constant 8 : i32
      %broadcast_in_dim3A_299 = vector.broadcast %jit3A_298 : i32 to vector<512x8xi32>
      %select_n3A_300 = arith.select %eq3A_297, %iota3A_22, %broadcast_in_dim3A_299 : vector<512x8xi1>, vector<512x8xi32>
      %reduce_min3A_301 = arith.constant dense<2147483647> : vector<512xi32>
      %reduce_min3A_302 = vector.multi_reduction <minsi>, %select_n3A_300, %reduce_min3A_301 [1] : vector<512x8xi32> to vector<512xi32>
      %broadcast_in_dim3A_303 = vector.shape_cast %reduce_min3A_302 : vector<512xi32> to vector<512x1xi32>
      %eq3A_304 = vector.broadcast %broadcast_in_dim3A_303 : vector<512x1xi32> to vector<512x8xi32>
      %eq3A_305 = arith.cmpi eq, %iota3A_22, %eq3A_304 : vector<512x8xi32>
      %lt3A_306 = arith.cmpf olt, %bitcast_convert_type3A_281, %broadcast_in_dim3A_295 : vector<512x1xf32>
      %and3A_307 = vector.broadcast %lt3A_306 : vector<512x1xi1> to vector<512x8xi1>
      %and3A_308 = arith.andi %eq3A_305, %and3A_307 : vector<512x8xi1>
      %broadcast_in_dim3A_309 = vector.shape_cast %bitcast_convert_type3A_281 : vector<512x1xf32> to vector<512x1xf32>
      %broadcast_in_dim3A_310 = vector.broadcast %broadcast_in_dim3A_309 : vector<512x1xf32> to vector<512x8xf32>
      %select_n3A_311 = arith.select %and3A_308, %broadcast_in_dim3A_310, %select_n3A_266 : vector<512x8xi1>, vector<512x8xf32>
      %broadcast_in_dim3A_312 = vector.shape_cast %add3A_286 : vector<512x1xi32> to vector<512x1xi32>
      %broadcast_in_dim3A_313 = vector.broadcast %broadcast_in_dim3A_312 : vector<512x1xi32> to vector<512x8xi32>
      %select_n3A_314 = arith.select %and3A_308, %broadcast_in_dim3A_313, %select_n3A_269 : vector<512x8xi1>, vector<512x8xi32>
      %reduce_min3A_315 = arith.constant dense<2147483647> : vector<512xi32>
      %reduce_min3A_316 = vector.multi_reduction <minsi>, %select_n3A_277, %reduce_min3A_315 [1] : vector<512x512xi32> to vector<512xi32>
      %broadcast_in_dim3A_317 = vector.shape_cast %reduce_min3A_316 : vector<512xi32> to vector<512x1xi32>
      %eq3A_318 = vector.broadcast %broadcast_in_dim3A_317 : vector<512x1xi32> to vector<512x512xi32>
      %eq3A_319 = arith.cmpi eq, %select_n3A_277, %eq3A_318 : vector<512x512xi32>
      %jit3A_320 = arith.constant 2143289344 : i32
      %broadcast_in_dim3A_321 = vector.broadcast %jit3A_320 : i32 to vector<512x512xi32>
      %select_n3A_322 = arith.select %eq3A_319, %broadcast_in_dim3A_321, %select_n3A_277 : vector<512x512xi1>, vector<512x512xi32>
      %and3A_323 = arith.constant -512 : i32
      %and3A_324 = vector.broadcast %and3A_323 : i32 to vector<512x1xi32>
      %and3A_325 = arith.andi %broadcast_in_dim3A_317, %and3A_324 : vector<512x1xi32>
      %bitcast_convert_type3A_326 = tpu.bitcast %and3A_325 : vector<512x1xi32> -> vector<512x1xf32>
      %and3A_327 = arith.constant 511 : i32
      %and3A_328 = vector.broadcast %and3A_327 : i32 to vector<512x1xi32>
      %and3A_329 = arith.andi %broadcast_in_dim3A_317, %and3A_328 : vector<512x1xi32>
      %add3A_330 = vector.broadcast %multiple_of3A_78 : i32 to vector<512x1xi32>
      %add3A_331 = arith.addi %add3A_330, %and3A_329 : vector<512x1xi32>
      %lt3A_332 = arith.constant 7 : i32
      %lt3A_333 = vector.broadcast %lt3A_332 : i32 to vector<512x8xi32>
      %lt3A_334 = arith.cmpi slt, %iota3A_22, %lt3A_333 : vector<512x8xi32>
      %jit3A_335 = arith.constant 0xFF800000 : f32
      %broadcast_in_dim3A_336 = vector.broadcast %jit3A_335 : f32 to vector<512x8xf32>
      %select_n3A_337 = arith.select %lt3A_334, %select_n3A_311, %broadcast_in_dim3A_336 : vector<512x8xi1>, vector<512x8xf32>
      %reduce_max3A_338 = arith.constant dense<0xFF800000> : vector<512xf32>
      %reduce_max3A_339 = vector.multi_reduction <maximumf>, %select_n3A_337, %reduce_max3A_338 [1] : vector<512x8xf32> to vector<512xf32>
      %broadcast_in_dim3A_340 = vector.shape_cast %reduce_max3A_339 : vector<512xf32> to vector<512x1xf32>
      %eq3A_341 = vector.broadcast %broadcast_in_dim3A_340 : vector<512x1xf32> to vector<512x8xf32>
      %eq3A_342 = arith.cmpf oeq, %select_n3A_337, %eq3A_341 : vector<512x8xf32>
      %jit3A_343 = arith.constant 8 : i32
      %broadcast_in_dim3A_344 = vector.broadcast %jit3A_343 : i32 to vector<512x8xi32>
      %select_n3A_345 = arith.select %eq3A_342, %iota3A_22, %broadcast_in_dim3A_344 : vector<512x8xi1>, vector<512x8xi32>
      %reduce_min3A_346 = arith.constant dense<2147483647> : vector<512xi32>
      %reduce_min3A_347 = vector.multi_reduction <minsi>, %select_n3A_345, %reduce_min3A_346 [1] : vector<512x8xi32> to vector<512xi32>
      %broadcast_in_dim3A_348 = vector.shape_cast %reduce_min3A_347 : vector<512xi32> to vector<512x1xi32>
      %eq3A_349 = vector.broadcast %broadcast_in_dim3A_348 : vector<512x1xi32> to vector<512x8xi32>
      %eq3A_350 = arith.cmpi eq, %iota3A_22, %eq3A_349 : vector<512x8xi32>
      %lt3A_351 = arith.cmpf olt, %bitcast_convert_type3A_326, %broadcast_in_dim3A_340 : vector<512x1xf32>
      %and3A_352 = vector.broadcast %lt3A_351 : vector<512x1xi1> to vector<512x8xi1>
      %and3A_353 = arith.andi %eq3A_350, %and3A_352 : vector<512x8xi1>
      %broadcast_in_dim3A_354 = vector.shape_cast %bitcast_convert_type3A_326 : vector<512x1xf32> to vector<512x1xf32>
      %broadcast_in_dim3A_355 = vector.broadcast %broadcast_in_dim3A_354 : vector<512x1xf32> to vector<512x8xf32>
      %select_n3A_356 = arith.select %and3A_353, %broadcast_in_dim3A_355, %select_n3A_311 : vector<512x8xi1>, vector<512x8xf32>
      %broadcast_in_dim3A_357 = vector.shape_cast %add3A_331 : vector<512x1xi32> to vector<512x1xi32>
      %broadcast_in_dim3A_358 = vector.broadcast %broadcast_in_dim3A_357 : vector<512x1xi32> to vector<512x8xi32>
      %select_n3A_359 = arith.select %and3A_353, %broadcast_in_dim3A_358, %select_n3A_314 : vector<512x8xi1>, vector<512x8xi32>
      %reduce_min3A_360 = arith.constant dense<2147483647> : vector<512xi32>
      %reduce_min3A_361 = vector.multi_reduction <minsi>, %select_n3A_322, %reduce_min3A_360 [1] : vector<512x512xi32> to vector<512xi32>
      %broadcast_in_dim3A_362 = vector.shape_cast %reduce_min3A_361 : vector<512xi32> to vector<512x1xi32>
      %eq3A_363 = vector.broadcast %broadcast_in_dim3A_362 : vector<512x1xi32> to vector<512x512xi32>
      %eq3A_364 = arith.cmpi eq, %select_n3A_322, %eq3A_363 : vector<512x512xi32>
      %jit3A_365 = arith.constant 2143289344 : i32
      %broadcast_in_dim3A_366 = vector.broadcast %jit3A_365 : i32 to vector<512x512xi32>
      %select_n3A_367 = arith.select %eq3A_364, %broadcast_in_dim3A_366, %select_n3A_322 : vector<512x512xi1>, vector<512x512xi32>
      %and3A_368 = arith.constant -512 : i32
      %and3A_369 = vector.broadcast %and3A_368 : i32 to vector<512x1xi32>
      %and3A_370 = arith.andi %broadcast_in_dim3A_362, %and3A_369 : vector<512x1xi32>
      %bitcast_convert_type3A_371 = tpu.bitcast %and3A_370 : vector<512x1xi32> -> vector<512x1xf32>
      %and3A_372 = arith.constant 511 : i32
      %and3A_373 = vector.broadcast %and3A_372 : i32 to vector<512x1xi32>
      %and3A_374 = arith.andi %broadcast_in_dim3A_362, %and3A_373 : vector<512x1xi32>
      %add3A_375 = vector.broadcast %multiple_of3A_78 : i32 to vector<512x1xi32>
      %add3A_376 = arith.addi %add3A_375, %and3A_374 : vector<512x1xi32>
      %lt3A_377 = arith.constant 7 : i32
      %lt3A_378 = vector.broadcast %lt3A_377 : i32 to vector<512x8xi32>
      %lt3A_379 = arith.cmpi slt, %iota3A_22, %lt3A_378 : vector<512x8xi32>
      %jit3A_380 = arith.constant 0xFF800000 : f32
      %broadcast_in_dim3A_381 = vector.broadcast %jit3A_380 : f32 to vector<512x8xf32>
      %select_n3A_382 = arith.select %lt3A_379, %select_n3A_356, %broadcast_in_dim3A_381 : vector<512x8xi1>, vector<512x8xf32>
      %reduce_max3A_383 = arith.constant dense<0xFF800000> : vector<512xf32>
      %reduce_max3A_384 = vector.multi_reduction <maximumf>, %select_n3A_382, %reduce_max3A_383 [1] : vector<512x8xf32> to vector<512xf32>
      %broadcast_in_dim3A_385 = vector.shape_cast %reduce_max3A_384 : vector<512xf32> to vector<512x1xf32>
      %eq3A_386 = vector.broadcast %broadcast_in_dim3A_385 : vector<512x1xf32> to vector<512x8xf32>
      %eq3A_387 = arith.cmpf oeq, %select_n3A_382, %eq3A_386 : vector<512x8xf32>
      %jit3A_388 = arith.constant 8 : i32
      %broadcast_in_dim3A_389 = vector.broadcast %jit3A_388 : i32 to vector<512x8xi32>
      %select_n3A_390 = arith.select %eq3A_387, %iota3A_22, %broadcast_in_dim3A_389 : vector<512x8xi1>, vector<512x8xi32>
      %reduce_min3A_391 = arith.constant dense<2147483647> : vector<512xi32>
      %reduce_min3A_392 = vector.multi_reduction <minsi>, %select_n3A_390, %reduce_min3A_391 [1] : vector<512x8xi32> to vector<512xi32>
      %broadcast_in_dim3A_393 = vector.shape_cast %reduce_min3A_392 : vector<512xi32> to vector<512x1xi32>
      %eq3A_394 = vector.broadcast %broadcast_in_dim3A_393 : vector<512x1xi32> to vector<512x8xi32>
      %eq3A_395 = arith.cmpi eq, %iota3A_22, %eq3A_394 : vector<512x8xi32>
      %lt3A_396 = arith.cmpf olt, %bitcast_convert_type3A_371, %broadcast_in_dim3A_385 : vector<512x1xf32>
      %and3A_397 = vector.broadcast %lt3A_396 : vector<512x1xi1> to vector<512x8xi1>
      %and3A_398 = arith.andi %eq3A_395, %and3A_397 : vector<512x8xi1>
      %broadcast_in_dim3A_399 = vector.shape_cast %bitcast_convert_type3A_371 : vector<512x1xf32> to vector<512x1xf32>
      %broadcast_in_dim3A_400 = vector.broadcast %broadcast_in_dim3A_399 : vector<512x1xf32> to vector<512x8xf32>
      %select_n3A_401 = arith.select %and3A_398, %broadcast_in_dim3A_400, %select_n3A_356 : vector<512x8xi1>, vector<512x8xf32>
      %broadcast_in_dim3A_402 = vector.shape_cast %add3A_376 : vector<512x1xi32> to vector<512x1xi32>
      %broadcast_in_dim3A_403 = vector.broadcast %broadcast_in_dim3A_402 : vector<512x1xi32> to vector<512x8xi32>
      %select_n3A_404 = arith.select %and3A_398, %broadcast_in_dim3A_403, %select_n3A_359 : vector<512x8xi1>, vector<512x8xi32>
      %reduce_min3A_405 = arith.constant dense<2147483647> : vector<512xi32>
      %reduce_min3A_406 = vector.multi_reduction <minsi>, %select_n3A_367, %reduce_min3A_405 [1] : vector<512x512xi32> to vector<512xi32>
      %broadcast_in_dim3A_407 = vector.shape_cast %reduce_min3A_406 : vector<512xi32> to vector<512x1xi32>
      %eq3A_408 = vector.broadcast %broadcast_in_dim3A_407 : vector<512x1xi32> to vector<512x512xi32>
      %eq3A_409 = arith.cmpi eq, %select_n3A_367, %eq3A_408 : vector<512x512xi32>
      %jit3A_410 = arith.constant 2143289344 : i32
      %broadcast_in_dim3A_411 = vector.broadcast %jit3A_410 : i32 to vector<512x512xi32>
      %select_n3A_412 = arith.select %eq3A_409, %broadcast_in_dim3A_411, %select_n3A_367 : vector<512x512xi1>, vector<512x512xi32>
      %and3A_413 = arith.constant -512 : i32
      %and3A_414 = vector.broadcast %and3A_413 : i32 to vector<512x1xi32>
      %and3A_415 = arith.andi %broadcast_in_dim3A_407, %and3A_414 : vector<512x1xi32>
      %bitcast_convert_type3A_416 = tpu.bitcast %and3A_415 : vector<512x1xi32> -> vector<512x1xf32>
      %and3A_417 = arith.constant 511 : i32
      %and3A_418 = vector.broadcast %and3A_417 : i32 to vector<512x1xi32>
      %and3A_419 = arith.andi %broadcast_in_dim3A_407, %and3A_418 : vector<512x1xi32>
      %add3A_420 = vector.broadcast %multiple_of3A_78 : i32 to vector<512x1xi32>
      %add3A_421 = arith.addi %add3A_420, %and3A_419 : vector<512x1xi32>
      %lt3A_422 = arith.constant 7 : i32
      %lt3A_423 = vector.broadcast %lt3A_422 : i32 to vector<512x8xi32>
      %lt3A_424 = arith.cmpi slt, %iota3A_22, %lt3A_423 : vector<512x8xi32>
      %jit3A_425 = arith.constant 0xFF800000 : f32
      %broadcast_in_dim3A_426 = vector.broadcast %jit3A_425 : f32 to vector<512x8xf32>
      %select_n3A_427 = arith.select %lt3A_424, %select_n3A_401, %broadcast_in_dim3A_426 : vector<512x8xi1>, vector<512x8xf32>
      %reduce_max3A_428 = arith.constant dense<0xFF800000> : vector<512xf32>
      %reduce_max3A_429 = vector.multi_reduction <maximumf>, %select_n3A_427, %reduce_max3A_428 [1] : vector<512x8xf32> to vector<512xf32>
      %broadcast_in_dim3A_430 = vector.shape_cast %reduce_max3A_429 : vector<512xf32> to vector<512x1xf32>
      %eq3A_431 = vector.broadcast %broadcast_in_dim3A_430 : vector<512x1xf32> to vector<512x8xf32>
      %eq3A_432 = arith.cmpf oeq, %select_n3A_427, %eq3A_431 : vector<512x8xf32>
      %jit3A_433 = arith.constant 8 : i32
      %broadcast_in_dim3A_434 = vector.broadcast %jit3A_433 : i32 to vector<512x8xi32>
      %select_n3A_435 = arith.select %eq3A_432, %iota3A_22, %broadcast_in_dim3A_434 : vector<512x8xi1>, vector<512x8xi32>
      %reduce_min3A_436 = arith.constant dense<2147483647> : vector<512xi32>
      %reduce_min3A_437 = vector.multi_reduction <minsi>, %select_n3A_435, %reduce_min3A_436 [1] : vector<512x8xi32> to vector<512xi32>
      %broadcast_in_dim3A_438 = vector.shape_cast %reduce_min3A_437 : vector<512xi32> to vector<512x1xi32>
      %eq3A_439 = vector.broadcast %broadcast_in_dim3A_438 : vector<512x1xi32> to vector<512x8xi32>
      %eq3A_440 = arith.cmpi eq, %iota3A_22, %eq3A_439 : vector<512x8xi32>
      %lt3A_441 = arith.cmpf olt, %bitcast_convert_type3A_416, %broadcast_in_dim3A_430 : vector<512x1xf32>
      %and3A_442 = vector.broadcast %lt3A_441 : vector<512x1xi1> to vector<512x8xi1>
      %and3A_443 = arith.andi %eq3A_440, %and3A_442 : vector<512x8xi1>
      %broadcast_in_dim3A_444 = vector.shape_cast %bitcast_convert_type3A_416 : vector<512x1xf32> to vector<512x1xf32>
      %broadcast_in_dim3A_445 = vector.broadcast %broadcast_in_dim3A_444 : vector<512x1xf32> to vector<512x8xf32>
      %select_n3A_446 = arith.select %and3A_443, %broadcast_in_dim3A_445, %select_n3A_401 : vector<512x8xi1>, vector<512x8xf32>
      %broadcast_in_dim3A_447 = vector.shape_cast %add3A_421 : vector<512x1xi32> to vector<512x1xi32>
      %broadcast_in_dim3A_448 = vector.broadcast %broadcast_in_dim3A_447 : vector<512x1xi32> to vector<512x8xi32>
      %select_n3A_449 = arith.select %and3A_443, %broadcast_in_dim3A_448, %select_n3A_404 : vector<512x8xi1>, vector<512x8xi32>
      %swap3A_450 = arith.constant 0 : index
      %swap3A_451 = arith.constant 0 : index
      %swap3A_452 = vector.load %arg10[%swap3A_450, %swap3A_451] : memref<512x8xf32, #tpu.memory_space<vmem>>, vector<512x8xf32>
      tpu.vector_store %arg10[%swap3A_450, %swap3A_451], %select_n3A_446 {strides = array<i32>} : memref<512x8xf32, #tpu.memory_space<vmem>>, vector<512x8xf32>,
      %swap3A_453 = arith.constant 0 : index
      %swap3A_454 = arith.constant 0 : index
      %swap3A_455 = vector.load %arg11[%swap3A_453, %swap3A_454] : memref<512x8xi32, #tpu.memory_space<vmem>>, vector<512x8xi32>
      tpu.vector_store %arg11[%swap3A_453, %swap3A_454], %select_n3A_449 {strides = array<i32>} : memref<512x8xi32, #tpu.memory_space<vmem>>, vector<512x8xi32>,
      %while3A_456 = arith.constant 0 : i32
      scf.yield %while3A_456 : i32
    }
    %eq3A = arith.constant 7 : i32
    %eq3A_55 = vector.broadcast %eq3A : i32 to vector<512x8xi32>
    %eq3A_56 = arith.cmpi eq, %iota3A_22, %eq3A_55 : vector<512x8xi32>
    %get3A_57 = arith.constant 0 : index
    %get3A_58 = arith.constant 0 : index
    %get3A_59 = vector.load %arg11[%get3A_57, %get3A_58] : memref<512x8xi32, #tpu.memory_space<vmem>>, vector<512x8xi32>
    %broadcast_in_dim3A_60 = vector.shape_cast %add3A_8 : vector<512x1xi32> to vector<512x1xi32>
    %broadcast_in_dim3A_61 = vector.broadcast %broadcast_in_dim3A_60 : vector<512x1xi32> to vector<512x8xi32>
    %select_n3A = arith.select %eq3A_56, %broadcast_in_dim3A_61, %get3A_59 : vector<512x8xi1>, vector<512x8xi32>
    %swap3A_62 = arith.constant 0 : index
    %swap3A_63 = arith.constant 0 : index
    %swap3A_64 = vector.load %arg7[%swap3A_62, %swap3A_63] : memref<512x8xi32, #tpu.memory_space<vmem>>, vector<512x8xi32>
    tpu.vector_store %arg7[%swap3A_62, %swap3A_63], %select_n3A {strides = array<i32>} : memref<512x8xi32, #tpu.memory_space<vmem>>, vector<512x8xi32>,
    return
  }
  func.func @transform_0(%arg0: i32) -> (i32, i32) {
    %c0_i32 = arith.constant 0 : i32
    %c0_i32_0 = arith.constant 0 : i32
    return %arg0, %c0_i32 : i32, i32
  }
  func.func @transform_1(%arg0: i32) -> (i32, i32) {
    %c0_i32 = arith.constant 0 : i32
    %c0_i32_0 = arith.constant 0 : i32
    return %arg0, %c0_i32 : i32, i32
  }
  func.func @transform_2(%arg0: i32) -> i32 {
    %c0_i32 = arith.constant 0 : i32
    %c0_i32_0 = arith.constant 0 : i32
    return %c0_i32 : i32
  }
  func.func @transform_3(%arg0: i32) -> i32 {
    %c0_i32 = arith.constant 0 : i32
    %c0_i32_0 = arith.constant 0 : i32
    return %c0_i32 : i32
  }
  func.func @transform_6(%arg0: i32) -> (i32, i32) {
    %c0_i32 = arith.constant 0 : i32
    %c0_i32_0 = arith.constant 0 : i32
    return %arg0, %c0_i32 : i32, i32
  }
}

module attributes {stable_mosaic.version = 14 : i64} {
  func.func @_proj_body(%arg0: i32, %arg1: memref<512x128xf32, #tpu.memory_space<vmem>>, %arg2: memref<128x128xf32, #tpu.memory_space<vmem>>, %arg3: memref<128x64xf32, #tpu.memory_space<vmem>>, %arg4: memref<512x128xf32, #tpu.memory_space<vmem>>, %arg5: memref<512x64xf32, #tpu.memory_space<vmem>>) attributes {dimension_semantics = [#tpu.dimension_semantics<arbitrary>], iteration_bounds = array<i64: 98>, scalar_prefetch = 0 : i64, scratch_operands = 0 : i64, tpu.core_type = #tpu.core_type<tc>, window_params = [{transform_indices = @transform_0, window_bounds = array<i64: 512, 128>}, {pipeline_mode = #tpu.pipeline_mode<synchronous>, transform_indices = @transform_1, window_bounds = array<i64: 128, 128>}, {pipeline_mode = #tpu.pipeline_mode<synchronous>, transform_indices = @transform_2, window_bounds = array<i64: 128, 64>}, {transform_indices = @transform_3, window_bounds = array<i64: 512, 128>}, {transform_indices = @transform_4, window_bounds = array<i64: 512, 64>}]} {
    %get3A = arith.constant 0 : index
    %get3A_0 = arith.constant 0 : index
    %get3A_1 = vector.load %arg1[%get3A, %get3A_0] : memref<512x128xf32, #tpu.memory_space<vmem>>, vector<512x128xf32>
    %get3A_2 = arith.constant 0 : index
    %get3A_3 = arith.constant 0 : index
    %get3A_4 = vector.load %arg2[%get3A_2, %get3A_3] : memref<128x128xf32, #tpu.memory_space<vmem>>, vector<128x128xf32>
    %dot_general3A = arith.constant dense<0.000000e+00> : vector<512x128xf32>
    %dot_general3A_5 = tpu.matmul %get3A_1, %get3A_4, %dot_general3A {dimension_numbers = #tpu.dot_dimension_numbers<[1], [0], [0], [1], [0, 0, 1, 1], [], []>, transpose_lhs_hint = false} : vector<512x128xf32>, vector<128x128xf32>, vector<512x128xf32> -> vector<512x128xf32>
    %swap3A = arith.constant 0 : index
    %swap3A_6 = arith.constant 0 : index
    %swap3A_7 = vector.load %arg4[%swap3A, %swap3A_6] : memref<512x128xf32, #tpu.memory_space<vmem>>, vector<512x128xf32>
    tpu.vector_store %arg4[%swap3A, %swap3A_6], %dot_general3A_5 {strides = array<i32>} : memref<512x128xf32, #tpu.memory_space<vmem>>, vector<512x128xf32>,
    %get3A_8 = arith.constant 0 : index
    %get3A_9 = arith.constant 0 : index
    %get3A_10 = vector.load %arg3[%get3A_8, %get3A_9] : memref<128x64xf32, #tpu.memory_space<vmem>>, vector<128x64xf32>
    %dot_general3A_11 = arith.constant dense<0.000000e+00> : vector<512x64xf32>
    %dot_general3A_12 = tpu.matmul %get3A_1, %get3A_10, %dot_general3A_11 {dimension_numbers = #tpu.dot_dimension_numbers<[1], [0], [0], [1], [0, 0, 1, 1], [], []>, transpose_lhs_hint = false} : vector<512x128xf32>, vector<128x64xf32>, vector<512x64xf32> -> vector<512x64xf32>
    %swap3A_13 = arith.constant 0 : index
    %swap3A_14 = arith.constant 0 : index
    %swap3A_15 = vector.load %arg5[%swap3A_13, %swap3A_14] : memref<512x64xf32, #tpu.memory_space<vmem>>, vector<512x64xf32>
    tpu.vector_store %arg5[%swap3A_13, %swap3A_14], %dot_general3A_12 {strides = array<i32>} : memref<512x64xf32, #tpu.memory_space<vmem>>, vector<512x64xf32>,
    return
  }
  func.func @transform_0(%arg0: i32) -> (i32, i32) {
    %c0_i32 = arith.constant 0 : i32
    %c0_i32_0 = arith.constant 0 : i32
    return %arg0, %c0_i32 : i32, i32
  }
  func.func @transform_1(%arg0: i32) -> (i32, i32) {
    %c0_i32 = arith.constant 0 : i32
    %c0_i32_0 = arith.constant 0 : i32
    %c0_i32_1 = arith.constant 0 : i32
    return %c0_i32, %c0_i32_0 : i32, i32
  }
  func.func @transform_2(%arg0: i32) -> (i32, i32) {
    %c0_i32 = arith.constant 0 : i32
    %c0_i32_0 = arith.constant 0 : i32
    %c0_i32_1 = arith.constant 0 : i32
    return %c0_i32, %c0_i32_0 : i32, i32
  }
  func.func @transform_3(%arg0: i32) -> (i32, i32) {
    %c0_i32 = arith.constant 0 : i32
    %c0_i32_0 = arith.constant 0 : i32
    return %arg0, %c0_i32 : i32, i32
  }
  func.func @transform_4(%arg0: i32) -> (i32, i32) {
    %c0_i32 = arith.constant 0 : i32
    %c0_i32_0 = arith.constant 0 : i32
    return %arg0, %c0_i32 : i32, i32
  }
}

module attributes {stable_mosaic.version = 14 : i64} {
  func.func @_attn_body(%arg0: i32, %arg1: memref<7x512x128xf32, #tpu.memory_space<vmem>>, %arg2: memref<512x64xf32, #tpu.memory_space<vmem>>, %arg3: memref<1x64xf32, #tpu.memory_space<vmem>>, %arg4: memref<1x64xf32, #tpu.memory_space<vmem>>, %arg5: memref<512x64xf32, #tpu.memory_space<vmem>>) attributes {dimension_semantics = [#tpu.dimension_semantics<arbitrary>], iteration_bounds = array<i64: 98>, scalar_prefetch = 0 : i64, scratch_operands = 0 : i64, tpu.core_type = #tpu.core_type<tc>, window_params = [{transform_indices = @transform_0, window_bounds = array<i64: 7, 512, 128>}, {transform_indices = @transform_1, window_bounds = array<i64: 512, 64>}, {pipeline_mode = #tpu.pipeline_mode<synchronous>, transform_indices = @transform_2, window_bounds = array<i64: 1, 64>}, {pipeline_mode = #tpu.pipeline_mode<synchronous>, transform_indices = @transform_3, window_bounds = array<i64: 1, 64>}, {transform_indices = @transform_4, window_bounds = array<i64: 512, 64>}]} {
    %get3A = arith.constant 0 : index
    %get3A_0 = arith.constant 0 : index
    %get3A_1 = vector.load %arg2[%get3A, %get3A_0] : memref<512x64xf32, #tpu.memory_space<vmem>>, vector<512x64xf32>
    %get3A_2 = arith.constant 0 : index
    %get3A_3 = arith.constant 0 : index
    %get3A_4 = arith.constant 0 : index
    %get3A_5 = vector.load %arg1[%get3A_2, %get3A_3, %get3A_4] : memref<7x512x128xf32, #tpu.memory_space<vmem>>, vector<1x512x128xf32>
    %get3A_6 = vector.shape_cast %get3A_5 : vector<1x512x128xf32> to vector<512x128xf32>
    %slice3A = vector.extract_strided_slice %get3A_6 {offsets = [0, 0], sizes = [512, 64], strides = [1, 1]} : vector<512x128xf32> to vector<512x64xf32>
    %get3A_7 = arith.constant 1 : index
    %get3A_8 = arith.constant 0 : index
    %get3A_9 = arith.constant 0 : index
    %get3A_10 = vector.load %arg1[%get3A_7, %get3A_8, %get3A_9] : memref<7x512x128xf32, #tpu.memory_space<vmem>>, vector<1x512x128xf32>
    %get3A_11 = vector.shape_cast %get3A_10 : vector<1x512x128xf32> to vector<512x128xf32>
    %slice3A_12 = vector.extract_strided_slice %get3A_11 {offsets = [0, 0], sizes = [512, 64], strides = [1, 1]} : vector<512x128xf32> to vector<512x64xf32>
    %get3A_13 = arith.constant 2 : index
    %get3A_14 = arith.constant 0 : index
    %get3A_15 = arith.constant 0 : index
    %get3A_16 = vector.load %arg1[%get3A_13, %get3A_14, %get3A_15] : memref<7x512x128xf32, #tpu.memory_space<vmem>>, vector<1x512x128xf32>
    %get3A_17 = vector.shape_cast %get3A_16 : vector<1x512x128xf32> to vector<512x128xf32>
    %slice3A_18 = vector.extract_strided_slice %get3A_17 {offsets = [0, 0], sizes = [512, 64], strides = [1, 1]} : vector<512x128xf32> to vector<512x64xf32>
    %get3A_19 = arith.constant 3 : index
    %get3A_20 = arith.constant 0 : index
    %get3A_21 = arith.constant 0 : index
    %get3A_22 = vector.load %arg1[%get3A_19, %get3A_20, %get3A_21] : memref<7x512x128xf32, #tpu.memory_space<vmem>>, vector<1x512x128xf32>
    %get3A_23 = vector.shape_cast %get3A_22 : vector<1x512x128xf32> to vector<512x128xf32>
    %slice3A_24 = vector.extract_strided_slice %get3A_23 {offsets = [0, 0], sizes = [512, 64], strides = [1, 1]} : vector<512x128xf32> to vector<512x64xf32>
    %get3A_25 = arith.constant 4 : index
    %get3A_26 = arith.constant 0 : index
    %get3A_27 = arith.constant 0 : index
    %get3A_28 = vector.load %arg1[%get3A_25, %get3A_26, %get3A_27] : memref<7x512x128xf32, #tpu.memory_space<vmem>>, vector<1x512x128xf32>
    %get3A_29 = vector.shape_cast %get3A_28 : vector<1x512x128xf32> to vector<512x128xf32>
    %slice3A_30 = vector.extract_strided_slice %get3A_29 {offsets = [0, 0], sizes = [512, 64], strides = [1, 1]} : vector<512x128xf32> to vector<512x64xf32>
    %get3A_31 = arith.constant 5 : index
    %get3A_32 = arith.constant 0 : index
    %get3A_33 = arith.constant 0 : index
    %get3A_34 = vector.load %arg1[%get3A_31, %get3A_32, %get3A_33] : memref<7x512x128xf32, #tpu.memory_space<vmem>>, vector<1x512x128xf32>
    %get3A_35 = vector.shape_cast %get3A_34 : vector<1x512x128xf32> to vector<512x128xf32>
    %slice3A_36 = vector.extract_strided_slice %get3A_35 {offsets = [0, 0], sizes = [512, 64], strides = [1, 1]} : vector<512x128xf32> to vector<512x64xf32>
    %get3A_37 = arith.constant 6 : index
    %get3A_38 = arith.constant 0 : index
    %get3A_39 = arith.constant 0 : index
    %get3A_40 = vector.load %arg1[%get3A_37, %get3A_38, %get3A_39] : memref<7x512x128xf32, #tpu.memory_space<vmem>>, vector<1x512x128xf32>
    %get3A_41 = vector.shape_cast %get3A_40 : vector<1x512x128xf32> to vector<512x128xf32>
    %slice3A_42 = vector.extract_strided_slice %get3A_41 {offsets = [0, 0], sizes = [512, 64], strides = [1, 1]} : vector<512x128xf32> to vector<512x64xf32>
    %get3A_43 = arith.constant 0 : index
    %get3A_44 = arith.constant 0 : index
    %get3A_45 = vector.load %arg3[%get3A_43, %get3A_44] : memref<1x64xf32, #tpu.memory_space<vmem>>, vector<1x64xf32>
    %iota3A = tpu.iota {dimensions = array<i32: 0>} : vector<64x4xi32>
    %jit3A = arith.constant 16 : i32
    %div3A = vector.broadcast %jit3A : i32 to vector<64x4xi32>
    %div3A_46 = arith.divsi %iota3A, %div3A : vector<64x4xi32>
    %sign3A = arith.constant 0 : i32
    %sign3A_47 = vector.broadcast %sign3A : i32 to vector<64x4xi32>
    %sign3A_48 = arith.cmpi sgt, %iota3A, %sign3A_47 : vector<64x4xi32>
    %sign3A_49 = arith.extui %sign3A_48 : vector<64x4xi1> to vector<64x4xi32>
    %sign3A_50 = arith.constant 0 : i32
    %sign3A_51 = vector.broadcast %sign3A_50 : i32 to vector<64x4xi32>
    %sign3A_52 = arith.cmpi slt, %iota3A, %sign3A_51 : vector<64x4xi32>
    %sign3A_53 = arith.extui %sign3A_52 : vector<64x4xi1> to vector<64x4xi32>
    %sign3A_54 = arith.subi %sign3A_49, %sign3A_53 : vector<64x4xi32>
    %sign3A_55 = arith.constant 0 : i32
    %sign3A_56 = arith.cmpi sgt, %jit3A, %sign3A_55 : i32
    %sign3A_57 = arith.extui %sign3A_56 : i1 to i32
    %sign3A_58 = arith.constant 0 : i32
    %sign3A_59 = arith.cmpi slt, %jit3A, %sign3A_58 : i32
    %sign3A_60 = arith.extui %sign3A_59 : i1 to i32
    %sign3A_61 = arith.subi %sign3A_57, %sign3A_60 : i32
    %ne3A = vector.broadcast %sign3A_61 : i32 to vector<64x4xi32>
    %ne3A_62 = arith.cmpi ne, %sign3A_54, %ne3A : vector<64x4xi32>
    %rem3A = vector.broadcast %jit3A : i32 to vector<64x4xi32>
    %rem3A_63 = arith.remsi %iota3A, %rem3A : vector<64x4xi32>
    %ne3A_64 = arith.constant 0 : i32
    %ne3A_65 = vector.broadcast %ne3A_64 : i32 to vector<64x4xi32>
    %ne3A_66 = arith.cmpi ne, %rem3A_63, %ne3A_65 : vector<64x4xi32>
    %and3A = arith.andi %ne3A_62, %ne3A_66 : vector<64x4xi1>
    %sub3A = arith.constant 1 : i32
    %sub3A_67 = vector.broadcast %sub3A : i32 to vector<64x4xi32>
    %sub3A_68 = arith.subi %div3A_46, %sub3A_67 : vector<64x4xi32>
    %select_n3A = arith.select %and3A, %sub3A_68, %div3A_46 : vector<64x4xi1>, vector<64x4xi32>
    %iota3A_69 = tpu.iota {dimensions = array<i32: 1>} : vector<64x4xi32>
    %eq3A = arith.cmpi eq, %select_n3A, %iota3A_69 : vector<64x4xi32>
    %convert_element_type3A = arith.extui %eq3A : vector<64x4xi1> to vector<64x4xi32>
    %convert_element_type3A_70 = arith.sitofp %convert_element_type3A : vector<64x4xi32> to vector<64x4xf32>
    %iota3A_71 = tpu.iota {dimensions = array<i32: 0>} : vector<4x64xi32>
    %iota3A_72 = tpu.iota {dimensions = array<i32: 1>} : vector<4x64xi32>
    %jit3A_73 = arith.constant 16 : i32
    %div3A_74 = vector.broadcast %jit3A_73 : i32 to vector<4x64xi32>
    %div3A_75 = arith.divsi %iota3A_72, %div3A_74 : vector<4x64xi32>
    %sign3A_76 = arith.constant 0 : i32
    %sign3A_77 = vector.broadcast %sign3A_76 : i32 to vector<4x64xi32>
    %sign3A_78 = arith.cmpi sgt, %iota3A_72, %sign3A_77 : vector<4x64xi32>
    %sign3A_79 = arith.extui %sign3A_78 : vector<4x64xi1> to vector<4x64xi32>
    %sign3A_80 = arith.constant 0 : i32
    %sign3A_81 = vector.broadcast %sign3A_80 : i32 to vector<4x64xi32>
    %sign3A_82 = arith.cmpi slt, %iota3A_72, %sign3A_81 : vector<4x64xi32>
    %sign3A_83 = arith.extui %sign3A_82 : vector<4x64xi1> to vector<4x64xi32>
    %sign3A_84 = arith.subi %sign3A_79, %sign3A_83 : vector<4x64xi32>
    %sign3A_85 = arith.constant 0 : i32
    %sign3A_86 = arith.cmpi sgt, %jit3A_73, %sign3A_85 : i32
    %sign3A_87 = arith.extui %sign3A_86 : i1 to i32
    %sign3A_88 = arith.constant 0 : i32
    %sign3A_89 = arith.cmpi slt, %jit3A_73, %sign3A_88 : i32
    %sign3A_90 = arith.extui %sign3A_89 : i1 to i32
    %sign3A_91 = arith.subi %sign3A_87, %sign3A_90 : i32
    %ne3A_92 = vector.broadcast %sign3A_91 : i32 to vector<4x64xi32>
    %ne3A_93 = arith.cmpi ne, %sign3A_84, %ne3A_92 : vector<4x64xi32>
    %rem3A_94 = vector.broadcast %jit3A_73 : i32 to vector<4x64xi32>
    %rem3A_95 = arith.remsi %iota3A_72, %rem3A_94 : vector<4x64xi32>
    %ne3A_96 = arith.constant 0 : i32
    %ne3A_97 = vector.broadcast %ne3A_96 : i32 to vector<4x64xi32>
    %ne3A_98 = arith.cmpi ne, %rem3A_95, %ne3A_97 : vector<4x64xi32>
    %and3A_99 = arith.andi %ne3A_93, %ne3A_98 : vector<4x64xi1>
    %sub3A_100 = arith.constant 1 : i32
    %sub3A_101 = vector.broadcast %sub3A_100 : i32 to vector<4x64xi32>
    %sub3A_102 = arith.subi %div3A_75, %sub3A_101 : vector<4x64xi32>
    %select_n3A_103 = arith.select %and3A_99, %sub3A_102, %div3A_75 : vector<4x64xi1>, vector<4x64xi32>
    %eq3A_104 = arith.cmpi eq, %iota3A_71, %select_n3A_103 : vector<4x64xi32>
    %convert_element_type3A_105 = arith.extui %eq3A_104 : vector<4x64xi1> to vector<4x64xi32>
    %convert_element_type3A_106 = arith.sitofp %convert_element_type3A_105 : vector<4x64xi32> to vector<4x64xf32>
    %add3A = arith.addf %slice3A, %get3A_1 : vector<512x64xf32>
    %ge3A = arith.constant 0.000000e+00 : f32
    %ge3A_107 = vector.broadcast %ge3A : f32 to vector<512x64xf32>
    %ge3A_108 = arith.cmpf oge, %add3A, %ge3A_107 : vector<512x64xf32>
    %mul3A = arith.constant 2.000000e-01 : f32
    %mul3A_109 = vector.broadcast %mul3A : f32 to vector<512x64xf32>
    %mul3A_110 = arith.mulf %mul3A_109, %add3A : vector<512x64xf32>
    %select_n3A_111 = arith.select %ge3A_108, %add3A, %mul3A_110 : vector<512x64xi1>, vector<512x64xf32>
    %mul3A_112 = vector.broadcast %get3A_45 : vector<1x64xf32> to vector<512x64xf32>
    %mul3A_113 = arith.mulf %select_n3A_111, %mul3A_112 : vector<512x64xf32>
    %dot_general3A = arith.constant dense<0.000000e+00> : vector<512x4xf32>
    %dot_general3A_114 = tpu.matmul %mul3A_113, %convert_element_type3A_70, %dot_general3A {dimension_numbers = #tpu.dot_dimension_numbers<[1], [0], [0], [1], [0, 0, 1, 1], [], []>, transpose_lhs_hint = false} : vector<512x64xf32>, vector<64x4xf32>, vector<512x4xf32> -> vector<512x4xf32>
    %add3A_115 = arith.addf %slice3A_12, %get3A_1 : vector<512x64xf32>
    %ge3A_116 = arith.constant 0.000000e+00 : f32
    %ge3A_117 = vector.broadcast %ge3A_116 : f32 to vector<512x64xf32>
    %ge3A_118 = arith.cmpf oge, %add3A_115, %ge3A_117 : vector<512x64xf32>
    %mul3A_119 = arith.constant 2.000000e-01 : f32
    %mul3A_120 = vector.broadcast %mul3A_119 : f32 to vector<512x64xf32>
    %mul3A_121 = arith.mulf %mul3A_120, %add3A_115 : vector<512x64xf32>
    %select_n3A_122 = arith.select %ge3A_118, %add3A_115, %mul3A_121 : vector<512x64xi1>, vector<512x64xf32>
    %mul3A_123 = vector.broadcast %get3A_45 : vector<1x64xf32> to vector<512x64xf32>
    %mul3A_124 = arith.mulf %select_n3A_122, %mul3A_123 : vector<512x64xf32>
    %dot_general3A_125 = arith.constant dense<0.000000e+00> : vector<512x4xf32>
    %dot_general3A_126 = tpu.matmul %mul3A_124, %convert_element_type3A_70, %dot_general3A_125 {dimension_numbers = #tpu.dot_dimension_numbers<[1], [0], [0], [1], [0, 0, 1, 1], [], []>, transpose_lhs_hint = false} : vector<512x64xf32>, vector<64x4xf32>, vector<512x4xf32> -> vector<512x4xf32>
    %add3A_127 = arith.addf %slice3A_18, %get3A_1 : vector<512x64xf32>
    %ge3A_128 = arith.constant 0.000000e+00 : f32
    %ge3A_129 = vector.broadcast %ge3A_128 : f32 to vector<512x64xf32>
    %ge3A_130 = arith.cmpf oge, %add3A_127, %ge3A_129 : vector<512x64xf32>
    %mul3A_131 = arith.constant 2.000000e-01 : f32
    %mul3A_132 = vector.broadcast %mul3A_131 : f32 to vector<512x64xf32>
    %mul3A_133 = arith.mulf %mul3A_132, %add3A_127 : vector<512x64xf32>
    %select_n3A_134 = arith.select %ge3A_130, %add3A_127, %mul3A_133 : vector<512x64xi1>, vector<512x64xf32>
    %mul3A_135 = vector.broadcast %get3A_45 : vector<1x64xf32> to vector<512x64xf32>
    %mul3A_136 = arith.mulf %select_n3A_134, %mul3A_135 : vector<512x64xf32>
    %dot_general3A_137 = arith.constant dense<0.000000e+00> : vector<512x4xf32>
    %dot_general3A_138 = tpu.matmul %mul3A_136, %convert_element_type3A_70, %dot_general3A_137 {dimension_numbers = #tpu.dot_dimension_numbers<[1], [0], [0], [1], [0, 0, 1, 1], [], []>, transpose_lhs_hint = false} : vector<512x64xf32>, vector<64x4xf32>, vector<512x4xf32> -> vector<512x4xf32>
    %add3A_139 = arith.addf %slice3A_24, %get3A_1 : vector<512x64xf32>
    %ge3A_140 = arith.constant 0.000000e+00 : f32
    %ge3A_141 = vector.broadcast %ge3A_140 : f32 to vector<512x64xf32>
    %ge3A_142 = arith.cmpf oge, %add3A_139, %ge3A_141 : vector<512x64xf32>
    %mul3A_143 = arith.constant 2.000000e-01 : f32
    %mul3A_144 = vector.broadcast %mul3A_143 : f32 to vector<512x64xf32>
    %mul3A_145 = arith.mulf %mul3A_144, %add3A_139 : vector<512x64xf32>
    %select_n3A_146 = arith.select %ge3A_142, %add3A_139, %mul3A_145 : vector<512x64xi1>, vector<512x64xf32>
    %mul3A_147 = vector.broadcast %get3A_45 : vector<1x64xf32> to vector<512x64xf32>
    %mul3A_148 = arith.mulf %select_n3A_146, %mul3A_147 : vector<512x64xf32>
    %dot_general3A_149 = arith.constant dense<0.000000e+00> : vector<512x4xf32>
    %dot_general3A_150 = tpu.matmul %mul3A_148, %convert_element_type3A_70, %dot_general3A_149 {dimension_numbers = #tpu.dot_dimension_numbers<[1], [0], [0], [1], [0, 0, 1, 1], [], []>, transpose_lhs_hint = false} : vector<512x64xf32>, vector<64x4xf32>, vector<512x4xf32> -> vector<512x4xf32>
    %add3A_151 = arith.addf %slice3A_30, %get3A_1 : vector<512x64xf32>
    %ge3A_152 = arith.constant 0.000000e+00 : f32
    %ge3A_153 = vector.broadcast %ge3A_152 : f32 to vector<512x64xf32>
    %ge3A_154 = arith.cmpf oge, %add3A_151, %ge3A_153 : vector<512x64xf32>
    %mul3A_155 = arith.constant 2.000000e-01 : f32
    %mul3A_156 = vector.broadcast %mul3A_155 : f32 to vector<512x64xf32>
    %mul3A_157 = arith.mulf %mul3A_156, %add3A_151 : vector<512x64xf32>
    %select_n3A_158 = arith.select %ge3A_154, %add3A_151, %mul3A_157 : vector<512x64xi1>, vector<512x64xf32>
    %mul3A_159 = vector.broadcast %get3A_45 : vector<1x64xf32> to vector<512x64xf32>
    %mul3A_160 = arith.mulf %select_n3A_158, %mul3A_159 : vector<512x64xf32>
    %dot_general3A_161 = arith.constant dense<0.000000e+00> : vector<512x4xf32>
    %dot_general3A_162 = tpu.matmul %mul3A_160, %convert_element_type3A_70, %dot_general3A_161 {dimension_numbers = #tpu.dot_dimension_numbers<[1], [0], [0], [1], [0, 0, 1, 1], [], []>, transpose_lhs_hint = false} : vector<512x64xf32>, vector<64x4xf32>, vector<512x4xf32> -> vector<512x4xf32>
    %add3A_163 = arith.addf %slice3A_36, %get3A_1 : vector<512x64xf32>
    %ge3A_164 = arith.constant 0.000000e+00 : f32
    %ge3A_165 = vector.broadcast %ge3A_164 : f32 to vector<512x64xf32>
    %ge3A_166 = arith.cmpf oge, %add3A_163, %ge3A_165 : vector<512x64xf32>
    %mul3A_167 = arith.constant 2.000000e-01 : f32
    %mul3A_168 = vector.broadcast %mul3A_167 : f32 to vector<512x64xf32>
    %mul3A_169 = arith.mulf %mul3A_168, %add3A_163 : vector<512x64xf32>
    %select_n3A_170 = arith.select %ge3A_166, %add3A_163, %mul3A_169 : vector<512x64xi1>, vector<512x64xf32>
    %mul3A_171 = vector.broadcast %get3A_45 : vector<1x64xf32> to vector<512x64xf32>
    %mul3A_172 = arith.mulf %select_n3A_170, %mul3A_171 : vector<512x64xf32>
    %dot_general3A_173 = arith.constant dense<0.000000e+00> : vector<512x4xf32>
    %dot_general3A_174 = tpu.matmul %mul3A_172, %convert_element_type3A_70, %dot_general3A_173 {dimension_numbers = #tpu.dot_dimension_numbers<[1], [0], [0], [1], [0, 0, 1, 1], [], []>, transpose_lhs_hint = false} : vector<512x64xf32>, vector<64x4xf32>, vector<512x4xf32> -> vector<512x4xf32>
    %add3A_175 = arith.addf %slice3A_42, %get3A_1 : vector<512x64xf32>
    %ge3A_176 = arith.constant 0.000000e+00 : f32
    %ge3A_177 = vector.broadcast %ge3A_176 : f32 to vector<512x64xf32>
    %ge3A_178 = arith.cmpf oge, %add3A_175, %ge3A_177 : vector<512x64xf32>
    %mul3A_179 = arith.constant 2.000000e-01 : f32
    %mul3A_180 = vector.broadcast %mul3A_179 : f32 to vector<512x64xf32>
    %mul3A_181 = arith.mulf %mul3A_180, %add3A_175 : vector<512x64xf32>
    %select_n3A_182 = arith.select %ge3A_178, %add3A_175, %mul3A_181 : vector<512x64xi1>, vector<512x64xf32>
    %mul3A_183 = vector.broadcast %get3A_45 : vector<1x64xf32> to vector<512x64xf32>
    %mul3A_184 = arith.mulf %select_n3A_182, %mul3A_183 : vector<512x64xf32>
    %dot_general3A_185 = arith.constant dense<0.000000e+00> : vector<512x4xf32>
    %dot_general3A_186 = tpu.matmul %mul3A_184, %convert_element_type3A_70, %dot_general3A_185 {dimension_numbers = #tpu.dot_dimension_numbers<[1], [0], [0], [1], [0, 0, 1, 1], [], []>, transpose_lhs_hint = false} : vector<512x64xf32>, vector<64x4xf32>, vector<512x4xf32> -> vector<512x4xf32>
    %max3A = arith.maximumf %dot_general3A_114, %dot_general3A_126 : vector<512x4xf32>
    %max3A_187 = arith.maximumf %max3A, %dot_general3A_138 : vector<512x4xf32>
    %max3A_188 = arith.maximumf %max3A_187, %dot_general3A_150 : vector<512x4xf32>
    %max3A_189 = arith.maximumf %max3A_188, %dot_general3A_162 : vector<512x4xf32>
    %max3A_190 = arith.maximumf %max3A_189, %dot_general3A_174 : vector<512x4xf32>
    %max3A_191 = arith.maximumf %max3A_190, %dot_general3A_186 : vector<512x4xf32>
    %sub3A_192 = arith.subf %dot_general3A_114, %max3A_191 : vector<512x4xf32>
    %exp3A = math.exp %sub3A_192 : vector<512x4xf32>
    %sub3A_193 = arith.subf %dot_general3A_126, %max3A_191 : vector<512x4xf32>
    %exp3A_194 = math.exp %sub3A_193 : vector<512x4xf32>
    %sub3A_195 = arith.subf %dot_general3A_138, %max3A_191 : vector<512x4xf32>
    %exp3A_196 = math.exp %sub3A_195 : vector<512x4xf32>
    %sub3A_197 = arith.subf %dot_general3A_150, %max3A_191 : vector<512x4xf32>
    %exp3A_198 = math.exp %sub3A_197 : vector<512x4xf32>
    %sub3A_199 = arith.subf %dot_general3A_162, %max3A_191 : vector<512x4xf32>
    %exp3A_200 = math.exp %sub3A_199 : vector<512x4xf32>
    %sub3A_201 = arith.subf %dot_general3A_174, %max3A_191 : vector<512x4xf32>
    %exp3A_202 = math.exp %sub3A_201 : vector<512x4xf32>
    %sub3A_203 = arith.subf %dot_general3A_186, %max3A_191 : vector<512x4xf32>
    %exp3A_204 = math.exp %sub3A_203 : vector<512x4xf32>
    %add3A_205 = arith.addf %exp3A, %exp3A_194 : vector<512x4xf32>
    %add3A_206 = arith.addf %add3A_205, %exp3A_196 : vector<512x4xf32>
    %add3A_207 = arith.addf %add3A_206, %exp3A_198 : vector<512x4xf32>
    %add3A_208 = arith.addf %add3A_207, %exp3A_200 : vector<512x4xf32>
    %add3A_209 = arith.addf %add3A_208, %exp3A_202 : vector<512x4xf32>
    %add3A_210 = arith.addf %add3A_209, %exp3A_204 : vector<512x4xf32>
    %broadcast_in_dim3A = arith.constant 0.000000e+00 : f32
    %broadcast_in_dim3A_211 = vector.broadcast %broadcast_in_dim3A : f32 to vector<512x64xf32>
    %add3A_212 = arith.constant 1.000000e-16 : f32
    %add3A_213 = vector.broadcast %add3A_212 : f32 to vector<512x4xf32>
    %add3A_214 = arith.addf %add3A_210, %add3A_213 : vector<512x4xf32>
    %div3A_215 = arith.divf %exp3A, %add3A_214 : vector<512x4xf32>
    %dot_general3A_216 = arith.constant dense<0.000000e+00> : vector<512x64xf32>
    %dot_general3A_217 = tpu.matmul %div3A_215, %convert_element_type3A_106, %dot_general3A_216 {dimension_numbers = #tpu.dot_dimension_numbers<[1], [0], [0], [1], [0, 0, 1, 1], [], []>, transpose_lhs_hint = false} : vector<512x4xf32>, vector<4x64xf32>, vector<512x64xf32> -> vector<512x64xf32>
    %mul3A_218 = arith.mulf %slice3A, %dot_general3A_217 : vector<512x64xf32>
    %add3A_219 = arith.addf %broadcast_in_dim3A_211, %mul3A_218 : vector<512x64xf32>
    %add3A_220 = arith.constant 1.000000e-16 : f32
    %add3A_221 = vector.broadcast %add3A_220 : f32 to vector<512x4xf32>
    %add3A_222 = arith.addf %add3A_210, %add3A_221 : vector<512x4xf32>
    %div3A_223 = arith.divf %exp3A_194, %add3A_222 : vector<512x4xf32>
    %dot_general3A_224 = arith.constant dense<0.000000e+00> : vector<512x64xf32>
    %dot_general3A_225 = tpu.matmul %div3A_223, %convert_element_type3A_106, %dot_general3A_224 {dimension_numbers = #tpu.dot_dimension_numbers<[1], [0], [0], [1], [0, 0, 1, 1], [], []>, transpose_lhs_hint = false} : vector<512x4xf32>, vector<4x64xf32>, vector<512x64xf32> -> vector<512x64xf32>
    %mul3A_226 = arith.mulf %slice3A_12, %dot_general3A_225 : vector<512x64xf32>
    %add3A_227 = arith.addf %add3A_219, %mul3A_226 : vector<512x64xf32>
    %add3A_228 = arith.constant 1.000000e-16 : f32
    %add3A_229 = vector.broadcast %add3A_228 : f32 to vector<512x4xf32>
    %add3A_230 = arith.addf %add3A_210, %add3A_229 : vector<512x4xf32>
    %div3A_231 = arith.divf %exp3A_196, %add3A_230 : vector<512x4xf32>
    %dot_general3A_232 = arith.constant dense<0.000000e+00> : vector<512x64xf32>
    %dot_general3A_233 = tpu.matmul %div3A_231, %convert_element_type3A_106, %dot_general3A_232 {dimension_numbers = #tpu.dot_dimension_numbers<[1], [0], [0], [1], [0, 0, 1, 1], [], []>, transpose_lhs_hint = false} : vector<512x4xf32>, vector<4x64xf32>, vector<512x64xf32> -> vector<512x64xf32>
    %mul3A_234 = arith.mulf %slice3A_18, %dot_general3A_233 : vector<512x64xf32>
    %add3A_235 = arith.addf %add3A_227, %mul3A_234 : vector<512x64xf32>
    %add3A_236 = arith.constant 1.000000e-16 : f32
    %add3A_237 = vector.broadcast %add3A_236 : f32 to vector<512x4xf32>
    %add3A_238 = arith.addf %add3A_210, %add3A_237 : vector<512x4xf32>
    %div3A_239 = arith.divf %exp3A_198, %add3A_238 : vector<512x4xf32>
    %dot_general3A_240 = arith.constant dense<0.000000e+00> : vector<512x64xf32>
    %dot_general3A_241 = tpu.matmul %div3A_239, %convert_element_type3A_106, %dot_general3A_240 {dimension_numbers = #tpu.dot_dimension_numbers<[1], [0], [0], [1], [0, 0, 1, 1], [], []>, transpose_lhs_hint = false} : vector<512x4xf32>, vector<4x64xf32>, vector<512x64xf32> -> vector<512x64xf32>
    %mul3A_242 = arith.mulf %slice3A_24, %dot_general3A_241 : vector<512x64xf32>
    %add3A_243 = arith.addf %add3A_235, %mul3A_242 : vector<512x64xf32>
    %add3A_244 = arith.constant 1.000000e-16 : f32
    %add3A_245 = vector.broadcast %add3A_244 : f32 to vector<512x4xf32>
    %add3A_246 = arith.addf %add3A_210, %add3A_245 : vector<512x4xf32>
    %div3A_247 = arith.divf %exp3A_200, %add3A_246 : vector<512x4xf32>
    %dot_general3A_248 = arith.constant dense<0.000000e+00> : vector<512x64xf32>
    %dot_general3A_249 = tpu.matmul %div3A_247, %convert_element_type3A_106, %dot_general3A_248 {dimension_numbers = #tpu.dot_dimension_numbers<[1], [0], [0], [1], [0, 0, 1, 1], [], []>, transpose_lhs_hint = false} : vector<512x4xf32>, vector<4x64xf32>, vector<512x64xf32> -> vector<512x64xf32>
    %mul3A_250 = arith.mulf %slice3A_30, %dot_general3A_249 : vector<512x64xf32>
    %add3A_251 = arith.addf %add3A_243, %mul3A_250 : vector<512x64xf32>
    %add3A_252 = arith.constant 1.000000e-16 : f32
    %add3A_253 = vector.broadcast %add3A_252 : f32 to vector<512x4xf32>
    %add3A_254 = arith.addf %add3A_210, %add3A_253 : vector<512x4xf32>
    %div3A_255 = arith.divf %exp3A_202, %add3A_254 : vector<512x4xf32>
    %dot_general3A_256 = arith.constant dense<0.000000e+00> : vector<512x64xf32>
    %dot_general3A_257 = tpu.matmul %div3A_255, %convert_element_type3A_106, %dot_general3A_256 {dimension_numbers = #tpu.dot_dimension_numbers<[1], [0], [0], [1], [0, 0, 1, 1], [], []>, transpose_lhs_hint = false} : vector<512x4xf32>, vector<4x64xf32>, vector<512x64xf32> -> vector<512x64xf32>
    %mul3A_258 = arith.mulf %slice3A_36, %dot_general3A_257 : vector<512x64xf32>
    %add3A_259 = arith.addf %add3A_251, %mul3A_258 : vector<512x64xf32>
    %add3A_260 = arith.constant 1.000000e-16 : f32
    %add3A_261 = vector.broadcast %add3A_260 : f32 to vector<512x4xf32>
    %add3A_262 = arith.addf %add3A_210, %add3A_261 : vector<512x4xf32>
    %div3A_263 = arith.divf %exp3A_204, %add3A_262 : vector<512x4xf32>
    %dot_general3A_264 = arith.constant dense<0.000000e+00> : vector<512x64xf32>
    %dot_general3A_265 = tpu.matmul %div3A_263, %convert_element_type3A_106, %dot_general3A_264 {dimension_numbers = #tpu.dot_dimension_numbers<[1], [0], [0], [1], [0, 0, 1, 1], [], []>, transpose_lhs_hint = false} : vector<512x4xf32>, vector<4x64xf32>, vector<512x64xf32> -> vector<512x64xf32>
    %mul3A_266 = arith.mulf %slice3A_42, %dot_general3A_265 : vector<512x64xf32>
    %add3A_267 = arith.addf %add3A_259, %mul3A_266 : vector<512x64xf32>
    %get3A_268 = arith.constant 0 : index
    %get3A_269 = arith.constant 0 : index
    %get3A_270 = vector.load %arg4[%get3A_268, %get3A_269] : memref<1x64xf32, #tpu.memory_space<vmem>>, vector<1x64xf32>
    %add3A_271 = vector.broadcast %get3A_270 : vector<1x64xf32> to vector<512x64xf32>
    %add3A_272 = arith.addf %add3A_267, %add3A_271 : vector<512x64xf32>
    %max3A_273 = arith.constant 0.000000e+00 : f32
    %max3A_274 = vector.broadcast %max3A_273 : f32 to vector<512x64xf32>
    %max3A_275 = arith.maximumf %add3A_272, %max3A_274 : vector<512x64xf32>
    %swap3A = arith.constant 0 : index
    %swap3A_276 = arith.constant 0 : index
    %swap3A_277 = vector.load %arg5[%swap3A, %swap3A_276] : memref<512x64xf32, #tpu.memory_space<vmem>>, vector<512x64xf32>
    tpu.vector_store %arg5[%swap3A, %swap3A_276], %max3A_275 {strides = array<i32>} : memref<512x64xf32, #tpu.memory_space<vmem>>, vector<512x64xf32>,
    return
  }
  func.func @transform_0(%arg0: i32) -> (i32, i32, i32) {
    %c0_i32 = arith.constant 0 : i32
    %c0_i32_0 = arith.constant 0 : i32
    %c0_i32_1 = arith.constant 0 : i32
    return %c0_i32, %arg0, %c0_i32_0 : i32, i32, i32
  }
  func.func @transform_1(%arg0: i32) -> (i32, i32) {
    %c0_i32 = arith.constant 0 : i32
    %c0_i32_0 = arith.constant 0 : i32
    return %arg0, %c0_i32 : i32, i32
  }
  func.func @transform_2(%arg0: i32) -> (i32, i32) {
    %c0_i32 = arith.constant 0 : i32
    %c0_i32_0 = arith.constant 0 : i32
    %c0_i32_1 = arith.constant 0 : i32
    return %c0_i32, %c0_i32_0 : i32, i32
  }
  func.func @transform_3(%arg0: i32) -> (i32, i32) {
    %c0_i32 = arith.constant 0 : i32
    %c0_i32_0 = arith.constant 0 : i32
    %c0_i32_1 = arith.constant 0 : i32
    return %c0_i32, %c0_i32_0 : i32, i32
  }
  func.func @transform_4(%arg0: i32) -> (i32, i32) {
    %c0_i32 = arith.constant 0 : i32
    %c0_i32_0 = arith.constant 0 : i32
    return %arg0, %c0_i32 : i32, i32
  }
}

module attributes {stable_mosaic.version = 14 : i64} {
  func.func @_proj_body(%arg0: i32, %arg1: memref<512x64xf32, #tpu.memory_space<vmem>>, %arg2: memref<64x128xf32, #tpu.memory_space<vmem>>, %arg3: memref<64x128xf32, #tpu.memory_space<vmem>>, %arg4: memref<512x128xf32, #tpu.memory_space<vmem>>, %arg5: memref<512x128xf32, #tpu.memory_space<vmem>>) attributes {dimension_semantics = [#tpu.dimension_semantics<arbitrary>], iteration_bounds = array<i64: 98>, scalar_prefetch = 0 : i64, scratch_operands = 0 : i64, tpu.core_type = #tpu.core_type<tc>, window_params = [{transform_indices = @transform_0, window_bounds = array<i64: 512, 64>}, {pipeline_mode = #tpu.pipeline_mode<synchronous>, transform_indices = @transform_1, window_bounds = array<i64: 64, 128>}, {pipeline_mode = #tpu.pipeline_mode<synchronous>, transform_indices = @transform_2, window_bounds = array<i64: 64, 128>}, {transform_indices = @transform_3, window_bounds = array<i64: 512, 128>}, {transform_indices = @transform_4, window_bounds = array<i64: 512, 128>}]} {
    %get3A = arith.constant 0 : index
    %get3A_0 = arith.constant 0 : index
    %get3A_1 = vector.load %arg1[%get3A, %get3A_0] : memref<512x64xf32, #tpu.memory_space<vmem>>, vector<512x64xf32>
    %get3A_2 = arith.constant 0 : index
    %get3A_3 = arith.constant 0 : index
    %get3A_4 = vector.load %arg2[%get3A_2, %get3A_3] : memref<64x128xf32, #tpu.memory_space<vmem>>, vector<64x128xf32>
    %dot_general3A = arith.constant dense<0.000000e+00> : vector<512x128xf32>
    %dot_general3A_5 = tpu.matmul %get3A_1, %get3A_4, %dot_general3A {dimension_numbers = #tpu.dot_dimension_numbers<[1], [0], [0], [1], [0, 0, 1, 1], [], []>, transpose_lhs_hint = false} : vector<512x64xf32>, vector<64x128xf32>, vector<512x128xf32> -> vector<512x128xf32>
    %swap3A = arith.constant 0 : index
    %swap3A_6 = arith.constant 0 : index
    %swap3A_7 = vector.load %arg4[%swap3A, %swap3A_6] : memref<512x128xf32, #tpu.memory_space<vmem>>, vector<512x128xf32>
    tpu.vector_store %arg4[%swap3A, %swap3A_6], %dot_general3A_5 {strides = array<i32>} : memref<512x128xf32, #tpu.memory_space<vmem>>, vector<512x128xf32>,
    %get3A_8 = arith.constant 0 : index
    %get3A_9 = arith.constant 0 : index
    %get3A_10 = vector.load %arg3[%get3A_8, %get3A_9] : memref<64x128xf32, #tpu.memory_space<vmem>>, vector<64x128xf32>
    %dot_general3A_11 = arith.constant dense<0.000000e+00> : vector<512x128xf32>
    %dot_general3A_12 = tpu.matmul %get3A_1, %get3A_10, %dot_general3A_11 {dimension_numbers = #tpu.dot_dimension_numbers<[1], [0], [0], [1], [0, 0, 1, 1], [], []>, transpose_lhs_hint = false} : vector<512x64xf32>, vector<64x128xf32>, vector<512x128xf32> -> vector<512x128xf32>
    %swap3A_13 = arith.constant 0 : index
    %swap3A_14 = arith.constant 0 : index
    %swap3A_15 = vector.load %arg5[%swap3A_13, %swap3A_14] : memref<512x128xf32, #tpu.memory_space<vmem>>, vector<512x128xf32>
    tpu.vector_store %arg5[%swap3A_13, %swap3A_14], %dot_general3A_12 {strides = array<i32>} : memref<512x128xf32, #tpu.memory_space<vmem>>, vector<512x128xf32>,
    return
  }
  func.func @transform_0(%arg0: i32) -> (i32, i32) {
    %c0_i32 = arith.constant 0 : i32
    %c0_i32_0 = arith.constant 0 : i32
    return %arg0, %c0_i32 : i32, i32
  }
  func.func @transform_1(%arg0: i32) -> (i32, i32) {
    %c0_i32 = arith.constant 0 : i32
    %c0_i32_0 = arith.constant 0 : i32
    %c0_i32_1 = arith.constant 0 : i32
    return %c0_i32, %c0_i32_0 : i32, i32
  }
  func.func @transform_2(%arg0: i32) -> (i32, i32) {
    %c0_i32 = arith.constant 0 : i32
    %c0_i32_0 = arith.constant 0 : i32
    %c0_i32_1 = arith.constant 0 : i32
    return %c0_i32, %c0_i32_0 : i32, i32
  }
  func.func @transform_3(%arg0: i32) -> (i32, i32) {
    %c0_i32 = arith.constant 0 : i32
    %c0_i32_0 = arith.constant 0 : i32
    return %arg0, %c0_i32 : i32, i32
  }
  func.func @transform_4(%arg0: i32) -> (i32, i32) {
    %c0_i32 = arith.constant 0 : i32
    %c0_i32_0 = arith.constant 0 : i32
    return %arg0, %c0_i32 : i32, i32
  }
}

module attributes {stable_mosaic.version = 14 : i64} {
  func.func @_attn_body(%arg0: i32, %arg1: memref<7x512x128xf32, #tpu.memory_space<vmem>>, %arg2: memref<512x128xf32, #tpu.memory_space<vmem>>, %arg3: memref<1x128xf32, #tpu.memory_space<vmem>>, %arg4: memref<1x128xf32, #tpu.memory_space<vmem>>, %arg5: memref<512x128xf32, #tpu.memory_space<vmem>>) attributes {dimension_semantics = [#tpu.dimension_semantics<arbitrary>], iteration_bounds = array<i64: 98>, scalar_prefetch = 0 : i64, scratch_operands = 0 : i64, tpu.core_type = #tpu.core_type<tc>, window_params = [{transform_indices = @transform_0, window_bounds = array<i64: 7, 512, 128>}, {transform_indices = @transform_1, window_bounds = array<i64: 512, 128>}, {pipeline_mode = #tpu.pipeline_mode<synchronous>, transform_indices = @transform_2, window_bounds = array<i64: 1, 128>}, {pipeline_mode = #tpu.pipeline_mode<synchronous>, transform_indices = @transform_3, window_bounds = array<i64: 1, 128>}, {transform_indices = @transform_4, window_bounds = array<i64: 512, 128>}]} {
    %get3A = arith.constant 0 : index
    %get3A_0 = arith.constant 0 : index
    %get3A_1 = vector.load %arg2[%get3A, %get3A_0] : memref<512x128xf32, #tpu.memory_space<vmem>>, vector<512x128xf32>
    %get3A_2 = arith.constant 0 : index
    %get3A_3 = arith.constant 0 : index
    %get3A_4 = arith.constant 0 : index
    %get3A_5 = vector.load %arg1[%get3A_2, %get3A_3, %get3A_4] : memref<7x512x128xf32, #tpu.memory_space<vmem>>, vector<1x512x128xf32>
    %get3A_6 = vector.shape_cast %get3A_5 : vector<1x512x128xf32> to vector<512x128xf32>
    %get3A_7 = arith.constant 1 : index
    %get3A_8 = arith.constant 0 : index
    %get3A_9 = arith.constant 0 : index
    %get3A_10 = vector.load %arg1[%get3A_7, %get3A_8, %get3A_9] : memref<7x512x128xf32, #tpu.memory_space<vmem>>, vector<1x512x128xf32>
    %get3A_11 = vector.shape_cast %get3A_10 : vector<1x512x128xf32> to vector<512x128xf32>
    %get3A_12 = arith.constant 2 : index
    %get3A_13 = arith.constant 0 : index
    %get3A_14 = arith.constant 0 : index
    %get3A_15 = vector.load %arg1[%get3A_12, %get3A_13, %get3A_14] : memref<7x512x128xf32, #tpu.memory_space<vmem>>, vector<1x512x128xf32>
    %get3A_16 = vector.shape_cast %get3A_15 : vector<1x512x128xf32> to vector<512x128xf32>
    %get3A_17 = arith.constant 3 : index
    %get3A_18 = arith.constant 0 : index
    %get3A_19 = arith.constant 0 : index
    %get3A_20 = vector.load %arg1[%get3A_17, %get3A_18, %get3A_19] : memref<7x512x128xf32, #tpu.memory_space<vmem>>, vector<1x512x128xf32>
    %get3A_21 = vector.shape_cast %get3A_20 : vector<1x512x128xf32> to vector<512x128xf32>
    %get3A_22 = arith.constant 4 : index
    %get3A_23 = arith.constant 0 : index
    %get3A_24 = arith.constant 0 : index
    %get3A_25 = vector.load %arg1[%get3A_22, %get3A_23, %get3A_24] : memref<7x512x128xf32, #tpu.memory_space<vmem>>, vector<1x512x128xf32>
    %get3A_26 = vector.shape_cast %get3A_25 : vector<1x512x128xf32> to vector<512x128xf32>
    %get3A_27 = arith.constant 5 : index
    %get3A_28 = arith.constant 0 : index
    %get3A_29 = arith.constant 0 : index
    %get3A_30 = vector.load %arg1[%get3A_27, %get3A_28, %get3A_29] : memref<7x512x128xf32, #tpu.memory_space<vmem>>, vector<1x512x128xf32>
    %get3A_31 = vector.shape_cast %get3A_30 : vector<1x512x128xf32> to vector<512x128xf32>
    %get3A_32 = arith.constant 6 : index
    %get3A_33 = arith.constant 0 : index
    %get3A_34 = arith.constant 0 : index
    %get3A_35 = vector.load %arg1[%get3A_32, %get3A_33, %get3A_34] : memref<7x512x128xf32, #tpu.memory_space<vmem>>, vector<1x512x128xf32>
    %get3A_36 = vector.shape_cast %get3A_35 : vector<1x512x128xf32> to vector<512x128xf32>
    %get3A_37 = arith.constant 0 : index
    %get3A_38 = arith.constant 0 : index
    %get3A_39 = vector.load %arg3[%get3A_37, %get3A_38] : memref<1x128xf32, #tpu.memory_space<vmem>>, vector<1x128xf32>
    %iota3A = tpu.iota {dimensions = array<i32: 0>} : vector<128x4xi32>
    %jit3A = arith.constant 32 : i32
    %div3A = vector.broadcast %jit3A : i32 to vector<128x4xi32>
    %div3A_40 = arith.divsi %iota3A, %div3A : vector<128x4xi32>
    %sign3A = arith.constant 0 : i32
    %sign3A_41 = vector.broadcast %sign3A : i32 to vector<128x4xi32>
    %sign3A_42 = arith.cmpi sgt, %iota3A, %sign3A_41 : vector<128x4xi32>
    %sign3A_43 = arith.extui %sign3A_42 : vector<128x4xi1> to vector<128x4xi32>
    %sign3A_44 = arith.constant 0 : i32
    %sign3A_45 = vector.broadcast %sign3A_44 : i32 to vector<128x4xi32>
    %sign3A_46 = arith.cmpi slt, %iota3A, %sign3A_45 : vector<128x4xi32>
    %sign3A_47 = arith.extui %sign3A_46 : vector<128x4xi1> to vector<128x4xi32>
    %sign3A_48 = arith.subi %sign3A_43, %sign3A_47 : vector<128x4xi32>
    %sign3A_49 = arith.constant 0 : i32
    %sign3A_50 = arith.cmpi sgt, %jit3A, %sign3A_49 : i32
    %sign3A_51 = arith.extui %sign3A_50 : i1 to i32
    %sign3A_52 = arith.constant 0 : i32
    %sign3A_53 = arith.cmpi slt, %jit3A, %sign3A_52 : i32
    %sign3A_54 = arith.extui %sign3A_53 : i1 to i32
    %sign3A_55 = arith.subi %sign3A_51, %sign3A_54 : i32
    %ne3A = vector.broadcast %sign3A_55 : i32 to vector<128x4xi32>
    %ne3A_56 = arith.cmpi ne, %sign3A_48, %ne3A : vector<128x4xi32>
    %rem3A = vector.broadcast %jit3A : i32 to vector<128x4xi32>
    %rem3A_57 = arith.remsi %iota3A, %rem3A : vector<128x4xi32>
    %ne3A_58 = arith.constant 0 : i32
    %ne3A_59 = vector.broadcast %ne3A_58 : i32 to vector<128x4xi32>
    %ne3A_60 = arith.cmpi ne, %rem3A_57, %ne3A_59 : vector<128x4xi32>
    %and3A = arith.andi %ne3A_56, %ne3A_60 : vector<128x4xi1>
    %sub3A = arith.constant 1 : i32
    %sub3A_61 = vector.broadcast %sub3A : i32 to vector<128x4xi32>
    %sub3A_62 = arith.subi %div3A_40, %sub3A_61 : vector<128x4xi32>
    %select_n3A = arith.select %and3A, %sub3A_62, %div3A_40 : vector<128x4xi1>, vector<128x4xi32>
    %iota3A_63 = tpu.iota {dimensions = array<i32: 1>} : vector<128x4xi32>
    %eq3A = arith.cmpi eq, %select_n3A, %iota3A_63 : vector<128x4xi32>
    %convert_element_type3A = arith.extui %eq3A : vector<128x4xi1> to vector<128x4xi32>
    %convert_element_type3A_64 = arith.sitofp %convert_element_type3A : vector<128x4xi32> to vector<128x4xf32>
    %iota3A_65 = tpu.iota {dimensions = array<i32: 0>} : vector<4x128xi32>
    %iota3A_66 = tpu.iota {dimensions = array<i32: 1>} : vector<4x128xi32>
    %jit3A_67 = arith.constant 32 : i32
    %div3A_68 = vector.broadcast %jit3A_67 : i32 to vector<4x128xi32>
    %div3A_69 = arith.divsi %iota3A_66, %div3A_68 : vector<4x128xi32>
    %sign3A_70 = arith.constant 0 : i32
    %sign3A_71 = vector.broadcast %sign3A_70 : i32 to vector<4x128xi32>
    %sign3A_72 = arith.cmpi sgt, %iota3A_66, %sign3A_71 : vector<4x128xi32>
    %sign3A_73 = arith.extui %sign3A_72 : vector<4x128xi1> to vector<4x128xi32>
    %sign3A_74 = arith.constant 0 : i32
    %sign3A_75 = vector.broadcast %sign3A_74 : i32 to vector<4x128xi32>
    %sign3A_76 = arith.cmpi slt, %iota3A_66, %sign3A_75 : vector<4x128xi32>
    %sign3A_77 = arith.extui %sign3A_76 : vector<4x128xi1> to vector<4x128xi32>
    %sign3A_78 = arith.subi %sign3A_73, %sign3A_77 : vector<4x128xi32>
    %sign3A_79 = arith.constant 0 : i32
    %sign3A_80 = arith.cmpi sgt, %jit3A_67, %sign3A_79 : i32
    %sign3A_81 = arith.extui %sign3A_80 : i1 to i32
    %sign3A_82 = arith.constant 0 : i32
    %sign3A_83 = arith.cmpi slt, %jit3A_67, %sign3A_82 : i32
    %sign3A_84 = arith.extui %sign3A_83 : i1 to i32
    %sign3A_85 = arith.subi %sign3A_81, %sign3A_84 : i32
    %ne3A_86 = vector.broadcast %sign3A_85 : i32 to vector<4x128xi32>
    %ne3A_87 = arith.cmpi ne, %sign3A_78, %ne3A_86 : vector<4x128xi32>
    %rem3A_88 = vector.broadcast %jit3A_67 : i32 to vector<4x128xi32>
    %rem3A_89 = arith.remsi %iota3A_66, %rem3A_88 : vector<4x128xi32>
    %ne3A_90 = arith.constant 0 : i32
    %ne3A_91 = vector.broadcast %ne3A_90 : i32 to vector<4x128xi32>
    %ne3A_92 = arith.cmpi ne, %rem3A_89, %ne3A_91 : vector<4x128xi32>
    %and3A_93 = arith.andi %ne3A_87, %ne3A_92 : vector<4x128xi1>
    %sub3A_94 = arith.constant 1 : i32
    %sub3A_95 = vector.broadcast %sub3A_94 : i32 to vector<4x128xi32>
    %sub3A_96 = arith.subi %div3A_69, %sub3A_95 : vector<4x128xi32>
    %select_n3A_97 = arith.select %and3A_93, %sub3A_96, %div3A_69 : vector<4x128xi1>, vector<4x128xi32>
    %eq3A_98 = arith.cmpi eq, %iota3A_65, %select_n3A_97 : vector<4x128xi32>
    %convert_element_type3A_99 = arith.extui %eq3A_98 : vector<4x128xi1> to vector<4x128xi32>
    %convert_element_type3A_100 = arith.sitofp %convert_element_type3A_99 : vector<4x128xi32> to vector<4x128xf32>
    %add3A = arith.addf %get3A_6, %get3A_1 : vector<512x128xf32>
    %ge3A = arith.constant 0.000000e+00 : f32
    %ge3A_101 = vector.broadcast %ge3A : f32 to vector<512x128xf32>
    %ge3A_102 = arith.cmpf oge, %add3A, %ge3A_101 : vector<512x128xf32>
    %mul3A = arith.constant 2.000000e-01 : f32
    %mul3A_103 = vector.broadcast %mul3A : f32 to vector<512x128xf32>
    %mul3A_104 = arith.mulf %mul3A_103, %add3A : vector<512x128xf32>
    %select_n3A_105 = arith.select %ge3A_102, %add3A, %mul3A_104 : vector<512x128xi1>, vector<512x128xf32>
    %mul3A_106 = vector.broadcast %get3A_39 : vector<1x128xf32> to vector<512x128xf32>
    %mul3A_107 = arith.mulf %select_n3A_105, %mul3A_106 : vector<512x128xf32>
    %dot_general3A = arith.constant dense<0.000000e+00> : vector<512x4xf32>
    %dot_general3A_108 = tpu.matmul %mul3A_107, %convert_element_type3A_64, %dot_general3A {dimension_numbers = #tpu.dot_dimension_numbers<[1], [0], [0], [1], [0, 0, 1, 1], [], []>, transpose_lhs_hint = false} : vector<512x128xf32>, vector<128x4xf32>, vector<512x4xf32> -> vector<512x4xf32>
    %add3A_109 = arith.addf %get3A_11, %get3A_1 : vector<512x128xf32>
    %ge3A_110 = arith.constant 0.000000e+00 : f32
    %ge3A_111 = vector.broadcast %ge3A_110 : f32 to vector<512x128xf32>
    %ge3A_112 = arith.cmpf oge, %add3A_109, %ge3A_111 : vector<512x128xf32>
    %mul3A_113 = arith.constant 2.000000e-01 : f32
    %mul3A_114 = vector.broadcast %mul3A_113 : f32 to vector<512x128xf32>
    %mul3A_115 = arith.mulf %mul3A_114, %add3A_109 : vector<512x128xf32>
    %select_n3A_116 = arith.select %ge3A_112, %add3A_109, %mul3A_115 : vector<512x128xi1>, vector<512x128xf32>
    %mul3A_117 = vector.broadcast %get3A_39 : vector<1x128xf32> to vector<512x128xf32>
    %mul3A_118 = arith.mulf %select_n3A_116, %mul3A_117 : vector<512x128xf32>
    %dot_general3A_119 = arith.constant dense<0.000000e+00> : vector<512x4xf32>
    %dot_general3A_120 = tpu.matmul %mul3A_118, %convert_element_type3A_64, %dot_general3A_119 {dimension_numbers = #tpu.dot_dimension_numbers<[1], [0], [0], [1], [0, 0, 1, 1], [], []>, transpose_lhs_hint = false} : vector<512x128xf32>, vector<128x4xf32>, vector<512x4xf32> -> vector<512x4xf32>
    %add3A_121 = arith.addf %get3A_16, %get3A_1 : vector<512x128xf32>
    %ge3A_122 = arith.constant 0.000000e+00 : f32
    %ge3A_123 = vector.broadcast %ge3A_122 : f32 to vector<512x128xf32>
    %ge3A_124 = arith.cmpf oge, %add3A_121, %ge3A_123 : vector<512x128xf32>
    %mul3A_125 = arith.constant 2.000000e-01 : f32
    %mul3A_126 = vector.broadcast %mul3A_125 : f32 to vector<512x128xf32>
    %mul3A_127 = arith.mulf %mul3A_126, %add3A_121 : vector<512x128xf32>
    %select_n3A_128 = arith.select %ge3A_124, %add3A_121, %mul3A_127 : vector<512x128xi1>, vector<512x128xf32>
    %mul3A_129 = vector.broadcast %get3A_39 : vector<1x128xf32> to vector<512x128xf32>
    %mul3A_130 = arith.mulf %select_n3A_128, %mul3A_129 : vector<512x128xf32>
    %dot_general3A_131 = arith.constant dense<0.000000e+00> : vector<512x4xf32>
    %dot_general3A_132 = tpu.matmul %mul3A_130, %convert_element_type3A_64, %dot_general3A_131 {dimension_numbers = #tpu.dot_dimension_numbers<[1], [0], [0], [1], [0, 0, 1, 1], [], []>, transpose_lhs_hint = false} : vector<512x128xf32>, vector<128x4xf32>, vector<512x4xf32> -> vector<512x4xf32>
    %add3A_133 = arith.addf %get3A_21, %get3A_1 : vector<512x128xf32>
    %ge3A_134 = arith.constant 0.000000e+00 : f32
    %ge3A_135 = vector.broadcast %ge3A_134 : f32 to vector<512x128xf32>
    %ge3A_136 = arith.cmpf oge, %add3A_133, %ge3A_135 : vector<512x128xf32>
    %mul3A_137 = arith.constant 2.000000e-01 : f32
    %mul3A_138 = vector.broadcast %mul3A_137 : f32 to vector<512x128xf32>
    %mul3A_139 = arith.mulf %mul3A_138, %add3A_133 : vector<512x128xf32>
    %select_n3A_140 = arith.select %ge3A_136, %add3A_133, %mul3A_139 : vector<512x128xi1>, vector<512x128xf32>
    %mul3A_141 = vector.broadcast %get3A_39 : vector<1x128xf32> to vector<512x128xf32>
    %mul3A_142 = arith.mulf %select_n3A_140, %mul3A_141 : vector<512x128xf32>
    %dot_general3A_143 = arith.constant dense<0.000000e+00> : vector<512x4xf32>
    %dot_general3A_144 = tpu.matmul %mul3A_142, %convert_element_type3A_64, %dot_general3A_143 {dimension_numbers = #tpu.dot_dimension_numbers<[1], [0], [0], [1], [0, 0, 1, 1], [], []>, transpose_lhs_hint = false} : vector<512x128xf32>, vector<128x4xf32>, vector<512x4xf32> -> vector<512x4xf32>
    %add3A_145 = arith.addf %get3A_26, %get3A_1 : vector<512x128xf32>
    %ge3A_146 = arith.constant 0.000000e+00 : f32
    %ge3A_147 = vector.broadcast %ge3A_146 : f32 to vector<512x128xf32>
    %ge3A_148 = arith.cmpf oge, %add3A_145, %ge3A_147 : vector<512x128xf32>
    %mul3A_149 = arith.constant 2.000000e-01 : f32
    %mul3A_150 = vector.broadcast %mul3A_149 : f32 to vector<512x128xf32>
    %mul3A_151 = arith.mulf %mul3A_150, %add3A_145 : vector<512x128xf32>
    %select_n3A_152 = arith.select %ge3A_148, %add3A_145, %mul3A_151 : vector<512x128xi1>, vector<512x128xf32>
    %mul3A_153 = vector.broadcast %get3A_39 : vector<1x128xf32> to vector<512x128xf32>
    %mul3A_154 = arith.mulf %select_n3A_152, %mul3A_153 : vector<512x128xf32>
    %dot_general3A_155 = arith.constant dense<0.000000e+00> : vector<512x4xf32>
    %dot_general3A_156 = tpu.matmul %mul3A_154, %convert_element_type3A_64, %dot_general3A_155 {dimension_numbers = #tpu.dot_dimension_numbers<[1], [0], [0], [1], [0, 0, 1, 1], [], []>, transpose_lhs_hint = false} : vector<512x128xf32>, vector<128x4xf32>, vector<512x4xf32> -> vector<512x4xf32>
    %add3A_157 = arith.addf %get3A_31, %get3A_1 : vector<512x128xf32>
    %ge3A_158 = arith.constant 0.000000e+00 : f32
    %ge3A_159 = vector.broadcast %ge3A_158 : f32 to vector<512x128xf32>
    %ge3A_160 = arith.cmpf oge, %add3A_157, %ge3A_159 : vector<512x128xf32>
    %mul3A_161 = arith.constant 2.000000e-01 : f32
    %mul3A_162 = vector.broadcast %mul3A_161 : f32 to vector<512x128xf32>
    %mul3A_163 = arith.mulf %mul3A_162, %add3A_157 : vector<512x128xf32>
    %select_n3A_164 = arith.select %ge3A_160, %add3A_157, %mul3A_163 : vector<512x128xi1>, vector<512x128xf32>
    %mul3A_165 = vector.broadcast %get3A_39 : vector<1x128xf32> to vector<512x128xf32>
    %mul3A_166 = arith.mulf %select_n3A_164, %mul3A_165 : vector<512x128xf32>
    %dot_general3A_167 = arith.constant dense<0.000000e+00> : vector<512x4xf32>
    %dot_general3A_168 = tpu.matmul %mul3A_166, %convert_element_type3A_64, %dot_general3A_167 {dimension_numbers = #tpu.dot_dimension_numbers<[1], [0], [0], [1], [0, 0, 1, 1], [], []>, transpose_lhs_hint = false} : vector<512x128xf32>, vector<128x4xf32>, vector<512x4xf32> -> vector<512x4xf32>
    %add3A_169 = arith.addf %get3A_36, %get3A_1 : vector<512x128xf32>
    %ge3A_170 = arith.constant 0.000000e+00 : f32
    %ge3A_171 = vector.broadcast %ge3A_170 : f32 to vector<512x128xf32>
    %ge3A_172 = arith.cmpf oge, %add3A_169, %ge3A_171 : vector<512x128xf32>
    %mul3A_173 = arith.constant 2.000000e-01 : f32
    %mul3A_174 = vector.broadcast %mul3A_173 : f32 to vector<512x128xf32>
    %mul3A_175 = arith.mulf %mul3A_174, %add3A_169 : vector<512x128xf32>
    %select_n3A_176 = arith.select %ge3A_172, %add3A_169, %mul3A_175 : vector<512x128xi1>, vector<512x128xf32>
    %mul3A_177 = vector.broadcast %get3A_39 : vector<1x128xf32> to vector<512x128xf32>
    %mul3A_178 = arith.mulf %select_n3A_176, %mul3A_177 : vector<512x128xf32>
    %dot_general3A_179 = arith.constant dense<0.000000e+00> : vector<512x4xf32>
    %dot_general3A_180 = tpu.matmul %mul3A_178, %convert_element_type3A_64, %dot_general3A_179 {dimension_numbers = #tpu.dot_dimension_numbers<[1], [0], [0], [1], [0, 0, 1, 1], [], []>, transpose_lhs_hint = false} : vector<512x128xf32>, vector<128x4xf32>, vector<512x4xf32> -> vector<512x4xf32>
    %max3A = arith.maximumf %dot_general3A_108, %dot_general3A_120 : vector<512x4xf32>
    %max3A_181 = arith.maximumf %max3A, %dot_general3A_132 : vector<512x4xf32>
    %max3A_182 = arith.maximumf %max3A_181, %dot_general3A_144 : vector<512x4xf32>
    %max3A_183 = arith.maximumf %max3A_182, %dot_general3A_156 : vector<512x4xf32>
    %max3A_184 = arith.maximumf %max3A_183, %dot_general3A_168 : vector<512x4xf32>
    %max3A_185 = arith.maximumf %max3A_184, %dot_general3A_180 : vector<512x4xf32>
    %sub3A_186 = arith.subf %dot_general3A_108, %max3A_185 : vector<512x4xf32>
    %exp3A = math.exp %sub3A_186 : vector<512x4xf32>
    %sub3A_187 = arith.subf %dot_general3A_120, %max3A_185 : vector<512x4xf32>
    %exp3A_188 = math.exp %sub3A_187 : vector<512x4xf32>
    %sub3A_189 = arith.subf %dot_general3A_132, %max3A_185 : vector<512x4xf32>
    %exp3A_190 = math.exp %sub3A_189 : vector<512x4xf32>
    %sub3A_191 = arith.subf %dot_general3A_144, %max3A_185 : vector<512x4xf32>
    %exp3A_192 = math.exp %sub3A_191 : vector<512x4xf32>
    %sub3A_193 = arith.subf %dot_general3A_156, %max3A_185 : vector<512x4xf32>
    %exp3A_194 = math.exp %sub3A_193 : vector<512x4xf32>
    %sub3A_195 = arith.subf %dot_general3A_168, %max3A_185 : vector<512x4xf32>
    %exp3A_196 = math.exp %sub3A_195 : vector<512x4xf32>
    %sub3A_197 = arith.subf %dot_general3A_180, %max3A_185 : vector<512x4xf32>
    %exp3A_198 = math.exp %sub3A_197 : vector<512x4xf32>
    %add3A_199 = arith.addf %exp3A, %exp3A_188 : vector<512x4xf32>
    %add3A_200 = arith.addf %add3A_199, %exp3A_190 : vector<512x4xf32>
    %add3A_201 = arith.addf %add3A_200, %exp3A_192 : vector<512x4xf32>
    %add3A_202 = arith.addf %add3A_201, %exp3A_194 : vector<512x4xf32>
    %add3A_203 = arith.addf %add3A_202, %exp3A_196 : vector<512x4xf32>
    %add3A_204 = arith.addf %add3A_203, %exp3A_198 : vector<512x4xf32>
    %broadcast_in_dim3A = arith.constant 0.000000e+00 : f32
    %broadcast_in_dim3A_205 = vector.broadcast %broadcast_in_dim3A : f32 to vector<512x128xf32>
    %add3A_206 = arith.constant 1.000000e-16 : f32
    %add3A_207 = vector.broadcast %add3A_206 : f32 to vector<512x4xf32>
    %add3A_208 = arith.addf %add3A_204, %add3A_207 : vector<512x4xf32>
    %div3A_209 = arith.divf %exp3A, %add3A_208 : vector<512x4xf32>
    %dot_general3A_210 = arith.constant dense<0.000000e+00> : vector<512x128xf32>
    %dot_general3A_211 = tpu.matmul %div3A_209, %convert_element_type3A_100, %dot_general3A_210 {dimension_numbers = #tpu.dot_dimension_numbers<[1], [0], [0], [1], [0, 0, 1, 1], [], []>, transpose_lhs_hint = false} : vector<512x4xf32>, vector<4x128xf32>, vector<512x128xf32> -> vector<512x128xf32>
    %mul3A_212 = arith.mulf %get3A_6, %dot_general3A_211 : vector<512x128xf32>
    %add3A_213 = arith.addf %broadcast_in_dim3A_205, %mul3A_212 : vector<512x128xf32>
    %add3A_214 = arith.constant 1.000000e-16 : f32
    %add3A_215 = vector.broadcast %add3A_214 : f32 to vector<512x4xf32>
    %add3A_216 = arith.addf %add3A_204, %add3A_215 : vector<512x4xf32>
    %div3A_217 = arith.divf %exp3A_188, %add3A_216 : vector<512x4xf32>
    %dot_general3A_218 = arith.constant dense<0.000000e+00> : vector<512x128xf32>
    %dot_general3A_219 = tpu.matmul %div3A_217, %convert_element_type3A_100, %dot_general3A_218 {dimension_numbers = #tpu.dot_dimension_numbers<[1], [0], [0], [1], [0, 0, 1, 1], [], []>, transpose_lhs_hint = false} : vector<512x4xf32>, vector<4x128xf32>, vector<512x128xf32> -> vector<512x128xf32>
    %mul3A_220 = arith.mulf %get3A_11, %dot_general3A_219 : vector<512x128xf32>
    %add3A_221 = arith.addf %add3A_213, %mul3A_220 : vector<512x128xf32>
    %add3A_222 = arith.constant 1.000000e-16 : f32
    %add3A_223 = vector.broadcast %add3A_222 : f32 to vector<512x4xf32>
    %add3A_224 = arith.addf %add3A_204, %add3A_223 : vector<512x4xf32>
    %div3A_225 = arith.divf %exp3A_190, %add3A_224 : vector<512x4xf32>
    %dot_general3A_226 = arith.constant dense<0.000000e+00> : vector<512x128xf32>
    %dot_general3A_227 = tpu.matmul %div3A_225, %convert_element_type3A_100, %dot_general3A_226 {dimension_numbers = #tpu.dot_dimension_numbers<[1], [0], [0], [1], [0, 0, 1, 1], [], []>, transpose_lhs_hint = false} : vector<512x4xf32>, vector<4x128xf32>, vector<512x128xf32> -> vector<512x128xf32>
    %mul3A_228 = arith.mulf %get3A_16, %dot_general3A_227 : vector<512x128xf32>
    %add3A_229 = arith.addf %add3A_221, %mul3A_228 : vector<512x128xf32>
    %add3A_230 = arith.constant 1.000000e-16 : f32
    %add3A_231 = vector.broadcast %add3A_230 : f32 to vector<512x4xf32>
    %add3A_232 = arith.addf %add3A_204, %add3A_231 : vector<512x4xf32>
    %div3A_233 = arith.divf %exp3A_192, %add3A_232 : vector<512x4xf32>
    %dot_general3A_234 = arith.constant dense<0.000000e+00> : vector<512x128xf32>
    %dot_general3A_235 = tpu.matmul %div3A_233, %convert_element_type3A_100, %dot_general3A_234 {dimension_numbers = #tpu.dot_dimension_numbers<[1], [0], [0], [1], [0, 0, 1, 1], [], []>, transpose_lhs_hint = false} : vector<512x4xf32>, vector<4x128xf32>, vector<512x128xf32> -> vector<512x128xf32>
    %mul3A_236 = arith.mulf %get3A_21, %dot_general3A_235 : vector<512x128xf32>
    %add3A_237 = arith.addf %add3A_229, %mul3A_236 : vector<512x128xf32>
    %add3A_238 = arith.constant 1.000000e-16 : f32
    %add3A_239 = vector.broadcast %add3A_238 : f32 to vector<512x4xf32>
    %add3A_240 = arith.addf %add3A_204, %add3A_239 : vector<512x4xf32>
    %div3A_241 = arith.divf %exp3A_194, %add3A_240 : vector<512x4xf32>
    %dot_general3A_242 = arith.constant dense<0.000000e+00> : vector<512x128xf32>
    %dot_general3A_243 = tpu.matmul %div3A_241, %convert_element_type3A_100, %dot_general3A_242 {dimension_numbers = #tpu.dot_dimension_numbers<[1], [0], [0], [1], [0, 0, 1, 1], [], []>, transpose_lhs_hint = false} : vector<512x4xf32>, vector<4x128xf32>, vector<512x128xf32> -> vector<512x128xf32>
    %mul3A_244 = arith.mulf %get3A_26, %dot_general3A_243 : vector<512x128xf32>
    %add3A_245 = arith.addf %add3A_237, %mul3A_244 : vector<512x128xf32>
    %add3A_246 = arith.constant 1.000000e-16 : f32
    %add3A_247 = vector.broadcast %add3A_246 : f32 to vector<512x4xf32>
    %add3A_248 = arith.addf %add3A_204, %add3A_247 : vector<512x4xf32>
    %div3A_249 = arith.divf %exp3A_196, %add3A_248 : vector<512x4xf32>
    %dot_general3A_250 = arith.constant dense<0.000000e+00> : vector<512x128xf32>
    %dot_general3A_251 = tpu.matmul %div3A_249, %convert_element_type3A_100, %dot_general3A_250 {dimension_numbers = #tpu.dot_dimension_numbers<[1], [0], [0], [1], [0, 0, 1, 1], [], []>, transpose_lhs_hint = false} : vector<512x4xf32>, vector<4x128xf32>, vector<512x128xf32> -> vector<512x128xf32>
    %mul3A_252 = arith.mulf %get3A_31, %dot_general3A_251 : vector<512x128xf32>
    %add3A_253 = arith.addf %add3A_245, %mul3A_252 : vector<512x128xf32>
    %add3A_254 = arith.constant 1.000000e-16 : f32
    %add3A_255 = vector.broadcast %add3A_254 : f32 to vector<512x4xf32>
    %add3A_256 = arith.addf %add3A_204, %add3A_255 : vector<512x4xf32>
    %div3A_257 = arith.divf %exp3A_198, %add3A_256 : vector<512x4xf32>
    %dot_general3A_258 = arith.constant dense<0.000000e+00> : vector<512x128xf32>
    %dot_general3A_259 = tpu.matmul %div3A_257, %convert_element_type3A_100, %dot_general3A_258 {dimension_numbers = #tpu.dot_dimension_numbers<[1], [0], [0], [1], [0, 0, 1, 1], [], []>, transpose_lhs_hint = false} : vector<512x4xf32>, vector<4x128xf32>, vector<512x128xf32> -> vector<512x128xf32>
    %mul3A_260 = arith.mulf %get3A_36, %dot_general3A_259 : vector<512x128xf32>
    %add3A_261 = arith.addf %add3A_253, %mul3A_260 : vector<512x128xf32>
    %get3A_262 = arith.constant 0 : index
    %get3A_263 = arith.constant 0 : index
    %get3A_264 = vector.load %arg4[%get3A_262, %get3A_263] : memref<1x128xf32, #tpu.memory_space<vmem>>, vector<1x128xf32>
    %add3A_265 = vector.broadcast %get3A_264 : vector<1x128xf32> to vector<512x128xf32>
    %add3A_266 = arith.addf %add3A_261, %add3A_265 : vector<512x128xf32>
    %max3A_267 = arith.constant 0.000000e+00 : f32
    %max3A_268 = vector.broadcast %max3A_267 : f32 to vector<512x128xf32>
    %max3A_269 = arith.maximumf %add3A_266, %max3A_268 : vector<512x128xf32>
    %swap3A = arith.constant 0 : index
    %swap3A_270 = arith.constant 0 : index
    %swap3A_271 = vector.load %arg5[%swap3A, %swap3A_270] : memref<512x128xf32, #tpu.memory_space<vmem>>, vector<512x128xf32>
    tpu.vector_store %arg5[%swap3A, %swap3A_270], %max3A_269 {strides = array<i32>} : memref<512x128xf32, #tpu.memory_space<vmem>>, vector<512x128xf32>,
    return
  }
  func.func @transform_0(%arg0: i32) -> (i32, i32, i32) {
    %c0_i32 = arith.constant 0 : i32
    %c0_i32_0 = arith.constant 0 : i32
    %c0_i32_1 = arith.constant 0 : i32
    return %c0_i32, %arg0, %c0_i32_0 : i32, i32, i32
  }
  func.func @transform_1(%arg0: i32) -> (i32, i32) {
    %c0_i32 = arith.constant 0 : i32
    %c0_i32_0 = arith.constant 0 : i32
    return %arg0, %c0_i32 : i32, i32
  }
  func.func @transform_2(%arg0: i32) -> (i32, i32) {
    %c0_i32 = arith.constant 0 : i32
    %c0_i32_0 = arith.constant 0 : i32
    %c0_i32_1 = arith.constant 0 : i32
    return %c0_i32, %c0_i32_0 : i32, i32
  }
  func.func @transform_3(%arg0: i32) -> (i32, i32) {
    %c0_i32 = arith.constant 0 : i32
    %c0_i32_0 = arith.constant 0 : i32
    %c0_i32_1 = arith.constant 0 : i32
    return %c0_i32, %c0_i32_0 : i32, i32
  }
  func.func @transform_4(%arg0: i32) -> (i32, i32) {
    %c0_i32 = arith.constant 0 : i32
    %c0_i32_0 = arith.constant 0 : i32
    return %arg0, %c0_i32 : i32, i32
  }
}

module attributes {stable_mosaic.version = 14 : i64} {
  func.func @_pool_body(%arg0: i32, %arg1: memref<512x128xf32, #tpu.memory_space<vmem>>, %arg2: memref<1x512xi32, #tpu.memory_space<vmem>>, %arg3: memref<56x128xf32, #tpu.memory_space<vmem>>, %arg4: memref<56x128xf32, #tpu.memory_space<vmem>>, %arg5: memref<56x1xf32, #tpu.memory_space<vmem>>) attributes {dimension_semantics = [#tpu.dimension_semantics<arbitrary>], iteration_bounds = array<i64: 98>, scalar_prefetch = 0 : i64, scratch_operands = 2 : i64, tpu.core_type = #tpu.core_type<tc>, window_params = [{transform_indices = @transform_0, window_bounds = array<i64: 512, 128>}, {transform_indices = @transform_1, window_bounds = array<i64: 1, 512>}, {pipeline_mode = #tpu.pipeline_mode<synchronous>, transform_indices = @transform_2, window_bounds = array<i64: 56, 128>}]} {
    %eq3A = arith.constant 0 : i32
    %eq3A_0 = arith.cmpi eq, %arg0, %eq3A : i32
    %convert_element_type3A = arith.extui %eq3A_0 : i1 to i32
    %cond3A = arith.constant 0 : i32
    %cond3A_1 = arith.cmpi ne, %convert_element_type3A, %cond3A : i32
    scf.if %cond3A_1 {
      %broadcast_in_dim3A_30 = arith.constant 0.000000e+00 : f32
      %broadcast_in_dim3A_31 = vector.broadcast %broadcast_in_dim3A_30 : f32 to vector<56x128xf32>
      %swap3A_32 = arith.constant 0 : index
      %swap3A_33 = arith.constant 0 : index
      %swap3A_34 = vector.load %arg4[%swap3A_32, %swap3A_33] : memref<56x128xf32, #tpu.memory_space<vmem>>, vector<56x128xf32>
      tpu.vector_store %arg4[%swap3A_32, %swap3A_33], %broadcast_in_dim3A_31 {strides = array<i32>} : memref<56x128xf32, #tpu.memory_space<vmem>>, vector<56x128xf32>,
      %broadcast_in_dim3A_35 = arith.constant 0.000000e+00 : f32
      %broadcast_in_dim3A_36 = vector.broadcast %broadcast_in_dim3A_35 : f32 to vector<56x1xf32>
      %swap3A_37 = arith.constant 0 : index
      %swap3A_38 = arith.constant 0 : index
      %swap3A_39 = vector.load %arg5[%swap3A_37, %swap3A_38] : memref<56x1xf32, #tpu.memory_space<vmem>>, vector<56x1xf32>
      tpu.vector_store %arg5[%swap3A_37, %swap3A_38], %broadcast_in_dim3A_36 {strides = array<i32>} : memref<56x1xf32, #tpu.memory_space<vmem>>, vector<56x1xf32>,
    } else {
    }
    %get3A = arith.constant 0 : index
    %get3A_2 = arith.constant 0 : index
    %get3A_3 = vector.load %arg2[%get3A, %get3A_2] : memref<1x512xi32, #tpu.memory_space<vmem>>, vector<1x512xi32>
    %iota3A = tpu.iota {dimensions = array<i32: 0>} : vector<56x512xi32>
    %eq3A_4 = vector.broadcast %get3A_3 : vector<1x512xi32> to vector<56x512xi32>
    %eq3A_5 = arith.cmpi eq, %iota3A, %eq3A_4 : vector<56x512xi32>
    %convert_element_type3A_6 = arith.extui %eq3A_5 : vector<56x512xi1> to vector<56x512xi32>
    %convert_element_type3A_7 = arith.sitofp %convert_element_type3A_6 : vector<56x512xi32> to vector<56x512xf32>
    %get3A_8 = arith.constant 0 : index
    %get3A_9 = arith.constant 0 : index
    %get3A_10 = vector.load %arg4[%get3A_8, %get3A_9] : memref<56x128xf32, #tpu.memory_space<vmem>>, vector<56x128xf32>
    %get3A_11 = arith.constant 0 : index
    %get3A_12 = arith.constant 0 : index
    %get3A_13 = vector.load %arg1[%get3A_11, %get3A_12] : memref<512x128xf32, #tpu.memory_space<vmem>>, vector<512x128xf32>
    %dot_general3A = arith.constant dense<0.000000e+00> : vector<56x128xf32>
    %dot_general3A_14 = tpu.matmul %convert_element_type3A_7, %get3A_13, %dot_general3A {dimension_numbers = #tpu.dot_dimension_numbers<[1], [0], [0], [1], [0, 0, 1, 1], [], []>, transpose_lhs_hint = false} : vector<56x512xf32>, vector<512x128xf32>, vector<56x128xf32> -> vector<56x128xf32>
    %add3A = arith.addf %get3A_10, %dot_general3A_14 : vector<56x128xf32>
    %swap3A = arith.constant 0 : index
    %swap3A_15 = arith.constant 0 : index
    %swap3A_16 = vector.load %arg4[%swap3A, %swap3A_15] : memref<56x128xf32, #tpu.memory_space<vmem>>, vector<56x128xf32>
    tpu.vector_store %arg4[%swap3A, %swap3A_15], %add3A {strides = array<i32>} : memref<56x128xf32, #tpu.memory_space<vmem>>, vector<56x128xf32>,
    %get3A_17 = arith.constant 0 : index
    %get3A_18 = arith.constant 0 : index
    %get3A_19 = vector.load %arg5[%get3A_17, %get3A_18] : memref<56x1xf32, #tpu.memory_space<vmem>>, vector<56x1xf32>
    %reduce_sum3A = arith.constant dense<0.000000e+00> : vector<56xf32>
    %reduce_sum3A_20 = vector.multi_reduction <add>, %convert_element_type3A_7, %reduce_sum3A [1] : vector<56x512xf32> to vector<56xf32>
    %broadcast_in_dim3A = vector.shape_cast %reduce_sum3A_20 : vector<56xf32> to vector<56x1xf32>
    %add3A_21 = arith.addf %get3A_19, %broadcast_in_dim3A : vector<56x1xf32>
    %swap3A_22 = arith.constant 0 : index
    %swap3A_23 = arith.constant 0 : index
    %swap3A_24 = vector.load %arg5[%swap3A_22, %swap3A_23] : memref<56x1xf32, #tpu.memory_space<vmem>>, vector<56x1xf32>
    tpu.vector_store %arg5[%swap3A_22, %swap3A_23], %add3A_21 {strides = array<i32>} : memref<56x1xf32, #tpu.memory_space<vmem>>, vector<56x1xf32>,
    %eq3A_25 = arith.constant 97 : i32
    %eq3A_26 = arith.cmpi eq, %arg0, %eq3A_25 : i32
    %convert_element_type3A_27 = arith.extui %eq3A_26 : i1 to i32
    %cond3A_28 = arith.constant 0 : i32
    %cond3A_29 = arith.cmpi ne, %convert_element_type3A_27, %cond3A_28 : i32
    scf.if %cond3A_29 {
      %get3A_30 = arith.constant 0 : index
      %get3A_31 = arith.constant 0 : index
      %get3A_32 = vector.load %arg4[%get3A_30, %get3A_31] : memref<56x128xf32, #tpu.memory_space<vmem>>, vector<56x128xf32>
      %get3A_33 = arith.constant 0 : index
      %get3A_34 = arith.constant 0 : index
      %get3A_35 = vector.load %arg5[%get3A_33, %get3A_34] : memref<56x1xf32, #tpu.memory_space<vmem>>, vector<56x1xf32>
      %max3A = arith.constant 1.000000e+00 : f32
      %max3A_36 = vector.broadcast %max3A : f32 to vector<56x1xf32>
      %max3A_37 = arith.maximumf %get3A_35, %max3A_36 : vector<56x1xf32>
      %div3A = vector.broadcast %max3A_37 : vector<56x1xf32> to vector<56x128xf32>
      %div3A_38 = arith.divf %get3A_32, %div3A : vector<56x128xf32>
      %swap3A_39 = arith.constant 0 : index
      %swap3A_40 = arith.constant 0 : index
      %swap3A_41 = vector.load %arg3[%swap3A_39, %swap3A_40] : memref<56x128xf32, #tpu.memory_space<vmem>>, vector<56x128xf32>
      tpu.vector_store %arg3[%swap3A_39, %swap3A_40], %div3A_38 {strides = array<i32>} : memref<56x128xf32, #tpu.memory_space<vmem>>, vector<56x128xf32>,
    } else {
    }
    return
  }
  func.func @transform_0(%arg0: i32) -> (i32, i32) {
    %c0_i32 = arith.constant 0 : i32
    %c0_i32_0 = arith.constant 0 : i32
    return %arg0, %c0_i32 : i32, i32
  }
  func.func @transform_1(%arg0: i32) -> (i32, i32) {
    %c0_i32 = arith.constant 0 : i32
    %c0_i32_0 = arith.constant 0 : i32
    return %c0_i32, %arg0 : i32, i32
  }
  func.func @transform_2(%arg0: i32) -> (i32, i32) {
    %c0_i32 = arith.constant 0 : i32
    %c0_i32_0 = arith.constant 0 : i32
    %c0_i32_1 = arith.constant 0 : i32
    return %c0_i32, %c0_i32_0 : i32, i32
  }
}

</mosaic_0001>

<sc_bundles>
// kernel: kernel.10.cloned.1.call-start
scs
__scs_entry_jumppad:
0x0: {  	(pc) =	sbr.rel $0x88, $3  }
0x1: {  	(tag) =	ssettag $0x0;
	lr =	simm.s32 $0x1  }
0x2: {  	[smem:$0x3F96] =	sst lr;
	_ =	strace $0xD0000000  }
0x3: {  	_ = 	snop  }
0x4: {  	_ = 	snop  }
0x5: {  	_ = 	snop  }
0x6: {  	_ = 	snop  }
0x7: {  	_ = 	snop  }
__scs_overlays_trampoline_lowered:
0x8: {  	[smem:$0x3FA5] =	sst s0  }
0x9: {  	[smem:$0x3FA6] =	sst s1  }
0xa: {  	[smem:$0x3FA7] =	sst s2  }
0xb: {  	[smem:$0x3FA8] =	sst s3  }
0xc: {  	[smem:$0x3FA9] =	sst s4  }
0xd: {  	[smem:$0x3FAA] =	sst s5  }
0xe: {  	[smem:$0x3FAB] =	sst s6  }
0xf: {  	[smem:$0x3FAC] =	sst s7  }
0x10: {  	[smem:$0x3FAD] =	sst s8  }
0x11: {  	[smem:$0x3FAE] =	sst s9;
	s0 =	simm.s32 @!p0 $0x0  }
0x12: {  	s1 =	sld [smem:$0x3F94];
	s0 =	simm.s32 @p0 $0x1  }
0x13: {  	[smem:$0x3FAF] =	sst s0;
	s0 =	simm.s32 @!p1 $0x0  }
0x14: {  	s2 =	sld [smem:$0x3F93];
	s0 =	simm.s32 @p1 $0x1  }
0x15: {  	[smem:$0x3FB0] =	sst s0;
	s0 =	simm.s32 @!p2 $0x0  }
0x16: {  	s3 =	sld [smem:$0x3FDB];
	s0 =	simm.s32 @p2 $0x1  }
0x17: {  	s4 =	simm.s32 $0x1BF5;
	[smem:$0x3FB2] =	sst s0  }
0x18: {  	s0 =	sld [smem:$0x3F95];
	_ =	swait.ge [sflag:s4], $0x0  }
0x19: {  	s7 =	sld [smem:$0x3F96]  }
0x1a: {  	s8 =	sadd.s32 $0xFFFFE003, lr  }
0x1b: {  	s9 =	sadd.s32 $0xFFFFFEF7, lr;
	s5 =	simm.s32 $0xFFFFFFFF;
	p2 =	slt.u32 s8, $0xFFFFF086  }
0x1c: {  	p1 =	slt.u32 s9, $0xF7A;
	s5 =	simm.s32 @!p2 $0x0  }
0x1d: {  	s5 =	simm.s32 @p1 $0x1;
	p0 =	seq.s32 s7, s2  }
0x1e: {  	s7 =	smul.u32 @!p0 $0xF7A, s2;
	p2 =	seq.s32 @!p0 s5, $0x0  }
0x1f: {  	s9 =	smul.u32 $0xF7A, s1;
	s8 =	simm.s32 @!p0 $0x1BF5;
	p2 =	por !p2, p0  }
0x20: {  	[sflag:s8] =	ssyncset.s32 @!p0 $0xFFFFF086;
	s6 =	sadd.s32 @!p0 s3, s7;
	s7 =	simm.s32 @!p0 $0x108  }
0x21: {  	s3 =	sadd.s32 s3, s9;
	s6 =	sadd.s32 @!p0 $0x88, s6;
	s7 =	simm.s32 @p2 $0x1082  }
0x22: {  	[simem:s7], [sflag:s8] =	dma.local @!p0 [hbm:s6], $0xF7A  }
0x23: {  	s9 =	sor.u32 $0xD0000000, s2;
	s6 =	simm.s32 $0x108;
	_ =	swait.ge @!p0 [sflag:s8], $0x0  }
0x24: {  	s3 =	sadd.s32 $0x88, s3;
	s6 =	simm.s32 @!p1 $0x1082;
	[sflag:s4] =	ssyncset.s32 $0xFFFFF086  }
0x25: {  	[simem:s6], [sflag:s4] =	dma.local [hbm:s3], $0xF7A  }
0x26: {  	[smem:$0x3F96] =	sst s1;
	(tag) =	ssettag s2;
	_ =	strace s9  }
0x27: {  	s1 =	sld [smem:$0x3FA6]  }
0x28: {  	s2 =	sld [smem:$0x3FA7]  }
0x29: {  	s4 =	sld [smem:$0x3FA9]  }
0x2a: {  	p0 =	seq.s32 s5, $0x0;
	s5 =	sld [smem:$0x3FAA]  }
0x2b: {  	s6 =	sld [smem:$0x3FAB]  }
0x2c: {  	s7 =	sld [smem:$0x3FAC]  }
0x2d: {  	s3 =	simm.s32 $0x108;
	s8 =	sld [smem:$0x3FAD]  }
0x2e: {  	s3 =	simm.s32 @!p0 $0x1082;
	s9 =	sld [smem:$0x3FAE]  }
0x2f: {  	lr =	sadd.s32 s0, s3;
	s0 =	sld [smem:$0x3FA5]  }
0x30: {  	s3 =	sld [smem:$0x3FA8]  }
0x31: {  	[smem:$0x3FB1] =	sst s10  }
0x32: {  	s10 =	sld [smem:$0x3FAF];
	_ =	sdelay $0x3  }
0x33: {  	p0 =	seq.s32 s10, $0x1;
	s10 =	sld [smem:$0x3FB1];
	_ =	sdelay $0x3  }
0x34: {  	[smem:$0x3FB1] =	sst s10  }
0x35: {  	s10 =	sld [smem:$0x3FB0];
	_ =	sdelay $0x3  }
0x36: {  	p1 =	seq.s32 s10, $0x1;
	s10 =	sld [smem:$0x3FB1];
	_ =	sdelay $0x3  }
0x37: {  	[smem:$0x3FB1] =	sst s10  }
0x38: {  	s10 =	sld [smem:$0x3FB2]  }
0x39: {  	_ = 	snop;
	(pc) =	sbr.ind lr, $3  }
0x3a: {  	_ = 	snop  }
0x3b: {  	_ = 	snop  }
0x3c: {  	p2 =	seq.s32 s10, $0x1;
	s10 =	sld [smem:$0x3FB1]  }
0x3d: {  	_ =	shalt  }
0x3e: {  	_ =	shalt  }
0x3f: {  	_ =	shalt  }
0x40: {  	_ =	shalt  }
0x41: {  	_ =	shalt  }
0x42: {  	_ =	shalt  }
0x43: {  	_ =	shalt  }
0x44: {  	_ =	shalt  }
0x45: {  	_ =	shalt  }
0x46: {  	_ =	shalt  }
0x47: {  	_ =	shalt  }
0x48: {  	_ =	shalt  }
0x49: {  	_ =	shalt  }
0x4a: {  	_ =	shalt  }
0x4b: {  	_ =	shalt  }
0x4c: {  	_ =	shalt  }
0x4d: {  	_ =	shalt  }
0x4e: {  	_ =	shalt  }
0x4f: {  	_ =	shalt  }
0x50: {  	_ =	shalt  }
0x51: {  	_ =	shalt  }
0x52: {  	_ =	shalt  }
0x53: {  	_ =	shalt  }
0x54: {  	_ =	shalt  }
0x55: {  	_ =	shalt  }
0x56: {  	_ =	shalt  }
0x57: {  	_ =	shalt  }
0x58: {  	_ =	shalt  }
0x59: {  	_ =	shalt  }
0x5a: {  	_ =	shalt  }
0x5b: {  	_ =	shalt  }
0x5c: {  	_ =	shalt  }
0x5d: {  	_ =	shalt  }
0x5e: {  	_ =	shalt  }
0x5f: {  	_ =	shalt  }
0x60: {  	_ =	shalt  }
0x61: {  	_ =	shalt  }
0x62: {  	_ =	shalt  }
0x63: {  	_ =	shalt  }
0x64: {  	_ =	shalt  }
0x65: {  	_ =	shalt  }
0x66: {  	_ =	shalt  }
0x67: {  	_ =	shalt  }
0x68: {  	_ =	shalt  }
0x69: {  	_ =	shalt  }
0x6a: {  	_ =	shalt  }
0x6b: {  	_ =	shalt  }
0x6c: {  	_ =	shalt  }
0x6d: {  	_ =	shalt  }
0x6e: {  	_ =	shalt  }
0x6f: {  	_ =	shalt  }
0x70: {  	_ =	shalt  }
0x71: {  	_ =	shalt  }
0x72: {  	_ =	shalt  }
0x73: {  	_ =	shalt  }
0x74: {  	_ =	shalt  }
0x75: {  	_ =	shalt  }
0x76: {  	_ =	shalt  }
0x77: {  	_ =	shalt  }
0x78: {  	_ =	shalt  }
0x79: {  	_ =	shalt  }
0x7a: {  	_ =	shalt  }
0x7b: {  	_ =	shalt  }
0x7c: {  	_ =	shalt  }
0x7d: {  	_ =	shalt  }
0x7e: {  	_ =	shalt  }
0x7f: {  	_ =	shalt  }
0x80: {  	_ =	shalt  }
0x81: {  	_ =	shalt  }
0x82: {  	_ =	shalt  }
0x83: {  	_ =	shalt  }
0x84: {  	_ =	shalt  }
0x85: {  	_ =	shalt  }
0x86: {  	_ =	shalt  }
0x87: {  	_ =	shalt  }
.Lfunc_end0:
.L_simem_size_0:
called_computation_lowered:
.L_overlay_start_0:
0x88: {  	s2 =	sld [smem:$0x3FD9]  }
0x89: {  	s3 =	sld [smem:$0x3FFE];
	_ =	sdelay $0x1  }
0x8a: {  	s1 =	srdreg.scid  }
0x8b: {  	s0 =	sand.u32 $0x1, s1  }
0x8c: {  	s16 =	sshll.u32 s0, $0xA;
	s2 =	sadd.s32 s3, s2  }
0x8d: {  	s2 =	sadd.s32 s2, s16  }
0x8e: {  	[smem:$0x3FBD] =	sst s2  }
0x8f: {  	_ = 	snop  }
0x90: {  	(tm) =	ssettm $0x1  }
0x91: {  	s17 =	sld [smem:$0x3FFB];
	_ =	sdelay $0x3  }
0x92: {  	_ =	strace s17  }
0x93: {  	s2 =	sld [smem:$0x3FFC];
	_ =	sdelay $0x3  }
0x94: {  	_ =	strace s2  }
0x95: {  	s2 =	sld [smem:$0x3FFD];
	_ =	sdelay $0x3  }
0x96: {  	_ =	strace s2  }
0x97: {  	_ =	strace $0x8FFFFFFF  }
0x98: {  	s18 =	sld [smem:$0x3FDB];
	_ =	sdelay $0x1  }
0x99: {  	s19 =	simm.s32 $_scs_section_size  }
0x9a: {  	s4 =	simm.s32 $_size__tile_overlayer_lowered;
	s5 =	simm.s32 $_tile_overlayer_lowered  }
0x9b: {  	s22 =	simm.s32 $0x1BFF;
	s21 =	sshll.u32 s5, $0x1;
	s2 =	sadd.s32 s19, s18  }
0x9c: {  	s6 =	simm.s32 $0x0;
	s20 =	sshll.u32 s4, $0x1;
	s4 =	sadd.s32 s21, s2  }
0x9d: {  	[timem:s6], [sflag:s22] =	dma.local [hbm:s4], s20  }
0x9e: {  	_ =	swait.ge [sflag:s22], s20  }
0x9f: {  	s3 =	ssub.s32 $0x0, s20;
	[sflag:s22] =	ssyncset.done $0x0  }
0xa0: {  	[sflag:s22] =	ssyncadd.s32 s3;
	_ =	sdelay $0x1  }
0xa1: {  	s23 =	simm.s32 $0x1B8B  }
0xa2: {  	_ =	swait.ge [sflag:s23], $0x1  }
0xa3: {  	[sflag:s23] =	ssyncset.done $0x0  }
0xa4: {  	s25 =	simm.s32 $0x1B8E;
	s24 =	sld [smem:$0x3FFE];
	[sflag:s23] =	ssyncadd.s32 $0xFFFFFFFF  }
0xa5: {  	s26 =	simm.s32 $execute0_lowered;
	[smem:$0x3FD2] =	sst s25  }
0xa6: {  	s4 =	sshll.u32 s26, $0x1;
	_ =	strace $0x80000046;
	[dreg:$0x1] =	wrdreg $0xFFFFFFFF  }
0xa7: {  	s28 =	simm.s32 $_size_execute0_lowered;
	s2 =	sadd.s32 s2, s4;
	[dreg:$0x0] =	wrdreg $0x0  }
0xa8: {  	s4 =	sshll.u32 s28, $0x1;
	[dreg:$0x2] =	wrdreg s2  }
0xa9: {  	[dreg:$0x3] =	wrdreg s4  }
0xaa: {  	[dreg:$0x4] =	wrdreg $0xC0  }
0xab: {  	_ =	task [dreg:s6], $0x5FFFF  }
0xac: {  	[dreg:$0x1] =	wrdreg $0xFFFFFFFF  }
0xad: {  	[dreg:$0x0] =	wrdreg $0x60  }
0xae: {  	[dreg:$0x2] =	wrdreg s24  }
0xaf: {  	[dreg:$0x3] =	wrdreg $0x9  }
0xb0: {  	_ =	task.clear_ibuf [dreg:s6], $0x4FFFF;
	_ =	strace $0x90000046  }
0xb1: {  	s29 =	simm.s32 $0x9;
	_ =	strace $0x80000048  }
0xb2: {  	_ =	swait.ge [sflag:s29], $0x1  }
0xb3: {  	[sflag:s29] =	ssyncadd.s32 $0xFFFFFFFF  }
0xb4: {  	_ =	strace $0x90000048  }
0xb5: {  	_ =	sfence  }
0xb6: {  	s30 =	sld [smem:$0x0];
	_ =	sdelay $0x2  }
0xb7: {  	s31 =	sshll.u32 s1, $0xD;
	s1 =	sshrl.u32 s1, $0x2  }
0xb8: {  	s3 =	sand.u32 $0x4000, s31;
	s1 =	sadd.s32 s1, s30  }
0xb9: {  	s0 =	sor.u32 s3, s0;
	s1 =	sshll.u32 s1, $0x11  }
0xba: {  	s0 =	sor.u32 s1, s0  }
0xbb: {  	s0 =	sadd.s32 $0x8F2B, s0  }
0xbc: {  	[sflag:s0] =	ssyncadd.remote.s32 $0x1  }
0xbd: {  	_ =	sfence.sel $0xFFFF  }
0xbe: {  	[dreg:$0x0] =	wrdreg $0xFFFFFFFF;
	(pc) =	sbr.abs _section_cstart, $3  }
0xbf: {  	[dreg:$0x1] =	wrdreg $0xFFFFFFFF  }
0xc0: {  	_ =	task.clear_ibuf [dreg:s6], $0x2FFFF;
	_ =	strace $0x9FFFFFFF  }
0xc1: {  	(tm) =	ssettm $0x7FFFFFFF  }
tec
execute0_lowered:
.L_overlay_start_1:
0x0: {  	(tag) =	ssettag $0x1  }
0x1: {  	s1 =	srdreg.scid  }
0x2: {  	s0 =	stileid.u32;
	s4 =	rddreg [dreg:$0x0]  }
0x3: {  	s2 =	simm.s32 $0x0;
	s12 =	simm.s32 $0x6300;
	s13 =	simm.s32 $0x0  }
0x4: {  	s5 =	sand.u32 $0x1, s1;
	s3 =	sshll.u32 s0, $0x1;
	s1 =	rddreg [dreg:$0x1]  }
0x5: {  	[smem:$0x7FF] =	sst s2;
	s10 =	smul.u32 $0x55C00, s0;
	s11 =	sadd.s32 $0x25B600, s4  }
0x6: {  	s6 =	sor.u32 s5, s3;
	_ =	strace $0x80000047;
	s30 =	smul.u32 $0x2AE00, s5  }
0x7: {  	s3 =	sadd.s32 $0xD3600, s4;
	s8 =	ssub.s32 $0x2, s5;
	s7 =	smul.u32 $0x2AE0, s6  }
0x8: {  	s6 =	smul.u32 $0x2AE00, s6;
	s9 =	sshrl.u32 s8, $0x1;
	s31 =	sadd.s32 s10, s11  }
0x9: {  	s10 =	simm.s32 $0x70;
	s8 =	ssub.s32 s8, s9;
	s9 =	simm.s32 $0x2B00  }
0xa: {  	s7 =	sshrl.u32 s7, $0x3;
	s6 =	sadd.s32 s11, s6;
	s5 =	smax.u32 s8, $0x1  }
0xb: {  	s8 =	simm.s32 $0x3;
	s11 =	simm.s32 $0x2;
	s7 =	sadd.s32 s7, s4  }
0xc: {  	s6 =	sadd.s32 $0x2A700, s6;
	s4 =	sadd.s32 $0x4A00, s7;
	s7 =	sadd.s32 s30, s31  }
.LBB2_1:
0xd: {  	[tilespmem:s2], [sflag:$0x3] =	stream.linear.gather [hbm4b:s4+s2], $0x2AE0, $0x38;
	[tilespmem:$0x9B00] =	vst v63  }
0xe: {  	s14 =	simm.s32 $0x1;
	_ =	swait.ge [sflag:s8], $0x2AE0  }
0xf: {  	s16 =	simm.s32 $0x0;
	s14 =	sand.u32 $0x1, s14;
	[sflag:s8] =	ssyncset.done $0x0  }
0x10: {  	s17 =	simm.s32 $0x2;
	s15 =	smul.u32 $0xE000, s14;
	[sflag:s8] =	ssyncadd.s32 $0xFFFFD520  }
0x11: {  	[tilespmem:s9], [sflag:$0x1] =	stream.indirect.gather [hbm4b:s3+s10], $0x80, s2, s10, $0xb8;
	[tilespmem:$0x9B00] =	vst v63  }
0x12: {  	s16 =	sand.u32 $0x1, s16;
	s14 =	sadd.s32 $0x1, s14;
	s15 =	sshrl.u32 s15, $0x2  }
0x13: {  	s18 =	sadd.s32 $0x1, s16;
	s16 =	smul.u32 $0xE000, s16;
	s15 =	sadd.s32 $0x2B00, s15  }
0x14: {  	[tilespmem:s15], [sflag:s14] =	stream.indirect.gather [hbm4b:s3+s10], $0x80, s10, s10, $0xb8;
	[tilespmem:$0x9B00] =	vst v63  }
0x15: {  	s31 =	sshrl.u32 s16, $0x2;
	s16 =	sand.u32 $0x1, s17;
	_ =	swait.ge [sflag:s18], $0x3800  }
0x16: {  	s19 =	smul.u32 $0xE000, s16;
	[sflag:s18] =	ssyncset.done $0x0  }
0x17: {  	s14 =	sadd.s32 $0x2B00, s31;
	s15 =	simm.s32 $0x70;
	[sflag:s18] =	ssyncadd.s32 $0xFFFFC800  }
0x18: {  	[hbm4b:s7+s2] =	stream.linear.scatter [tilespmem:s14], [sflag:$0x3], $0x3800, $0x38;
	[tilespmem:$0x9B00] =	vst v63  }
0x19: {  	s18 =	simm.s32 $0x3;
	s14 =	sadd.s32 $0x700, s7;
	_ =	swait.ge [sflag:s8], $0x3800  }
.LBB2_2:
0x1a: {  	[sflag:s8] =	ssyncset.done $0x0  }
0x1b: {  	s15 =	sadd.s32 $0x70, s15;
	s20 =	smov.u32 s18;
	s21 =	sadd.s32 $0x1, s18  }
0x1c: {  	s17 =	sadd.s32 $0xFFFFFFFF, s17;
	s19 =	sshrl.u32 s19, $0x2;
	[sflag:s8] =	ssyncadd.s32 $0xFFFFC800  }
0x1d: {  	s16 =	sadd.s32 $0x1, s16;
	s17 =	sand.u32 $0x1, s17;
	s19 =	sadd.s32 $0x2B00, s19  }
0x1e: {  	p0 =	sne.s32 s18, $0x61;
	s18 =	sadd.s32 $0x1, s17;
	s17 =	smul.u32 $0xE000, s17  }
0x1f: {  	[tilespmem:s19], [sflag:s16] =	stream.indirect.gather [hbm4b:s3+s10], $0x80, s15, s10, $0xb8;
	[tilespmem:$0x9B00] =	vst v63  }
.Ltmp0:
0x20: {  	s16 =	sshrl.u32 s17, $0x2;
	_ =	swait.ge [sflag:s18], $0x3800;
	(pc) =	sbr.rel @p0 .LBB2_2-.Ltmp0, $4  }
0x21: {  	s17 =	smov.u32 s20;
	s19 =	sadd.s32 $0x2B00, s16;
	[sflag:s18] =	ssyncset.done $0x0  }
0x22: {  	s16 =	sand.u32 $0x1, s17;
	[sflag:s18] =	ssyncadd.s32 $0xFFFFC800;
	s18 =	smov.u32 s21  }
0x23: {  	[hbm4b:s14+s2] =	stream.linear.scatter [tilespmem:s19], [sflag:$0x3], $0x3800, $0x38;
	[tilespmem:$0x9B00] =	vst v63  }
0x24: {  	s19 =	smul.u32 $0xE000, s16;
	s14 =	sadd.s32 $0x700, s14;
	_ =	swait.ge [sflag:s8], $0x3800  }
0x25: {  	[sflag:s8] =	ssyncset.done $0x0  }
0x26: {  	s15 =	sadd.s32 $0x70, s15;
	s17 =	sadd.s32 $0xFFFFFFFF, s17;
	s16 =	sadd.s32 $0x1, s16  }
0x27: {  	s18 =	sshrl.u32 s19, $0x2;
	[sflag:s8] =	ssyncadd.s32 $0xFFFFC800;
	s17 =	sand.u32 $0x1, s17  }
0x28: {  	s18 =	sadd.s32 $0x2B00, s18;
	s30 =	sadd.s32 $0x1, s17;
	s17 =	smul.u32 $0xE000, s17  }
0x29: {  	[tilespmem:s18], [sflag:s16] =	stream.indirect.gather [hbm4b:s3+s10], $0x80, s15, s10, $0xb8;
	[tilespmem:$0x9B00] =	vst v63  }
0x2a: {  	_ =	swait.ge [sflag:s30], $0x3800  }
0x2b: {  	s31 =	sshrl.u32 s17, $0x2;
	[sflag:s30] =	ssyncset.done $0x0  }
0x2c: {  	s15 =	sadd.s32 $0x2B00, s31;
	[sflag:s30] =	ssyncadd.s32 $0xFFFFC800  }
0x2d: {  	[hbm4b:s14+s2] =	stream.linear.scatter [tilespmem:s15], [sflag:$0x3], $0x3800, $0x38;
	[tilespmem:$0x9B00] =	vst v63  }
0x2e: {  	_ =	swait.ge [sflag:s8], $0x3800  }
0x2f: {  	[sflag:s8] =	ssyncset.done $0x0  }
0x30: {  	[sflag:s8] =	ssyncadd.s32 $0xFFFFC800  }
0x31: {  	s13 =	sadd.s32 $0x1, s13;
	_ =	swait.ge [sflag:s11], $0x3800  }
0x32: {  	p0 =	sne.s32 s13, s5;
	[sflag:s11] =	ssyncset.done $0x0  }
.Ltmp1:
0x33: {  	[sflag:s11] =	ssyncadd.s32 $0xFFFFC800;
	(pc) =	sbr.rel @p0 .LBB2_1-.Ltmp1, $4  }
0x34: {  	[hbm4b:s6+s2] =	stream.linear.scatter [tilespmem:s12], [sflag:$0x3], $0x3800, $0x38;
	[tilespmem:$0x9B00] =	vst v63  }
0x35: {  	_ =	swait.ge [sflag:s8], $0x3800  }
0x36: {  	[sflag:s8] =	ssyncset.done $0x0  }
0x37: {  	[sflag:s8] =	ssyncadd.s32 $0xFFFFC800  }
0x38: {  	_ =	sfence.sel $0x180000  }
0x39: {  	[bflag:$0x0] =	sbarrier.arrive $0xFFFF  }
0x3a: {  	p0 =	sne.s32 s0, $0x0;
	_ =	strace $0x90000047  }
0x3b: {  	s0 =	sadd.s32 @!p0 $0x100000, s1;
	[bflag:$0x2] =	sbarrier.arrive $0xFFFF  }
0x3c: {  	[sflag:s0] =	ssyncadd.tile.s32 @!p0 $0x1;
	_ =	shalt  }
.Lfunc_end2:
_tile_overlayer_lowered:
.L_overlay_start_2:
0x3d: {  	(tag) =	ssettag $0x2  }
0x3e: {  	s0 =	rddreg [dreg:$0x0];
	s2 =	stileid.u32  }
0x3f: {  	s1 =	rddreg [dreg:$0x1];
	p0 =	sne.s32 s2, $0x0  }
0x40: {  	s3 =	rddreg [dreg:$0x2];
	[bflag:$0x3] =	sbarrier.arrive $0xFFFF;
	s2 =	simm.s32 @!p0 $0x1C03  }
0x41: {  	[timem:s3], [sflag:s2] =	dma.local @!p0 [hbm:s0], s1  }
0x42: {  	s0 =	simm.s32 @!p0 $0x3  }
0x43: {  	_ =	swait.ge @!p0 [sflag:s0], s1  }
0x44: {  	s1 =	ssub.s32 @!p0 $0x0, s1;
	[sflag:s0] =	ssyncset.done @!p0 $0x0  }
0x45: {  	[sflag:s0] =	ssyncadd.s32 @!p0 s1  }
0x46: {  	[bflag:$0x3] =	sbarrier.arrive $0xFFFF  }
0x47: {  	_ =	shalt  }

// kernel: kernel.13.cloned.1.call-start
scs
__scs_entry_jumppad:
0x0: {  	(pc) =	sbr.rel $0x88, $3  }
0x1: {  	(tag) =	ssettag $0x0;
	lr =	simm.s32 $0x1  }
0x2: {  	[smem:$0x3F96] =	sst lr;
	_ =	strace $0xD0000000  }
0x3: {  	_ = 	snop  }
0x4: {  	_ = 	snop  }
0x5: {  	_ = 	snop  }
0x6: {  	_ = 	snop  }
0x7: {  	_ = 	snop  }
__scs_overlays_trampoline_lowered:
0x8: {  	[smem:$0x3FA5] =	sst s0  }
0x9: {  	[smem:$0x3FA6] =	sst s1  }
0xa: {  	[smem:$0x3FA7] =	sst s2  }
0xb: {  	[smem:$0x3FA8] =	sst s3  }
0xc: {  	[smem:$0x3FA9] =	sst s4  }
0xd: {  	[smem:$0x3FAA] =	sst s5  }
0xe: {  	[smem:$0x3FAB] =	sst s6  }
0xf: {  	[smem:$0x3FAC] =	sst s7  }
0x10: {  	[smem:$0x3FAD] =	sst s8  }
0x11: {  	[smem:$0x3FAE] =	sst s9;
	s0 =	simm.s32 @!p0 $0x0  }
0x12: {  	s1 =	sld [smem:$0x3F94];
	s0 =	simm.s32 @p0 $0x1  }
0x13: {  	[smem:$0x3FAF] =	sst s0;
	s0 =	simm.s32 @!p1 $0x0  }
0x14: {  	s2 =	sld [smem:$0x3F93];
	s0 =	simm.s32 @p1 $0x1  }
0x15: {  	[smem:$0x3FB0] =	sst s0;
	s0 =	simm.s32 @!p2 $0x0  }
0x16: {  	s3 =	sld [smem:$0x3FDB];
	s0 =	simm.s32 @p2 $0x1  }
0x17: {  	s4 =	simm.s32 $0x1BF5;
	[smem:$0x3FB2] =	sst s0  }
0x18: {  	s0 =	sld [smem:$0x3F95];
	_ =	swait.ge [sflag:s4], $0x0  }
0x19: {  	s7 =	sld [smem:$0x3F96]  }
0x1a: {  	s8 =	sadd.s32 $0xFFFFE003, lr  }
0x1b: {  	s9 =	sadd.s32 $0xFFFFFEF7, lr;
	s5 =	simm.s32 $0xFFFFFFFF;
	p2 =	slt.u32 s8, $0xFFFFF086  }
0x1c: {  	p1 =	slt.u32 s9, $0xF7A;
	s5 =	simm.s32 @!p2 $0x0  }
0x1d: {  	s5 =	simm.s32 @p1 $0x1;
	p0 =	seq.s32 s7, s2  }
0x1e: {  	s7 =	smul.u32 @!p0 $0xF7A, s2;
	p2 =	seq.s32 @!p0 s5, $0x0  }
0x1f: {  	s9 =	smul.u32 $0xF7A, s1;
	s8 =	simm.s32 @!p0 $0x1BF5;
	p2 =	por !p2, p0  }
0x20: {  	[sflag:s8] =	ssyncset.s32 @!p0 $0xFFFFF086;
	s6 =	sadd.s32 @!p0 s3, s7;
	s7 =	simm.s32 @!p0 $0x108  }
0x21: {  	s3 =	sadd.s32 s3, s9;
	s6 =	sadd.s32 @!p0 $0x88, s6;
	s7 =	simm.s32 @p2 $0x1082  }
0x22: {  	[simem:s7], [sflag:s8] =	dma.local @!p0 [hbm:s6], $0xF7A  }
0x23: {  	s9 =	sor.u32 $0xD0000000, s2;
	s6 =	simm.s32 $0x108;
	_ =	swait.ge @!p0 [sflag:s8], $0x0  }
0x24: {  	s3 =	sadd.s32 $0x88, s3;
	s6 =	simm.s32 @!p1 $0x1082;
	[sflag:s4] =	ssyncset.s32 $0xFFFFF086  }
0x25: {  	[simem:s6], [sflag:s4] =	dma.local [hbm:s3], $0xF7A  }
0x26: {  	[smem:$0x3F96] =	sst s1;
	(tag) =	ssettag s2;
	_ =	strace s9  }
0x27: {  	s1 =	sld [smem:$0x3FA6]  }
0x28: {  	s2 =	sld [smem:$0x3FA7]  }
0x29: {  	s4 =	sld [smem:$0x3FA9]  }
0x2a: {  	p0 =	seq.s32 s5, $0x0;
	s5 =	sld [smem:$0x3FAA]  }
0x2b: {  	s6 =	sld [smem:$0x3FAB]  }
0x2c: {  	s7 =	sld [smem:$0x3FAC]  }
0x2d: {  	s3 =	simm.s32 $0x108;
	s8 =	sld [smem:$0x3FAD]  }
0x2e: {  	s3 =	simm.s32 @!p0 $0x1082;
	s9 =	sld [smem:$0x3FAE]  }
0x2f: {  	lr =	sadd.s32 s0, s3;
	s0 =	sld [smem:$0x3FA5]  }
0x30: {  	s3 =	sld [smem:$0x3FA8]  }
0x31: {  	[smem:$0x3FB1] =	sst s10  }
0x32: {  	s10 =	sld [smem:$0x3FAF];
	_ =	sdelay $0x3  }
0x33: {  	p0 =	seq.s32 s10, $0x1;
	s10 =	sld [smem:$0x3FB1];
	_ =	sdelay $0x3  }
0x34: {  	[smem:$0x3FB1] =	sst s10  }
0x35: {  	s10 =	sld [smem:$0x3FB0];
	_ =	sdelay $0x3  }
0x36: {  	p1 =	seq.s32 s10, $0x1;
	s10 =	sld [smem:$0x3FB1];
	_ =	sdelay $0x3  }
0x37: {  	[smem:$0x3FB1] =	sst s10  }
0x38: {  	s10 =	sld [smem:$0x3FB2]  }
0x39: {  	_ = 	snop;
	(pc) =	sbr.ind lr, $3  }
0x3a: {  	_ = 	snop  }
0x3b: {  	_ = 	snop  }
0x3c: {  	p2 =	seq.s32 s10, $0x1;
	s10 =	sld [smem:$0x3FB1]  }
0x3d: {  	_ =	shalt  }
0x3e: {  	_ =	shalt  }
0x3f: {  	_ =	shalt  }
0x40: {  	_ =	shalt  }
0x41: {  	_ =	shalt  }
0x42: {  	_ =	shalt  }
0x43: {  	_ =	shalt  }
0x44: {  	_ =	shalt  }
0x45: {  	_ =	shalt  }
0x46: {  	_ =	shalt  }
0x47: {  	_ =	shalt  }
0x48: {  	_ =	shalt  }
0x49: {  	_ =	shalt  }
0x4a: {  	_ =	shalt  }
0x4b: {  	_ =	shalt  }
0x4c: {  	_ =	shalt  }
0x4d: {  	_ =	shalt  }
0x4e: {  	_ =	shalt  }
0x4f: {  	_ =	shalt  }
0x50: {  	_ =	shalt  }
0x51: {  	_ =	shalt  }
0x52: {  	_ =	shalt  }
0x53: {  	_ =	shalt  }
0x54: {  	_ =	shalt  }
0x55: {  	_ =	shalt  }
0x56: {  	_ =	shalt  }
0x57: {  	_ =	shalt  }
0x58: {  	_ =	shalt  }
0x59: {  	_ =	shalt  }
0x5a: {  	_ =	shalt  }
0x5b: {  	_ =	shalt  }
0x5c: {  	_ =	shalt  }
0x5d: {  	_ =	shalt  }
0x5e: {  	_ =	shalt  }
0x5f: {  	_ =	shalt  }
0x60: {  	_ =	shalt  }
0x61: {  	_ =	shalt  }
0x62: {  	_ =	shalt  }
0x63: {  	_ =	shalt  }
0x64: {  	_ =	shalt  }
0x65: {  	_ =	shalt  }
0x66: {  	_ =	shalt  }
0x67: {  	_ =	shalt  }
0x68: {  	_ =	shalt  }
0x69: {  	_ =	shalt  }
0x6a: {  	_ =	shalt  }
0x6b: {  	_ =	shalt  }
0x6c: {  	_ =	shalt  }
0x6d: {  	_ =	shalt  }
0x6e: {  	_ =	shalt  }
0x6f: {  	_ =	shalt  }
0x70: {  	_ =	shalt  }
0x71: {  	_ =	shalt  }
0x72: {  	_ =	shalt  }
0x73: {  	_ =	shalt  }
0x74: {  	_ =	shalt  }
0x75: {  	_ =	shalt  }
0x76: {  	_ =	shalt  }
0x77: {  	_ =	shalt  }
0x78: {  	_ =	shalt  }
0x79: {  	_ =	shalt  }
0x7a: {  	_ =	shalt  }
0x7b: {  	_ =	shalt  }
0x7c: {  	_ =	shalt  }
0x7d: {  	_ =	shalt  }
0x7e: {  	_ =	shalt  }
0x7f: {  	_ =	shalt  }
0x80: {  	_ =	shalt  }
0x81: {  	_ =	shalt  }
0x82: {  	_ =	shalt  }
0x83: {  	_ =	shalt  }
0x84: {  	_ =	shalt  }
0x85: {  	_ =	shalt  }
0x86: {  	_ =	shalt  }
0x87: {  	_ =	shalt  }
.Lfunc_end0:
.L_simem_size_0:
called_computation.1_lowered:
.L_overlay_start_0:
0x88: {  	s2 =	sld [smem:$0x3FD9]  }
0x89: {  	s3 =	sld [smem:$0x3FFE];
	_ =	sdelay $0x1  }
0x8a: {  	s1 =	srdreg.scid  }
0x8b: {  	s0 =	sand.u32 $0x1, s1  }
0x8c: {  	s16 =	sshll.u32 s0, $0xA;
	s2 =	sadd.s32 s3, s2  }
0x8d: {  	s2 =	sadd.s32 s2, s16  }
0x8e: {  	[smem:$0x3FBD] =	sst s2  }
0x8f: {  	_ = 	snop  }
0x90: {  	(tm) =	ssettm $0x1  }
0x91: {  	s17 =	sld [smem:$0x3FFB];
	_ =	sdelay $0x3  }
0x92: {  	_ =	strace s17  }
0x93: {  	s2 =	sld [smem:$0x3FFC];
	_ =	sdelay $0x3  }
0x94: {  	_ =	strace s2  }
0x95: {  	s2 =	sld [smem:$0x3FFD];
	_ =	sdelay $0x3  }
0x96: {  	_ =	strace s2  }
0x97: {  	_ =	strace $0x8FFFFFFF  }
0x98: {  	s18 =	sld [smem:$0x3FDB];
	_ =	sdelay $0x1  }
0x99: {  	s19 =	simm.s32 $_scs_section_size  }
0x9a: {  	s4 =	simm.s32 $_size__tile_overlayer_lowered;
	s5 =	simm.s32 $_tile_overlayer_lowered  }
0x9b: {  	s22 =	simm.s32 $0x1BFF;
	s21 =	sshll.u32 s5, $0x1;
	s2 =	sadd.s32 s19, s18  }
0x9c: {  	s6 =	simm.s32 $0x0;
	s20 =	sshll.u32 s4, $0x1;
	s4 =	sadd.s32 s21, s2  }
0x9d: {  	[timem:s6], [sflag:s22] =	dma.local [hbm:s4], s20  }
0x9e: {  	_ =	swait.ge [sflag:s22], s20  }
0x9f: {  	s3 =	ssub.s32 $0x0, s20;
	[sflag:s22] =	ssyncset.done $0x0  }
0xa0: {  	[sflag:s22] =	ssyncadd.s32 s3;
	_ =	sdelay $0x1  }
0xa1: {  	s23 =	simm.s32 $0x1B8B  }
0xa2: {  	_ =	swait.ge [sflag:s23], $0x1  }
0xa3: {  	[sflag:s23] =	ssyncset.done $0x0  }
0xa4: {  	s25 =	simm.s32 $0x1B8E;
	s24 =	sld [smem:$0x3FFE];
	[sflag:s23] =	ssyncadd.s32 $0xFFFFFFFF  }
0xa5: {  	s26 =	simm.s32 $execute0_lowered;
	[smem:$0x3FD2] =	sst s25  }
0xa6: {  	s4 =	sshll.u32 s26, $0x1;
	_ =	strace $0x80000049;
	[dreg:$0x1] =	wrdreg $0xFFFFFFFF  }
0xa7: {  	s28 =	simm.s32 $_size_execute0_lowered;
	s2 =	sadd.s32 s2, s4;
	[dreg:$0x0] =	wrdreg $0x0  }
0xa8: {  	s4 =	sshll.u32 s28, $0x1;
	[dreg:$0x2] =	wrdreg s2  }
0xa9: {  	[dreg:$0x3] =	wrdreg s4  }
0xaa: {  	[dreg:$0x4] =	wrdreg $0xC0  }
0xab: {  	_ =	task [dreg:s6], $0x5FFFF  }
0xac: {  	[dreg:$0x1] =	wrdreg $0xFFFFFFFF  }
0xad: {  	[dreg:$0x0] =	wrdreg $0x60  }
0xae: {  	[dreg:$0x2] =	wrdreg s24  }
0xaf: {  	[dreg:$0x3] =	wrdreg $0x9  }
0xb0: {  	_ =	task.clear_ibuf [dreg:s6], $0x4FFFF;
	_ =	strace $0x90000049  }
0xb1: {  	s29 =	simm.s32 $0x9;
	_ =	strace $0x8000004B  }
0xb2: {  	_ =	swait.ge [sflag:s29], $0x1  }
0xb3: {  	[sflag:s29] =	ssyncadd.s32 $0xFFFFFFFF  }
0xb4: {  	_ =	strace $0x9000004B  }
0xb5: {  	_ =	sfence  }
0xb6: {  	s30 =	sld [smem:$0x0];
	_ =	sdelay $0x2  }
0xb7: {  	s31 =	sshll.u32 s1, $0xD;
	s1 =	sshrl.u32 s1, $0x2  }
0xb8: {  	s3 =	sand.u32 $0x4000, s31;
	s1 =	sadd.s32 s1, s30  }
0xb9: {  	s0 =	sor.u32 s3, s0;
	s1 =	sshll.u32 s1, $0x11  }
0xba: {  	s0 =	sor.u32 s1, s0  }
0xbb: {  	s0 =	sadd.s32 $0x8F2B, s0  }
0xbc: {  	[sflag:s0] =	ssyncadd.remote.s32 $0x1  }
0xbd: {  	_ =	sfence.sel $0xFFFF  }
0xbe: {  	[dreg:$0x0] =	wrdreg $0xFFFFFFFF;
	(pc) =	sbr.abs _section_cstart, $3  }
0xbf: {  	[dreg:$0x1] =	wrdreg $0xFFFFFFFF  }
0xc0: {  	_ =	task.clear_ibuf [dreg:s6], $0x2FFFF;
	_ =	strace $0x9FFFFFFF  }
0xc1: {  	(tm) =	ssettm $0x7FFFFFFF  }
tec
execute0_lowered:
.L_overlay_start_1:
0x0: {  	(tag) =	ssettag $0x1  }
0x1: {  	s1 =	srdreg.scid  }
0x2: {  	s0 =	stileid.u32;
	s4 =	rddreg [dreg:$0x0]  }
0x3: {  	s2 =	simm.s32 $0x0;
	s12 =	simm.s32 $0x6300;
	s13 =	simm.s32 $0x0  }
0x4: {  	s5 =	sand.u32 $0x1, s1;
	s3 =	sshll.u32 s0, $0x1;
	s1 =	rddreg [dreg:$0x1]  }
0x5: {  	[smem:$0x7FF] =	sst s2;
	s10 =	smul.u32 $0x55C00, s0;
	s11 =	sadd.s32 $0x25B600, s4  }
0x6: {  	s6 =	sor.u32 s5, s3;
	_ =	strace $0x8000004A;
	s30 =	smul.u32 $0x2AE00, s5  }
0x7: {  	s3 =	sadd.s32 $0xD3600, s4;
	s8 =	ssub.s32 $0x2, s5;
	s7 =	smul.u32 $0x2AE0, s6  }
0x8: {  	s6 =	smul.u32 $0x2AE00, s6;
	s9 =	sshrl.u32 s8, $0x1;
	s31 =	sadd.s32 s10, s11  }
0x9: {  	s10 =	simm.s32 $0x70;
	s8 =	ssub.s32 s8, s9;
	s9 =	simm.s32 $0x2B00  }
0xa: {  	s7 =	sshrl.u32 s7, $0x3;
	s6 =	sadd.s32 s11, s6;
	s5 =	smax.u32 s8, $0x1  }
0xb: {  	s8 =	simm.s32 $0x3;
	s11 =	simm.s32 $0x2;
	s7 =	sadd.s32 s7, s4  }
0xc: {  	s6 =	sadd.s32 $0x2A700, s6;
	s4 =	sadd.s32 $0x4A00, s7;
	s7 =	sadd.s32 s30, s31  }
.LBB2_1:
0xd: {  	[tilespmem:s2], [sflag:$0x3] =	stream.linear.gather [hbm4b:s4+s2], $0x2AE0, $0x38;
	[tilespmem:$0x9B00] =	vst v63  }
0xe: {  	s14 =	simm.s32 $0x1;
	_ =	swait.ge [sflag:s8], $0x2AE0  }
0xf: {  	s16 =	simm.s32 $0x0;
	s14 =	sand.u32 $0x1, s14;
	[sflag:s8] =	ssyncset.done $0x0  }
0x10: {  	s17 =	simm.s32 $0x2;
	s15 =	smul.u32 $0xE000, s14;
	[sflag:s8] =	ssyncadd.s32 $0xFFFFD520  }
0x11: {  	[tilespmem:s9], [sflag:$0x1] =	stream.indirect.gather [hbm4b:s3+s10], $0x80, s2, s10, $0xb8;
	[tilespmem:$0x9B00] =	vst v63  }
0x12: {  	s16 =	sand.u32 $0x1, s16;
	s14 =	sadd.s32 $0x1, s14;
	s15 =	sshrl.u32 s15, $0x2  }
0x13: {  	s18 =	sadd.s32 $0x1, s16;
	s16 =	smul.u32 $0xE000, s16;
	s15 =	sadd.s32 $0x2B00, s15  }
0x14: {  	[tilespmem:s15], [sflag:s14] =	stream.indirect.gather [hbm4b:s3+s10], $0x80, s10, s10, $0xb8;
	[tilespmem:$0x9B00] =	vst v63  }
0x15: {  	s31 =	sshrl.u32 s16, $0x2;
	s16 =	sand.u32 $0x1, s17;
	_ =	swait.ge [sflag:s18], $0x3800  }
0x16: {  	s19 =	smul.u32 $0xE000, s16;
	[sflag:s18] =	ssyncset.done $0x0  }
0x17: {  	s14 =	sadd.s32 $0x2B00, s31;
	s15 =	simm.s32 $0x70;
	[sflag:s18] =	ssyncadd.s32 $0xFFFFC800  }
0x18: {  	[hbm4b:s7+s2] =	stream.linear.scatter [tilespmem:s14], [sflag:$0x3], $0x3800, $0x38;
	[tilespmem:$0x9B00] =	vst v63  }
0x19: {  	s18 =	simm.s32 $0x3;
	s14 =	sadd.s32 $0x700, s7;
	_ =	swait.ge [sflag:s8], $0x3800  }
.LBB2_2:
0x1a: {  	[sflag:s8] =	ssyncset.done $0x0  }
0x1b: {  	s15 =	sadd.s32 $0x70, s15;
	s20 =	smov.u32 s18;
	s21 =	sadd.s32 $0x1, s18  }
0x1c: {  	s17 =	sadd.s32 $0xFFFFFFFF, s17;
	s19 =	sshrl.u32 s19, $0x2;
	[sflag:s8] =	ssyncadd.s32 $0xFFFFC800  }
0x1d: {  	s16 =	sadd.s32 $0x1, s16;
	s17 =	sand.u32 $0x1, s17;
	s19 =	sadd.s32 $0x2B00, s19  }
0x1e: {  	p0 =	sne.s32 s18, $0x61;
	s18 =	sadd.s32 $0x1, s17;
	s17 =	smul.u32 $0xE000, s17  }
0x1f: {  	[tilespmem:s19], [sflag:s16] =	stream.indirect.gather [hbm4b:s3+s10], $0x80, s15, s10, $0xb8;
	[tilespmem:$0x9B00] =	vst v63  }
.Ltmp0:
0x20: {  	s16 =	sshrl.u32 s17, $0x2;
	_ =	swait.ge [sflag:s18], $0x3800;
	(pc) =	sbr.rel @p0 .LBB2_2-.Ltmp0, $4  }
0x21: {  	s17 =	smov.u32 s20;
	s19 =	sadd.s32 $0x2B00, s16;
	[sflag:s18] =	ssyncset.done $0x0  }
0x22: {  	s16 =	sand.u32 $0x1, s17;
	[sflag:s18] =	ssyncadd.s32 $0xFFFFC800;
	s18 =	smov.u32 s21  }
0x23: {  	[hbm4b:s14+s2] =	stream.linear.scatter [tilespmem:s19], [sflag:$0x3], $0x3800, $0x38;
	[tilespmem:$0x9B00] =	vst v63  }
0x24: {  	s19 =	smul.u32 $0xE000, s16;
	s14 =	sadd.s32 $0x700, s14;
	_ =	swait.ge [sflag:s8], $0x3800  }
0x25: {  	[sflag:s8] =	ssyncset.done $0x0  }
0x26: {  	s15 =	sadd.s32 $0x70, s15;
	s17 =	sadd.s32 $0xFFFFFFFF, s17;
	s16 =	sadd.s32 $0x1, s16  }
0x27: {  	s18 =	sshrl.u32 s19, $0x2;
	[sflag:s8] =	ssyncadd.s32 $0xFFFFC800;
	s17 =	sand.u32 $0x1, s17  }
0x28: {  	s18 =	sadd.s32 $0x2B00, s18;
	s30 =	sadd.s32 $0x1, s17;
	s17 =	smul.u32 $0xE000, s17  }
0x29: {  	[tilespmem:s18], [sflag:s16] =	stream.indirect.gather [hbm4b:s3+s10], $0x80, s15, s10, $0xb8;
	[tilespmem:$0x9B00] =	vst v63  }
0x2a: {  	_ =	swait.ge [sflag:s30], $0x3800  }
0x2b: {  	s31 =	sshrl.u32 s17, $0x2;
	[sflag:s30] =	ssyncset.done $0x0  }
0x2c: {  	s15 =	sadd.s32 $0x2B00, s31;
	[sflag:s30] =	ssyncadd.s32 $0xFFFFC800  }
0x2d: {  	[hbm4b:s14+s2] =	stream.linear.scatter [tilespmem:s15], [sflag:$0x3], $0x3800, $0x38;
	[tilespmem:$0x9B00] =	vst v63  }
0x2e: {  	_ =	swait.ge [sflag:s8], $0x3800  }
0x2f: {  	[sflag:s8] =	ssyncset.done $0x0  }
0x30: {  	[sflag:s8] =	ssyncadd.s32 $0xFFFFC800  }
0x31: {  	s13 =	sadd.s32 $0x1, s13;
	_ =	swait.ge [sflag:s11], $0x3800  }
0x32: {  	p0 =	sne.s32 s13, s5;
	[sflag:s11] =	ssyncset.done $0x0  }
.Ltmp1:
0x33: {  	[sflag:s11] =	ssyncadd.s32 $0xFFFFC800;
	(pc) =	sbr.rel @p0 .LBB2_1-.Ltmp1, $4  }
0x34: {  	[hbm4b:s6+s2] =	stream.linear.scatter [tilespmem:s12], [sflag:$0x3], $0x3800, $0x38;
	[tilespmem:$0x9B00] =	vst v63  }
0x35: {  	_ =	swait.ge [sflag:s8], $0x3800  }
0x36: {  	[sflag:s8] =	ssyncset.done $0x0  }
0x37: {  	[sflag:s8] =	ssyncadd.s32 $0xFFFFC800  }
0x38: {  	_ =	sfence.sel $0x180000  }
0x39: {  	[bflag:$0x0] =	sbarrier.arrive $0xFFFF  }
0x3a: {  	p0 =	sne.s32 s0, $0x0;
	_ =	strace $0x9000004A  }
0x3b: {  	s0 =	sadd.s32 @!p0 $0x100000, s1;
	[bflag:$0x2] =	sbarrier.arrive $0xFFFF  }
0x3c: {  	[sflag:s0] =	ssyncadd.tile.s32 @!p0 $0x1;
	_ =	shalt  }
.Lfunc_end2:
_tile_overlayer_lowered:
.L_overlay_start_2:
0x3d: {  	(tag) =	ssettag $0x2  }
0x3e: {  	s0 =	rddreg [dreg:$0x0];
	s2 =	stileid.u32  }
0x3f: {  	s1 =	rddreg [dreg:$0x1];
	p0 =	sne.s32 s2, $0x0  }
0x40: {  	s3 =	rddreg [dreg:$0x2];
	[bflag:$0x3] =	sbarrier.arrive $0xFFFF;
	s2 =	simm.s32 @!p0 $0x1C03  }
0x41: {  	[timem:s3], [sflag:s2] =	dma.local @!p0 [hbm:s0], s1  }
0x42: {  	s0 =	simm.s32 @!p0 $0x3  }
0x43: {  	_ =	swait.ge @!p0 [sflag:s0], s1  }
0x44: {  	s1 =	ssub.s32 @!p0 $0x0, s1;
	[sflag:s0] =	ssyncset.done @!p0 $0x0  }
0x45: {  	[sflag:s0] =	ssyncadd.s32 @!p0 s1  }
0x46: {  	[bflag:$0x3] =	sbarrier.arrive $0xFFFF  }
0x47: {  	_ =	shalt  }

</sc_bundles>
